<compile_context>
chip_gen: v7x
topology: tpu7x:2x2x1
jax: 0.10.2.dev20260603
libtpu: 0.0.44.dev20260713+nightly
codegen_flags: <defaults>
</compile_context>

<pallas_src>
import functools

import jax
import jax.numpy as jnp
from jax import lax
from jax.experimental import pallas as pl
from jax.experimental.pallas import tpu as pltpu
from jax.experimental.pallas import tpu_sc as plsc

B = 2048
H = 8
D = 128
HD = 128
SUB = 16
ROWS = H * SUB

NC = 2
NS = 16
NW = NC * NS
GPT = B // NW


def _pool_block(buf, stage):
    def hbody(h, carry):
        base0 = SUB * h * D
        for c in range(D // 16):
            cb = 16 * c
            acc = [buf[pl.ds(base0 + r * D + cb, 16)] for r in range(4)]
            mx = list(acc)
            for r in range(4, SUB):
                v = buf[pl.ds(base0 + r * D + cb, 16)]
                acc[r % 4] = acc[r % 4] + v
                mx[r % 4] = jnp.maximum(mx[r % 4], v)
            s = (acc[0] + acc[1]) + (acc[2] + acc[3])
            m = jnp.maximum(jnp.maximum(mx[0], mx[1]),
                            jnp.maximum(mx[2], mx[3]))
            base = h * (3 * D) + 16 * c
            stage[0, pl.ds(base, 16)] = s * (1.0 / SUB)
            stage[0, pl.ds(base + D, 16)] = m
            stage[0, pl.ds(base + 2 * D, 16)] = s
        return carry

    lax.fori_loop(0, H, hbody, 0)


def _sc_gather_pool(emb, batch):
    n = emb.shape[0]
    emb_flat = emb.reshape(-1)
    scan = n // NS
    nvec = scan // 16
    mesh = plsc.VectorSubcoreMesh(
        core_axis_name="c", subcore_axis_name="s",
        num_cores=NC, num_subcores=NS)

    @functools.partial(
        pl.kernel,
        out_type=jax.ShapeDtypeStruct((B, 3 * H * D), jnp.float32),
        mesh=mesh,
        compiler_params=pltpu.CompilerParams(needs_layout_passes=False),
        scratch_types=[
            pltpu.VMEM((16 + scan,), jnp.int32),
            pltpu.VMEM((B,), jnp.int32),
            pltpu.VMEM((NS, B), jnp.int32),
            pltpu.VMEM((B,), jnp.int32),
            pltpu.VMEM((ROWS * D,), jnp.float32),
            pltpu.VMEM((ROWS * D,), jnp.float32),
            pltpu.VMEM((1, 3 * H * D), jnp.float32),
            pltpu.VMEM((1, 3 * H * D), jnp.float32),
            pltpu.VMEM_SHARED((NS, B), jnp.int32),
            pltpu.SemaphoreType.DMA,
            pltpu.SemaphoreType.DMA,
            pltpu.SemaphoreType.DMA,
            pltpu.SemaphoreType.DMA,
        ],
    )
    def k(emb_hbm, batch_hbm, out_hbm, chunk_v, part_v, allp_v, off_v,
          buf0, buf1, st0, st1, spmem, sg0, sg1, so0, so1):
        cid = lax.axis_index("c")
        sid = lax.axis_index("s")
        wid = sid * NC + cid
        iota = lax.iota(jnp.int32, 16)

        cstart = sid * scan
        pltpu.sync_copy(batch_hbm.at[pl.ds(cstart, scan)],
                        chunk_v.at[pl.ds(16, scan)])

        @pl.when(sid == 0)
        def _():
            chunk_v[pl.ds(0, 16)] = jnp.full((16,), -1, jnp.int32)

        @pl.when(sid > 0)
        def _():
            pltpu.sync_copy(batch_hbm.at[pl.ds(cstart - 16, 16)],
                            chunk_v.at[pl.ds(0, 16)])

        def initp(kk, carry):
            part_v[pl.ds(16 * kk, 16)] = jnp.full((16,), n, jnp.int32)
            return carry

        lax.fori_loop(0, B // 16, initp, 0)

        def scan_body(i, carry):
            base = 16 * i
            cur = chunk_v[pl.ds(16 + base, 16)]
            prev = chunk_v[pl.ds(15 + base, 16)]
            pos = jnp.full((16,), cstart + base, jnp.int32) + iota
            plsc.store_scatter(part_v, [cur], pos, mask=cur != prev)
            return carry

        lax.fori_loop(0, nvec, scan_body, 0)

        pltpu.sync_copy(part_v, spmem.at[sid])
        plsc.subcore_barrier()
        pltpu.sync_copy(spmem, allp_v)

        def comb_body(kk, carry):
            col = pl.ds(16 * kk, 16)
            m = allp_v[0, col]
            for s2 in range(1, NS):
                m = jnp.minimum(m, allp_v[s2, col])
            off_v[col] = m
            return carry

        lax.fori_loop(0, B // 16, comb_body, 0)

        def suf_body(k2, carry):
            col = pl.ds(16 * ((B // 16 - 1) - k2), 16)
            v = off_v[col]
            cm = plsc.cummax(lax.rev(-v, (0,)))
            sfx = lax.rev(-cm, (0,))
            out = jnp.minimum(sfx, carry)
            off_v[col] = out
            return jnp.full((16,), 1, jnp.int32) * jnp.min(out)

        lax.fori_loop(0, B // 16, suf_body,
                      jnp.full((16,), n, jnp.int32))

        base_graph = wid * GPT

        def gather_start(b, buf, sem):
            vec = off_v[pl.ds(16 * (b // 16), 16)]
            sval = jnp.sum(jnp.where(iota == b % 16, vec, 0))

            @pl.when(sval <= n - ROWS)
            def _():
                pltpu.make_async_copy(
                    emb_hbm.at[pl.ds(sval * D, ROWS * D)], buf, sem).start()

            @pl.when(sval > n - ROWS)
            def _():
                def rowcopy(r, carry):
                    src = jnp.minimum(sval + r, n - 1) * D
                    pltpu.make_async_copy(
                        emb_hbm.at[pl.ds(src, D)],
                        buf.at[pl.ds(r * D, D)], sem).start()
                    return carry

                lax.fori_loop(0, ROWS, rowcopy, 0)

        def gather_wait(buf, sem):
            pltpu.make_async_copy(
                emb_hbm.at[pl.ds(0, ROWS * D)], buf, sem).wait()

        def out_start(g, st, sem):
            pltpu.make_async_copy(
                st, out_hbm.at[pl.ds(base_graph + g, 1)], sem).start()

        def out_wait(st, sem):
            pltpu.make_async_copy(
                st, out_hbm.at[pl.ds(base_graph, 1)], sem).wait()

        gather_start(base_graph, buf0, sg0)

        def body(i2, carry):
            g = 2 * i2
            gather_start(base_graph + g + 1, buf1, sg1)
            gather_wait(buf0, sg0)

            @pl.when(i2 > 0)
            def _():
                out_wait(st0, so0)

            _pool_block(buf0, st0)
            out_start(g, st0, so0)

            @pl.when(i2 < GPT // 2 - 1)
            def _():
                gather_start(base_graph + g + 2, buf0, sg0)

            gather_wait(buf1, sg1)

            @pl.when(i2 > 0)
            def _():
                out_wait(st1, so1)

            _pool_block(buf1, st1)
            out_start(g + 1, st1, so1)
            return carry

        lax.fori_loop(0, GPT // 2, body, 0)
        out_wait(st0, so0)
        out_wait(st1, so1)

    return k(emb_flat, batch)


def _mlp_body(x_ref, w1_ref, b1_ref, g1_ref, bb1_ref,
              w2_ref, b2_ref, g2_ref, bb2_ref, o_ref):
    x = x_ref[...]
    h1 = jnp.dot(x, w1_ref[0], preferred_element_type=jnp.float32)
    h1 = h1 + b1_ref[0]
    mu = jnp.mean(h1, axis=-1, keepdims=True)
    var = jnp.mean((h1 - mu) ** 2, axis=-1, keepdims=True)
    h1 = (h1 - mu) / jnp.sqrt(var + 1e-5) * g1_ref[...] + bb1_ref[...]
    h1 = jnp.maximum(h1, 0.0)
    o = jnp.dot(h1, w2_ref[0], preferred_element_type=jnp.float32)
    o = o + b2_ref[0]
    mu2 = jnp.mean(o, axis=-1, keepdims=True)
    var2 = jnp.mean((o - mu2) ** 2, axis=-1, keepdims=True)
    o = (o - mu2) / jnp.sqrt(var2 + 1e-5) * g2_ref[...] + bb2_ref[...]
    o_ref[...] = jnp.maximum(o, 0.0)


def _mlp(comb, W1, b1, ln1_g, ln1_b, W2, b2, ln2_g, ln2_b):
    Bblk = 256
    grid = (H, B // Bblk)
    return pl.pallas_call(
        _mlp_body,
        grid=grid,
        in_specs=[
            pl.BlockSpec((Bblk, 3 * D), lambda h, i: (i, h)),
            pl.BlockSpec((1, 3 * D, 2 * HD), lambda h, i: (h, 0, 0)),
            pl.BlockSpec((1, 1, 2 * HD), lambda h, i: (h, 0, 0)),
            pl.BlockSpec((1, 2 * HD), lambda h, i: (0, 0)),
            pl.BlockSpec((1, 2 * HD), lambda h, i: (0, 0)),
            pl.BlockSpec((1, 2 * HD, HD), lambda h, i: (h, 0, 0)),
            pl.BlockSpec((1, 1, HD), lambda h, i: (h, 0, 0)),
            pl.BlockSpec((1, HD), lambda h, i: (0, 0)),
            pl.BlockSpec((1, HD), lambda h, i: (0, 0)),
        ],
        out_specs=pl.BlockSpec((Bblk, HD), lambda h, i: (i, h)),
        out_shape=jax.ShapeDtypeStruct((B, H * HD), jnp.float32),
    )(comb, W1, b1.reshape(H, 1, 2 * HD), ln1_g.reshape(1, -1),
      ln1_b.reshape(1, -1), W2, b2.reshape(H, 1, HD),
      ln2_g.reshape(1, -1), ln2_b.reshape(1, -1))


def kernel(node_embeddings, edge_index, batch, W1, b1, ln1_g, ln1_b,
           W2, b2, ln2_g, ln2_b):
    del edge_index
    comb = _sc_gather_pool(node_embeddings, batch)
    out = _mlp(comb, W1, b1, ln1_g, ln1_b, W2, b2, ln2_g, ln2_b)
    return out.reshape(B, H, HD)

# --- scband reference (transcript-rebuilt; emitter-appended) ---
"""Pipeline reference for scband-fused-multi-head-extractor-89953795047566 (READ-ONLY COPY).

The authoritative reference and input builder live on the scoring server;
editing this copy changes nothing except your own understanding.
"""

import jax, jax.numpy as jnp
import numpy as np

B = 2048
H = 8
D = 128
HD = 128
N_NODES = 524288
SUBSET_PER_HEAD = 16
ALL_SUBSET_NODES = np.arange(H * SUBSET_PER_HEAD, dtype=np.int32)
HEAD_BATCH = np.repeat(np.arange(H, dtype=np.int32), SUBSET_PER_HEAD)


def layer_norm(x, g, b, eps=1e-5):
    mu = jnp.mean(x, axis=-1, keepdims=True)
    var = jnp.mean((x - mu) ** 2, axis=-1, keepdims=True)
    return (x - mu) / jnp.sqrt(var + eps) * g + b


def setup_inputs(seed: int = 0) -> dict:
    key = jax.random.key(seed)
    ks = jax.random.split(key, 8)
    node_embeddings = jax.random.normal(ks[0], (N_NODES, D), dtype=jnp.float32)
    edge_index = jax.random.randint(ks[1], (2, 1024), 0, N_NODES, dtype=jnp.int32)
    batch = jnp.sort(jax.random.randint(ks[2], (N_NODES,), 0, B, dtype=jnp.int32))
    W1 = jax.random.normal(ks[3], (H, 3 * D, 2 * HD), dtype=jnp.float32) / (3 * D) ** 0.5
    b1 = jnp.zeros((H, 2 * HD), dtype=jnp.float32)
    W2 = jax.random.normal(ks[4], (H, 2 * HD, HD), dtype=jnp.float32) / (2 * HD) ** 0.5
    b2 = jnp.zeros((H, HD), dtype=jnp.float32)
    ln1_g = jnp.ones((2 * HD,), dtype=jnp.float32)
    ln1_b = jnp.zeros((2 * HD,), dtype=jnp.float32)
    ln2_g = jnp.ones((HD,), dtype=jnp.float32)
    ln2_b = jnp.zeros((HD,), dtype=jnp.float32)
    return {"node_embeddings": node_embeddings, "edge_index": edge_index, "batch": batch,
            "W1": W1, "b1": b1, "ln1_g": ln1_g, "ln1_b": ln1_b,
            "W2": W2, "b2": b2, "ln2_g": ln2_g, "ln2_b": ln2_b}


def reference(node_embeddings, edge_index, batch, W1, b1, ln1_g, ln1_b, W2, b2, ln2_g, ln2_b):
    asn = jnp.asarray(ALL_SUBSET_NODES)
    hb = jnp.asarray(HEAD_BATCH)
    total_subset = asn.shape[0]
    nodes_per_graph = jnp.bincount(batch, length=B)
    graph_offsets = jnp.concatenate([jnp.zeros((1,), dtype=jnp.int32),
                                     jnp.cumsum(nodes_per_graph)[:-1].astype(jnp.int32)])
    flat_idx = (graph_offsets[:, None] + asn[None, :]).reshape(-1)
    all_emb = node_embeddings[flat_idx]
    graph_batch = jnp.repeat(jnp.arange(B, dtype=jnp.int32), total_subset)
    head_b = jnp.tile(hb, B)
    combined_idx = graph_batch * H + head_b
    num_c = B * H
    sum_emb = jax.ops.segment_sum(all_emb, combined_idx, num_segments=num_c)
    counts = jax.ops.segment_sum(jnp.ones((combined_idx.shape[0],), dtype=all_emb.dtype),
                                 combined_idx, num_segments=num_c)
    mean_emb = sum_emb / jnp.clip(counts, 1, None)[:, None]
    max_emb = jax.ops.segment_max(all_emb, combined_idx, num_segments=num_c)
    mean_emb = mean_emb.reshape(B, H, D)
    max_emb = max_emb.reshape(B, H, D)
    sum_emb = sum_emb.reshape(B, H, D)
    combined = jnp.concatenate([mean_emb, max_emb, sum_emb], axis=-1)
    proj1 = jnp.einsum('bni,nij->bnj', combined, W1) + b1[None, :, :]
    proj1 = layer_norm(proj1, ln1_g, ln1_b)
    proj1 = jax.nn.relu(proj1)
    out = jnp.einsum('bni,nij->bnj', proj1, W2) + b2[None, :, :]
    out = layer_norm(out, ln2_g, ln2_b)
    out = jax.nn.relu(out)
    return out

if __name__ == "__main__":
    import jax
    _d = setup_inputs()
    print(jax.jit(kernel)(*tuple(_d.values())))

</pallas_src>

<mosaic_0001>
#map = affine_map<(d0, d1) -> (0)>
#map1 = affine_map<(d0, d1) -> (0, 0)>
module attributes {stable_mosaic.version = 14 : i64} {
  func.func @k(%arg0: i32, %arg1: i32, %arg2: memref<67108864xf32, #tpu.memory_space<hbm>>, %arg3: memref<524288xi32, #tpu.memory_space<hbm>>, %arg4: memref<2048x3072xf32, #tpu.memory_space<hbm>>, %arg5: memref<32784xi32, #tpu.memory_space<vmem>>, %arg6: memref<2048xi32, #tpu.memory_space<vmem>>, %arg7: memref<16x2048xi32, #tpu.memory_space<vmem>>, %arg8: memref<2048xi32, #tpu.memory_space<vmem>>, %arg9: memref<16384xf32, #tpu.memory_space<vmem>>, %arg10: memref<16384xf32, #tpu.memory_space<vmem>>, %arg11: memref<1x3072xf32, #tpu.memory_space<vmem>>, %arg12: memref<1x3072xf32, #tpu.memory_space<vmem>>, %arg13: memref<16x2048xi32, #tpu.memory_space<vmem_shared>>, %arg14: memref<!tpu.dma_semaphore, #tpu.memory_space<semaphore_mem>>, %arg15: memref<!tpu.dma_semaphore, #tpu.memory_space<semaphore_mem>>, %arg16: memref<!tpu.dma_semaphore, #tpu.memory_space<semaphore_mem>>, %arg17: memref<!tpu.dma_semaphore, #tpu.memory_space<semaphore_mem>>) attributes {dimension_semantics = [#tpu.dimension_semantics<core_parallel>, #tpu.dimension_semantics<subcore_parallel>], iteration_bounds = array<i64: 2, 16>, scalar_prefetch = 0 : i64, scratch_operands = 13 : i64, tpu.core_type = #tpu.core_type<sc_vector_subcore>, window_params = [{transform_indices = #map}, {transform_indices = #map}, {transform_indices = #map1}]} {
    %mul3A = arith.constant 2 : i32
    %mul3A_0 = arith.muli %arg1, %mul3A : i32
    %add3A = arith.addi %mul3A_0, %arg0 : i32
    %iota3A = tpu.iota {dimensions = array<i32: 0>} : vector<16xi32>
    %mul3A_1 = arith.constant 32768 : i32
    %mul3A_2 = arith.muli %arg1, %mul3A_1 : i32
    "tpu.region"() ({
      %run_scoped3A = tpu.sem_alloc : memref<!tpu.dma_semaphore, #tpu.memory_space<semaphore_mem>>
      %dma_start3A = arith.constant 16 : i32
      %dma_start3A_99 = tpu.memref_slice %arg5[%dma_start3A] : memref<32784xi32, #tpu.memory_space<vmem>> -> memref<32768xi32, #tpu.memory_space<vmem>>
      %dma_start3A_100 = tpu.memref_slice %arg3[%mul3A_2] : memref<524288xi32, #tpu.memory_space<hbm>> -> memref<32768xi32, #tpu.memory_space<hbm>>
      %dma_start3A_101 = arith.constant 16 : i32
      %dma_start3A_102 = tpu.memref_slice %arg5[%dma_start3A_101] : memref<32784xi32, #tpu.memory_space<vmem>> -> memref<32768xi32, #tpu.memory_space<vmem>>
      %dma_start3A_103 = tpu.memref_slice %arg3[%mul3A_2] : memref<524288xi32, #tpu.memory_space<hbm>> -> memref<32768xi32, #tpu.memory_space<hbm>>
      tpu.enqueue_dma source(%dma_start3A_103 : memref<32768xi32, #tpu.memory_space<hbm>>) target(%dma_start3A_102 : memref<32768xi32, #tpu.memory_space<vmem>>) target_semaphore(%run_scoped3A : memref<!tpu.dma_semaphore, #tpu.memory_space<semaphore_mem>>)
      %dma_wait3A_104 = arith.constant 16 : i32
      %dma_wait3A_105 = tpu.memref_slice %arg5[%dma_wait3A_104] : memref<32784xi32, #tpu.memory_space<vmem>> -> memref<32768xi32, #tpu.memory_space<vmem>>
      %dma_wait3A_106 = tpu.memref_slice %arg3[%mul3A_2] : memref<524288xi32, #tpu.memory_space<hbm>> -> memref<32768xi32, #tpu.memory_space<hbm>>
      %dma_wait3A_107 = arith.constant 16 : i32
      %dma_wait3A_108 = tpu.memref_slice %arg5[%dma_wait3A_107] : memref<32784xi32, #tpu.memory_space<vmem>> -> memref<32768xi32, #tpu.memory_space<vmem>>
      %dma_wait3A_109 = tpu.memref_slice %arg3[%mul3A_2] : memref<524288xi32, #tpu.memory_space<hbm>> -> memref<32768xi32, #tpu.memory_space<hbm>>
      tpu.wait_dma2 semaphore(%run_scoped3A : memref<!tpu.dma_semaphore, #tpu.memory_space<semaphore_mem>>) src(%dma_wait3A_109 : memref<32768xi32, #tpu.memory_space<hbm>>) dst(%dma_wait3A_108 : memref<32768xi32, #tpu.memory_space<vmem>>)
      tpu.yield
    }) : () -> ()
    %eq3A = arith.constant 0 : i32
    %eq3A_3 = arith.cmpi eq, %arg1, %eq3A : i32
    %convert_element_type3A = arith.extui %eq3A_3 : i1 to i32
    %cond3A = arith.constant 0 : i32
    %cond3A_4 = arith.cmpi ne, %convert_element_type3A, %cond3A : i32
    scf.if %cond3A_4 {
      %broadcast_in_dim3A_99 = arith.constant -1 : i32
      %broadcast_in_dim3A_100 = vector.broadcast %broadcast_in_dim3A_99 : i32 to vector<16xi32>
      %swap3A = arith.constant 0 : index
      %swap3A_101 = tpu.vector_load %arg5[%swap3A] {strides = array<i32>} : memref<32784xi32, #tpu.memory_space<vmem>>, vector<16xi32>,
      tpu.vector_store %arg5[%swap3A], %broadcast_in_dim3A_100 {strides = array<i32>} : memref<32784xi32, #tpu.memory_space<vmem>>, vector<16xi32>,
    } else {
    }
    %gt3A = arith.constant 0 : i32
    %gt3A_5 = arith.cmpi sgt, %arg1, %gt3A : i32
    %convert_element_type3A_6 = arith.extui %gt3A_5 : i1 to i32
    %cond3A_7 = arith.constant 0 : i32
    %cond3A_8 = arith.cmpi ne, %convert_element_type3A_6, %cond3A_7 : i32
    scf.if %cond3A_8 {
      %sub3A_99 = arith.constant 16 : i32
      %sub3A_100 = arith.subi %mul3A_2, %sub3A_99 : i32
      "tpu.region"() ({
        %run_scoped3A = tpu.sem_alloc : memref<!tpu.dma_semaphore, #tpu.memory_space<semaphore_mem>>
        %dma_start3A = arith.constant 0 : i32
        %dma_start3A_101 = tpu.memref_slice %arg5[%dma_start3A] : memref<32784xi32, #tpu.memory_space<vmem>> -> memref<16xi32, #tpu.memory_space<vmem>>
        %dma_start3A_102 = tpu.memref_slice %arg3[%sub3A_100] : memref<524288xi32, #tpu.memory_space<hbm>> -> memref<16xi32, #tpu.memory_space<hbm>>
        %dma_start3A_103 = arith.constant 0 : i32
        %dma_start3A_104 = tpu.memref_slice %arg5[%dma_start3A_103] : memref<32784xi32, #tpu.memory_space<vmem>> -> memref<16xi32, #tpu.memory_space<vmem>>
        %dma_start3A_105 = tpu.memref_slice %arg3[%sub3A_100] : memref<524288xi32, #tpu.memory_space<hbm>> -> memref<16xi32, #tpu.memory_space<hbm>>
        tpu.enqueue_dma source(%dma_start3A_105 : memref<16xi32, #tpu.memory_space<hbm>>) target(%dma_start3A_104 : memref<16xi32, #tpu.memory_space<vmem>>) target_semaphore(%run_scoped3A : memref<!tpu.dma_semaphore, #tpu.memory_space<semaphore_mem>>)
        %dma_wait3A_106 = arith.constant 0 : i32
        %dma_wait3A_107 = tpu.memref_slice %arg5[%dma_wait3A_106] : memref<32784xi32, #tpu.memory_space<vmem>> -> memref<16xi32, #tpu.memory_space<vmem>>
        %dma_wait3A_108 = tpu.memref_slice %arg3[%sub3A_100] : memref<524288xi32, #tpu.memory_space<hbm>> -> memref<16xi32, #tpu.memory_space<hbm>>
        %dma_wait3A_109 = arith.constant 0 : i32
        %dma_wait3A_110 = tpu.memref_slice %arg5[%dma_wait3A_109] : memref<32784xi32, #tpu.memory_space<vmem>> -> memref<16xi32, #tpu.memory_space<vmem>>
        %dma_wait3A_111 = tpu.memref_slice %arg3[%sub3A_100] : memref<524288xi32, #tpu.memory_space<hbm>> -> memref<16xi32, #tpu.memory_space<hbm>>
        tpu.wait_dma2 semaphore(%run_scoped3A : memref<!tpu.dma_semaphore, #tpu.memory_space<semaphore_mem>>) src(%dma_wait3A_111 : memref<16xi32, #tpu.memory_space<hbm>>) dst(%dma_wait3A_110 : memref<16xi32, #tpu.memory_space<vmem>>)
        tpu.yield
      }) : () -> ()
    } else {
    }
    %scan3A = arith.constant 0 : i32
    %scan3A_9 = arith.constant 0 : i32
    %scan3A_10 = arith.constant 128 : i32
    %scan3A_11 = arith.addi %scan3A_9, %scan3A_10 : i32
    %scan3A_12 = arith.constant 1 : i32
    scf.for %scan3A_99 = %scan3A_9 to %scan3A_11 step %scan3A_12  : i32 {
      %broadcast_in_dim3A_100 = arith.constant 524288 : i32
      %broadcast_in_dim3A_101 = vector.broadcast %broadcast_in_dim3A_100 : i32 to vector<16xi32>
      %mul3A_102 = arith.constant 16 : i32
      %mul3A_103 = arith.muli %mul3A_102, %scan3A_99 : i32
      %swap3A = arith.index_cast %mul3A_103 : i32 to index
      %swap3A_104 = tpu.vector_load %arg6[%swap3A] {strides = array<i32>} : memref<2048xi32, #tpu.memory_space<vmem>>, vector<16xi32>,
      tpu.vector_store %arg6[%swap3A], %broadcast_in_dim3A_101 {strides = array<i32>} : memref<2048xi32, #tpu.memory_space<vmem>>, vector<16xi32>,
    }
    %scan3A_13 = arith.constant 128 : i32
    %scan3A_14 = arith.constant 0 : i32
    %scan3A_15 = arith.constant 0 : i32
    %scan3A_16 = arith.constant 2048 : i32
    %scan3A_17 = arith.addi %scan3A_15, %scan3A_16 : i32
    %scan3A_18 = arith.constant 1 : i32
    scf.for %scan3A_99 = %scan3A_15 to %scan3A_17 step %scan3A_18  : i32 {
      %mul3A_100 = arith.constant 16 : i32
      %mul3A_101 = arith.muli %mul3A_100, %scan3A_99 : i32
      %add3A_102 = arith.constant 16 : i32
      %add3A_103 = arith.addi %add3A_102, %mul3A_101 : i32
      %get3A_104 = arith.index_cast %add3A_103 : i32 to index
      %get3A_105 = tpu.vector_load %arg5[%get3A_104] {strides = array<i32>} : memref<32784xi32, #tpu.memory_space<vmem>>, vector<16xi32>,
      %add3A_106 = arith.constant 15 : i32
      %add3A_107 = arith.addi %add3A_106, %mul3A_101 : i32
      %get3A_108 = arith.index_cast %add3A_107 : i32 to index
      %get3A_109 = tpu.vector_load %arg5[%get3A_108] {strides = array<i32>} : memref<32784xi32, #tpu.memory_space<vmem>>, vector<16xi32>,
      %add3A_110 = arith.addi %mul3A_2, %mul3A_101 : i32
      %broadcast_in_dim3A_111 = vector.broadcast %add3A_110 : i32 to vector<16xi32>
      %add3A_112 = arith.addi %broadcast_in_dim3A_111, %iota3A : vector<16xi32>
      %ne3A_113 = arith.cmpi ne, %get3A_105, %get3A_109 : vector<16xi32>
      tpu.vector_store_idx %arg6[%get3A_105], %add3A_112 masked %ne3A_113 : memref<2048xi32, #tpu.memory_space<vmem>>[vector<16xi32>], vector<16xi32>, vector<16xi1>
    }
    %scan3A_19 = arith.constant 2048 : i32
    "tpu.region"() ({
      %run_scoped3A = tpu.sem_alloc : memref<!tpu.dma_semaphore, #tpu.memory_space<semaphore_mem>>
      %dma_start3A = arith.constant 0 : i32
      %dma_start3A_99 = tpu.memref_slice %arg13[%arg1, %dma_start3A] : memref<16x2048xi32, #tpu.memory_space<vmem_shared>> -> memref<1x2048xi32, #tpu.memory_space<vmem_shared>>
      %dma_start3A_100 = tpu.memref_squeeze %dma_start3A_99 : memref<1x2048xi32, #tpu.memory_space<vmem_shared>> -> memref<2048xi32, #tpu.memory_space<vmem_shared>>
      %dma_start3A_101 = arith.constant 0 : i32
      %dma_start3A_102 = tpu.memref_slice %arg13[%arg1, %dma_start3A_101] : memref<16x2048xi32, #tpu.memory_space<vmem_shared>> -> memref<1x2048xi32, #tpu.memory_space<vmem_shared>>
      %dma_start3A_103 = tpu.memref_squeeze %dma_start3A_102 : memref<1x2048xi32, #tpu.memory_space<vmem_shared>> -> memref<2048xi32, #tpu.memory_space<vmem_shared>>
      tpu.enqueue_dma source(%arg6 : memref<2048xi32, #tpu.memory_space<vmem>>) target(%dma_start3A_103 : memref<2048xi32, #tpu.memory_space<vmem_shared>>) target_semaphore(%run_scoped3A : memref<!tpu.dma_semaphore, #tpu.memory_space<semaphore_mem>>)
      %dma_wait3A_104 = arith.constant 0 : i32
      %dma_wait3A_105 = tpu.memref_slice %arg13[%arg1, %dma_wait3A_104] : memref<16x2048xi32, #tpu.memory_space<vmem_shared>> -> memref<1x2048xi32, #tpu.memory_space<vmem_shared>>
      %dma_wait3A_106 = tpu.memref_squeeze %dma_wait3A_105 : memref<1x2048xi32, #tpu.memory_space<vmem_shared>> -> memref<2048xi32, #tpu.memory_space<vmem_shared>>
      %dma_wait3A_107 = arith.constant 0 : i32
      %dma_wait3A_108 = tpu.memref_slice %arg13[%arg1, %dma_wait3A_107] : memref<16x2048xi32, #tpu.memory_space<vmem_shared>> -> memref<1x2048xi32, #tpu.memory_space<vmem_shared>>
      %dma_wait3A_109 = tpu.memref_squeeze %dma_wait3A_108 : memref<1x2048xi32, #tpu.memory_space<vmem_shared>> -> memref<2048xi32, #tpu.memory_space<vmem_shared>>
      tpu.wait_dma2 semaphore(%run_scoped3A : memref<!tpu.dma_semaphore, #tpu.memory_space<semaphore_mem>>) src(%arg6 : memref<2048xi32, #tpu.memory_space<vmem>>) dst(%dma_wait3A_109 : memref<2048xi32, #tpu.memory_space<vmem_shared>>)
      tpu.yield
    }) : () -> ()
    %barrier3A = arith.constant 0 : index
    tpu.barrier barrier_id(%barrier3A)
    "tpu.region"() ({
      %run_scoped3A = tpu.sem_alloc : memref<!tpu.dma_semaphore, #tpu.memory_space<semaphore_mem>>
      tpu.enqueue_dma source(%arg13 : memref<16x2048xi32, #tpu.memory_space<vmem_shared>>) target(%arg7 : memref<16x2048xi32, #tpu.memory_space<vmem>>) target_semaphore(%run_scoped3A : memref<!tpu.dma_semaphore, #tpu.memory_space<semaphore_mem>>)
      tpu.wait_dma2 semaphore(%run_scoped3A : memref<!tpu.dma_semaphore, #tpu.memory_space<semaphore_mem>>) src(%arg13 : memref<16x2048xi32, #tpu.memory_space<vmem_shared>>) dst(%arg7 : memref<16x2048xi32, #tpu.memory_space<vmem>>)
      tpu.yield
    }) : () -> ()
    %scan3A_20 = arith.constant 0 : i32
    %scan3A_21 = arith.constant 0 : i32
    %scan3A_22 = arith.constant 128 : i32
    %scan3A_23 = arith.addi %scan3A_21, %scan3A_22 : i32
    %scan3A_24 = arith.constant 1 : i32
    scf.for %scan3A_99 = %scan3A_21 to %scan3A_23 step %scan3A_24  : i32 {
      %mul3A_100 = arith.constant 16 : i32
      %mul3A_101 = arith.muli %mul3A_100, %scan3A_99 : i32
      %get3A_102 = arith.constant 0 : i32
      %get3A_103 = arith.index_cast %get3A_102 : i32 to index
      %get3A_104 = arith.index_cast %mul3A_101 : i32 to index
      %get3A_105 = tpu.vector_load %arg7[%get3A_103, %get3A_104] {strides = array<i32>} : memref<16x2048xi32, #tpu.memory_space<vmem>>, vector<16xi32>,
      %get3A_106 = arith.constant 1 : i32
      %get3A_107 = arith.index_cast %get3A_106 : i32 to index
      %get3A_108 = arith.index_cast %mul3A_101 : i32 to index
      %get3A_109 = tpu.vector_load %arg7[%get3A_107, %get3A_108] {strides = array<i32>} : memref<16x2048xi32, #tpu.memory_space<vmem>>, vector<16xi32>,
      %min3A = arith.minsi %get3A_105, %get3A_109 : vector<16xi32>
      %get3A_110 = arith.constant 2 : i32
      %get3A_111 = arith.index_cast %get3A_110 : i32 to index
      %get3A_112 = arith.index_cast %mul3A_101 : i32 to index
      %get3A_113 = tpu.vector_load %arg7[%get3A_111, %get3A_112] {strides = array<i32>} : memref<16x2048xi32, #tpu.memory_space<vmem>>, vector<16xi32>,
      %min3A_114 = arith.minsi %min3A, %get3A_113 : vector<16xi32>
      %get3A_115 = arith.constant 3 : i32
      %get3A_116 = arith.index_cast %get3A_115 : i32 to index
      %get3A_117 = arith.index_cast %mul3A_101 : i32 to index
      %get3A_118 = tpu.vector_load %arg7[%get3A_116, %get3A_117] {strides = array<i32>} : memref<16x2048xi32, #tpu.memory_space<vmem>>, vector<16xi32>,
      %min3A_119 = arith.minsi %min3A_114, %get3A_118 : vector<16xi32>
      %get3A_120 = arith.constant 4 : i32
      %get3A_121 = arith.index_cast %get3A_120 : i32 to index
      %get3A_122 = arith.index_cast %mul3A_101 : i32 to index
      %get3A_123 = tpu.vector_load %arg7[%get3A_121, %get3A_122] {strides = array<i32>} : memref<16x2048xi32, #tpu.memory_space<vmem>>, vector<16xi32>,
      %min3A_124 = arith.minsi %min3A_119, %get3A_123 : vector<16xi32>
      %get3A_125 = arith.constant 5 : i32
      %get3A_126 = arith.index_cast %get3A_125 : i32 to index
      %get3A_127 = arith.index_cast %mul3A_101 : i32 to index
      %get3A_128 = tpu.vector_load %arg7[%get3A_126, %get3A_127] {strides = array<i32>} : memref<16x2048xi32, #tpu.memory_space<vmem>>, vector<16xi32>,
      %min3A_129 = arith.minsi %min3A_124, %get3A_128 : vector<16xi32>
      %get3A_130 = arith.constant 6 : i32
      %get3A_131 = arith.index_cast %get3A_130 : i32 to index
      %get3A_132 = arith.index_cast %mul3A_101 : i32 to index
      %get3A_133 = tpu.vector_load %arg7[%get3A_131, %get3A_132] {strides = array<i32>} : memref<16x2048xi32, #tpu.memory_space<vmem>>, vector<16xi32>,
      %min3A_134 = arith.minsi %min3A_129, %get3A_133 : vector<16xi32>
      %get3A_135 = arith.constant 7 : i32
      %get3A_136 = arith.index_cast %get3A_135 : i32 to index
      %get3A_137 = arith.index_cast %mul3A_101 : i32 to index
      %get3A_138 = tpu.vector_load %arg7[%get3A_136, %get3A_137] {strides = array<i32>} : memref<16x2048xi32, #tpu.memory_space<vmem>>, vector<16xi32>,
      %min3A_139 = arith.minsi %min3A_134, %get3A_138 : vector<16xi32>
      %get3A_140 = arith.constant 8 : i32
      %get3A_141 = arith.index_cast %get3A_140 : i32 to index
      %get3A_142 = arith.index_cast %mul3A_101 : i32 to index
      %get3A_143 = tpu.vector_load %arg7[%get3A_141, %get3A_142] {strides = array<i32>} : memref<16x2048xi32, #tpu.memory_space<vmem>>, vector<16xi32>,
      %min3A_144 = arith.minsi %min3A_139, %get3A_143 : vector<16xi32>
      %get3A_145 = arith.constant 9 : i32
      %get3A_146 = arith.index_cast %get3A_145 : i32 to index
      %get3A_147 = arith.index_cast %mul3A_101 : i32 to index
      %get3A_148 = tpu.vector_load %arg7[%get3A_146, %get3A_147] {strides = array<i32>} : memref<16x2048xi32, #tpu.memory_space<vmem>>, vector<16xi32>,
      %min3A_149 = arith.minsi %min3A_144, %get3A_148 : vector<16xi32>
      %get3A_150 = arith.constant 10 : i32
      %get3A_151 = arith.index_cast %get3A_150 : i32 to index
      %get3A_152 = arith.index_cast %mul3A_101 : i32 to index
      %get3A_153 = tpu.vector_load %arg7[%get3A_151, %get3A_152] {strides = array<i32>} : memref<16x2048xi32, #tpu.memory_space<vmem>>, vector<16xi32>,
      %min3A_154 = arith.minsi %min3A_149, %get3A_153 : vector<16xi32>
      %get3A_155 = arith.constant 11 : i32
      %get3A_156 = arith.index_cast %get3A_155 : i32 to index
      %get3A_157 = arith.index_cast %mul3A_101 : i32 to index
      %get3A_158 = tpu.vector_load %arg7[%get3A_156, %get3A_157] {strides = array<i32>} : memref<16x2048xi32, #tpu.memory_space<vmem>>, vector<16xi32>,
      %min3A_159 = arith.minsi %min3A_154, %get3A_158 : vector<16xi32>
      %get3A_160 = arith.constant 12 : i32
      %get3A_161 = arith.index_cast %get3A_160 : i32 to index
      %get3A_162 = arith.index_cast %mul3A_101 : i32 to index
      %get3A_163 = tpu.vector_load %arg7[%get3A_161, %get3A_162] {strides = array<i32>} : memref<16x2048xi32, #tpu.memory_space<vmem>>, vector<16xi32>,
      %min3A_164 = arith.minsi %min3A_159, %get3A_163 : vector<16xi32>
      %get3A_165 = arith.constant 13 : i32
      %get3A_166 = arith.index_cast %get3A_165 : i32 to index
      %get3A_167 = arith.index_cast %mul3A_101 : i32 to index
      %get3A_168 = tpu.vector_load %arg7[%get3A_166, %get3A_167] {strides = array<i32>} : memref<16x2048xi32, #tpu.memory_space<vmem>>, vector<16xi32>,
      %min3A_169 = arith.minsi %min3A_164, %get3A_168 : vector<16xi32>
      %get3A_170 = arith.constant 14 : i32
      %get3A_171 = arith.index_cast %get3A_170 : i32 to index
      %get3A_172 = arith.index_cast %mul3A_101 : i32 to index
      %get3A_173 = tpu.vector_load %arg7[%get3A_171, %get3A_172] {strides = array<i32>} : memref<16x2048xi32, #tpu.memory_space<vmem>>, vector<16xi32>,
      %min3A_174 = arith.minsi %min3A_169, %get3A_173 : vector<16xi32>
      %get3A_175 = arith.constant 15 : i32
      %get3A_176 = arith.index_cast %get3A_175 : i32 to index
      %get3A_177 = arith.index_cast %mul3A_101 : i32 to index
      %get3A_178 = tpu.vector_load %arg7[%get3A_176, %get3A_177] {strides = array<i32>} : memref<16x2048xi32, #tpu.memory_space<vmem>>, vector<16xi32>,
      %min3A_179 = arith.minsi %min3A_174, %get3A_178 : vector<16xi32>
      %swap3A = arith.index_cast %mul3A_101 : i32 to index
      %swap3A_180 = tpu.vector_load %arg8[%swap3A] {strides = array<i32>} : memref<2048xi32, #tpu.memory_space<vmem>>, vector<16xi32>,
      tpu.vector_store %arg8[%swap3A], %min3A_179 {strides = array<i32>} : memref<2048xi32, #tpu.memory_space<vmem>>, vector<16xi32>,
    }
    %scan3A_25 = arith.constant 128 : i32
    %broadcast_in_dim3A = arith.constant 524288 : i32
    %broadcast_in_dim3A_26 = vector.broadcast %broadcast_in_dim3A : i32 to vector<16xi32>
    %scan3A_27 = arith.constant 0 : i32
    %scan3A_28 = arith.constant 128 : i32
    %scan3A_29 = arith.addi %scan3A_27, %scan3A_28 : i32
    %scan3A_30 = arith.constant 1 : i32
    %scan3A_31 = scf.for %scan3A_99 = %scan3A_27 to %scan3A_29 step %scan3A_30 iter_args(%scan3A_100 = %broadcast_in_dim3A_26) -> (vector<16xi32>)  : i32 {
      %sub3A_101 = arith.constant 127 : i32
      %sub3A_102 = arith.subi %sub3A_101, %scan3A_99 : i32
      %mul3A_103 = arith.constant 16 : i32
      %mul3A_104 = arith.muli %mul3A_103, %sub3A_102 : i32
      %get3A_105 = arith.index_cast %mul3A_104 : i32 to index
      %get3A_106 = tpu.vector_load %arg8[%get3A_105] {strides = array<i32>} : memref<2048xi32, #tpu.memory_space<vmem>>, vector<16xi32>,
      %neg3A = arith.constant 0 : i32
      %neg3A_107 = vector.broadcast %neg3A : i32 to vector<16xi32>
      %neg3A_108 = arith.subi %neg3A_107, %get3A_106 : vector<16xi32>
      %rev3A = arith.constant 15 : i32
      %rev3A_109 = vector.broadcast %rev3A : i32 to vector<16xi32>
      %rev3A_110 = tpu.iota {dimensions = array<i32: 0>} : vector<16xi32>
      %rev3A_111 = arith.subi %rev3A_109, %rev3A_110 : vector<16xi32>
      %rev3A_112 = tpu.dynamic_gather %neg3A_108[%rev3A_111] in [0] : vector<16xi32>, vector<16xi32> -> vector<16xi32>
      %broadcast_in_dim3A_113 = arith.constant true
      %broadcast_in_dim3A_114 = vector.broadcast %broadcast_in_dim3A_113 : i1 to vector<16xi1>
      %masked_cummax3A = arith.constant -2147483648 : i32
      %masked_cummax3A_115 = vector.broadcast %masked_cummax3A : i32 to vector<16xi32>
      %masked_cummax3A_116 = arith.xori %rev3A_112, %masked_cummax3A_115 : vector<16xi32>
      %masked_cummax3A_117 = tpu.scan <max>, %masked_cummax3A_116 masked %broadcast_in_dim3A_114 : vector<16xi32>, vector<16xi1> -> vector<16xi32>
      %masked_cummax3A_118 = arith.xori %masked_cummax3A_117, %masked_cummax3A_115 : vector<16xi32>
      %neg3A_119 = arith.constant 0 : i32
      %neg3A_120 = vector.broadcast %neg3A_119 : i32 to vector<16xi32>
      %neg3A_121 = arith.subi %neg3A_120, %masked_cummax3A_118 : vector<16xi32>
      %rev3A_122 = arith.constant 15 : i32
      %rev3A_123 = vector.broadcast %rev3A_122 : i32 to vector<16xi32>
      %rev3A_124 = tpu.iota {dimensions = array<i32: 0>} : vector<16xi32>
      %rev3A_125 = arith.subi %rev3A_123, %rev3A_124 : vector<16xi32>
      %rev3A_126 = tpu.dynamic_gather %neg3A_121[%rev3A_125] in [0] : vector<16xi32>, vector<16xi32> -> vector<16xi32>
      %min3A = arith.minsi %rev3A_126, %scan3A_100 : vector<16xi32>
      %swap3A = arith.index_cast %mul3A_104 : i32 to index
      %swap3A_127 = tpu.vector_load %arg8[%swap3A] {strides = array<i32>} : memref<2048xi32, #tpu.memory_space<vmem>>, vector<16xi32>,
      tpu.vector_store %arg8[%swap3A], %min3A {strides = array<i32>} : memref<2048xi32, #tpu.memory_space<vmem>>, vector<16xi32>,
      %broadcast_in_dim3A_128 = arith.constant 1 : i32
      %broadcast_in_dim3A_129 = vector.broadcast %broadcast_in_dim3A_128 : i32 to vector<16xi32>
      %reduce_min3A = arith.constant true
      %reduce_min3A_130 = vector.broadcast %reduce_min3A : i1 to vector<16xi1>
      %reduce_min3A_131 = arith.constant -2147483648 : i32
      %reduce_min3A_132 = vector.broadcast %reduce_min3A_131 : i32 to vector<16xi32>
      %reduce_min3A_133 = arith.xori %min3A, %reduce_min3A_132 : vector<16xi32>
      %reduce_min3A_134 = tpu.scan <min>, %reduce_min3A_133 masked %reduce_min3A_130 : vector<16xi32>, vector<16xi1> -> vector<16xi32>
      %reduce_min3A_135 = arith.xori %reduce_min3A_134, %reduce_min3A_132 : vector<16xi32>
      %reduce_min3A_136 = vector.extract %reduce_min3A_135[15] : i32 from vector<16xi32>
      %mul3A_137 = vector.broadcast %reduce_min3A_136 : i32 to vector<16xi32>
      %mul3A_138 = arith.muli %broadcast_in_dim3A_129, %mul3A_137 : vector<16xi32>
      scf.yield %mul3A_138 : vector<16xi32>
    }
    %scan3A_32 = arith.constant 128 : i32
    %mul3A_33 = arith.constant 64 : i32
    %mul3A_34 = arith.muli %add3A, %mul3A_33 : i32
    %jit3A = arith.constant 16 : i32
    %div3A = arith.divsi %mul3A_34, %jit3A : i32
    %sign3A = arith.constant 0 : i32
    %sign3A_35 = arith.cmpi sgt, %mul3A_34, %sign3A : i32
    %sign3A_36 = arith.extui %sign3A_35 : i1 to i32
    %sign3A_37 = arith.constant 0 : i32
    %sign3A_38 = arith.cmpi slt, %mul3A_34, %sign3A_37 : i32
    %sign3A_39 = arith.extui %sign3A_38 : i1 to i32
    %sign3A_40 = arith.subi %sign3A_36, %sign3A_39 : i32
    %sign3A_41 = arith.constant 0 : i32
    %sign3A_42 = arith.cmpi sgt, %jit3A, %sign3A_41 : i32
    %sign3A_43 = arith.extui %sign3A_42 : i1 to i32
    %sign3A_44 = arith.constant 0 : i32
    %sign3A_45 = arith.cmpi slt, %jit3A, %sign3A_44 : i32
    %sign3A_46 = arith.extui %sign3A_45 : i1 to i32
    %sign3A_47 = arith.subi %sign3A_43, %sign3A_46 : i32
    %ne3A = arith.cmpi ne, %sign3A_40, %sign3A_47 : i32
    %rem3A = arith.remsi %mul3A_34, %jit3A : i32
    %ne3A_48 = arith.constant 0 : i32
    %ne3A_49 = arith.cmpi ne, %rem3A, %ne3A_48 : i32
    %and3A = arith.andi %ne3A, %ne3A_49 : i1
    %sub3A = arith.constant 1 : i32
    %sub3A_50 = arith.subi %div3A, %sub3A : i32
    %select_n3A = arith.select %and3A, %sub3A_50, %div3A : i32
    %mul3A_51 = arith.constant 16 : i32
    %mul3A_52 = arith.muli %mul3A_51, %select_n3A : i32
    %get3A = arith.index_cast %mul3A_52 : i32 to index
    %get3A_53 = tpu.vector_load %arg8[%get3A] {strides = array<i32>} : memref<2048xi32, #tpu.memory_space<vmem>>, vector<16xi32>,
    %jit3A_54 = arith.constant 16 : i32
    %eq3A_55 = arith.constant 0 : i32
    %eq3A_56 = arith.cmpi eq, %jit3A_54, %eq3A_55 : i32
    %jit3A_57 = arith.constant 1 : i32
    %select_n3A_58 = arith.select %eq3A_56, %jit3A_57, %jit3A_54 : i32
    %rem3A_59 = arith.remsi %mul3A_34, %select_n3A_58 : i32
    %ne3A_60 = arith.constant 0 : i32
    %ne3A_61 = arith.cmpi ne, %rem3A_59, %ne3A_60 : i32
    %lt3A = arith.constant 0 : i32
    %lt3A_62 = arith.cmpi slt, %rem3A_59, %lt3A : i32
    %lt3A_63 = arith.constant 0 : i32
    %lt3A_64 = arith.cmpi slt, %select_n3A_58, %lt3A_63 : i32
    %ne3A_65 = arith.xori %lt3A_62, %lt3A_64 : i1
    %and3A_66 = arith.andi %ne3A_65, %ne3A_61 : i1
    %add3A_67 = arith.addi %rem3A_59, %select_n3A_58 : i32
    %select_n3A_68 = arith.select %and3A_66, %add3A_67, %rem3A_59 : i32
    %eq3A_69 = vector.broadcast %select_n3A_68 : i32 to vector<16xi32>
    %eq3A_70 = arith.cmpi eq, %iota3A, %eq3A_69 : vector<16xi32>
    %jit3A_71 = arith.constant 0 : i32
    %broadcast_in_dim3A_72 = vector.broadcast %jit3A_71 : i32 to vector<16xi32>
    %select_n3A_73 = arith.select %eq3A_70, %get3A_53, %broadcast_in_dim3A_72 : vector<16xi1>, vector<16xi32>
    %reduce_sum3A = arith.constant true
    %reduce_sum3A_74 = vector.broadcast %reduce_sum3A : i1 to vector<16xi1>
    %reduce_sum3A_75 = tpu.scan <sum>, %select_n3A_73 masked %reduce_sum3A_74 : vector<16xi32>, vector<16xi1> -> vector<16xi32>
    %reduce_sum3A_76 = vector.extract %reduce_sum3A_75[15] : i32 from vector<16xi32>
    %le3A = arith.constant 524160 : i32
    %le3A_77 = arith.cmpi sle, %reduce_sum3A_76, %le3A : i32
    %convert_element_type3A_78 = arith.extui %le3A_77 : i1 to i32
    %cond3A_79 = arith.constant 0 : i32
    %cond3A_80 = arith.cmpi ne, %convert_element_type3A_78, %cond3A_79 : i32
    scf.if %cond3A_80 {
      %mul3A_99 = arith.constant 128 : i32
      %mul3A_100 = arith.muli %reduce_sum3A_76, %mul3A_99 : i32
      %dma_start3A = tpu.memref_slice %arg2[%mul3A_100] : memref<67108864xf32, #tpu.memory_space<hbm>> -> memref<16384xf32, #tpu.memory_space<hbm>>
      %dma_start3A_101 = tpu.memref_slice %arg2[%mul3A_100] : memref<67108864xf32, #tpu.memory_space<hbm>> -> memref<16384xf32, #tpu.memory_space<hbm>>
      tpu.enqueue_dma source(%dma_start3A_101 : memref<16384xf32, #tpu.memory_space<hbm>>) target(%arg9 : memref<16384xf32, #tpu.memory_space<vmem>>) target_semaphore(%arg14 : memref<!tpu.dma_semaphore, #tpu.memory_space<semaphore_mem>>)
    } else {
    }
    %gt3A_81 = arith.constant 524160 : i32
    %gt3A_82 = arith.cmpi sgt, %reduce_sum3A_76, %gt3A_81 : i32
    %convert_element_type3A_83 = arith.extui %gt3A_82 : i1 to i32
    %cond3A_84 = arith.constant 0 : i32
    %cond3A_85 = arith.cmpi ne, %convert_element_type3A_83, %cond3A_84 : i32
    scf.if %cond3A_85 {
      %scan3A_99 = arith.constant 0 : i32
      %scan3A_100 = arith.constant 0 : i32
      %scan3A_101 = arith.constant 128 : i32
      %scan3A_102 = arith.addi %scan3A_100, %scan3A_101 : i32
      %scan3A_103 = arith.constant 1 : i32
      scf.for %scan3A_105 = %scan3A_100 to %scan3A_102 step %scan3A_103  : i32 {
        %add3A_106 = arith.addi %reduce_sum3A_76, %scan3A_105 : i32
        %min3A = arith.constant 524287 : i32
        %min3A_107 = arith.minsi %add3A_106, %min3A : i32
        %mul3A_108 = arith.constant 128 : i32
        %mul3A_109 = arith.muli %min3A_107, %mul3A_108 : i32
        %mul3A_110 = arith.constant 128 : i32
        %mul3A_111 = arith.muli %scan3A_105, %mul3A_110 : i32
        %dma_start3A = tpu.memref_slice %arg9[%mul3A_111] : memref<16384xf32, #tpu.memory_space<vmem>> -> memref<128xf32, #tpu.memory_space<vmem>>
        %dma_start3A_112 = tpu.memref_slice %arg2[%mul3A_109] : memref<67108864xf32, #tpu.memory_space<hbm>> -> memref<128xf32, #tpu.memory_space<hbm>>
        %dma_start3A_113 = tpu.memref_slice %arg9[%mul3A_111] : memref<16384xf32, #tpu.memory_space<vmem>> -> memref<128xf32, #tpu.memory_space<vmem>>
        %dma_start3A_114 = tpu.memref_slice %arg2[%mul3A_109] : memref<67108864xf32, #tpu.memory_space<hbm>> -> memref<128xf32, #tpu.memory_space<hbm>>
        tpu.enqueue_dma source(%dma_start3A_114 : memref<128xf32, #tpu.memory_space<hbm>>) target(%dma_start3A_113 : memref<128xf32, #tpu.memory_space<vmem>>) target_semaphore(%arg14 : memref<!tpu.dma_semaphore, #tpu.memory_space<semaphore_mem>>)
      }
      %scan3A_104 = arith.constant 128 : i32
    } else {
    }
    %scan3A_86 = arith.constant 0 : i32
    %scan3A_87 = arith.constant 0 : i32
    %scan3A_88 = arith.constant 32 : i32
    %scan3A_89 = arith.addi %scan3A_87, %scan3A_88 : i32
    %scan3A_90 = arith.constant 1 : i32
    scf.for %scan3A_99 = %scan3A_87 to %scan3A_89 step %scan3A_90  : i32 {
      %mul3A_100 = arith.constant 2 : i32
      %mul3A_101 = arith.muli %mul3A_100, %scan3A_99 : i32
      %add3A_102 = arith.addi %mul3A_34, %mul3A_101 : i32
      %add3A_103 = arith.constant 1 : i32
      %add3A_104 = arith.addi %add3A_102, %add3A_103 : i32
      %jit3A_105 = arith.constant 16 : i32
      %div3A_106 = arith.divsi %add3A_104, %jit3A_105 : i32
      %sign3A_107 = arith.constant 0 : i32
      %sign3A_108 = arith.cmpi sgt, %add3A_104, %sign3A_107 : i32
      %sign3A_109 = arith.extui %sign3A_108 : i1 to i32
      %sign3A_110 = arith.constant 0 : i32
      %sign3A_111 = arith.cmpi slt, %add3A_104, %sign3A_110 : i32
      %sign3A_112 = arith.extui %sign3A_111 : i1 to i32
      %sign3A_113 = arith.subi %sign3A_109, %sign3A_112 : i32
      %sign3A_114 = arith.constant 0 : i32
      %sign3A_115 = arith.cmpi sgt, %jit3A_105, %sign3A_114 : i32
      %sign3A_116 = arith.extui %sign3A_115 : i1 to i32
      %sign3A_117 = arith.constant 0 : i32
      %sign3A_118 = arith.cmpi slt, %jit3A_105, %sign3A_117 : i32
      %sign3A_119 = arith.extui %sign3A_118 : i1 to i32
      %sign3A_120 = arith.subi %sign3A_116, %sign3A_119 : i32
      %ne3A_121 = arith.cmpi ne, %sign3A_113, %sign3A_120 : i32
      %rem3A_122 = arith.remsi %add3A_104, %jit3A_105 : i32
      %ne3A_123 = arith.constant 0 : i32
      %ne3A_124 = arith.cmpi ne, %rem3A_122, %ne3A_123 : i32
      %and3A_125 = arith.andi %ne3A_121, %ne3A_124 : i1
      %sub3A_126 = arith.constant 1 : i32
      %sub3A_127 = arith.subi %div3A_106, %sub3A_126 : i32
      %select_n3A_128 = arith.select %and3A_125, %sub3A_127, %div3A_106 : i32
      %mul3A_129 = arith.constant 16 : i32
      %mul3A_130 = arith.muli %mul3A_129, %select_n3A_128 : i32
      %get3A_131 = arith.index_cast %mul3A_130 : i32 to index
      %get3A_132 = tpu.vector_load %arg8[%get3A_131] {strides = array<i32>} : memref<2048xi32, #tpu.memory_space<vmem>>, vector<16xi32>,
      %jit3A_133 = arith.constant 16 : i32
      %eq3A_134 = arith.constant 0 : i32
      %eq3A_135 = arith.cmpi eq, %jit3A_133, %eq3A_134 : i32
      %jit3A_136 = arith.constant 1 : i32
      %select_n3A_137 = arith.select %eq3A_135, %jit3A_136, %jit3A_133 : i32
      %rem3A_138 = arith.remsi %add3A_104, %select_n3A_137 : i32
      %ne3A_139 = arith.constant 0 : i32
      %ne3A_140 = arith.cmpi ne, %rem3A_138, %ne3A_139 : i32
      %lt3A_141 = arith.constant 0 : i32
      %lt3A_142 = arith.cmpi slt, %rem3A_138, %lt3A_141 : i32
      %lt3A_143 = arith.constant 0 : i32
      %lt3A_144 = arith.cmpi slt, %select_n3A_137, %lt3A_143 : i32
      %ne3A_145 = arith.xori %lt3A_142, %lt3A_144 : i1
      %and3A_146 = arith.andi %ne3A_145, %ne3A_140 : i1
      %add3A_147 = arith.addi %rem3A_138, %select_n3A_137 : i32
      %select_n3A_148 = arith.select %and3A_146, %add3A_147, %rem3A_138 : i32
      %eq3A_149 = vector.broadcast %select_n3A_148 : i32 to vector<16xi32>
      %eq3A_150 = arith.cmpi eq, %iota3A, %eq3A_149 : vector<16xi32>
      %jit3A_151 = arith.constant 0 : i32
      %broadcast_in_dim3A_152 = vector.broadcast %jit3A_151 : i32 to vector<16xi32>
      %select_n3A_153 = arith.select %eq3A_150, %get3A_132, %broadcast_in_dim3A_152 : vector<16xi1>, vector<16xi32>
      %reduce_sum3A_154 = arith.constant true
      %reduce_sum3A_155 = vector.broadcast %reduce_sum3A_154 : i1 to vector<16xi1>
      %reduce_sum3A_156 = tpu.scan <sum>, %select_n3A_153 masked %reduce_sum3A_155 : vector<16xi32>, vector<16xi1> -> vector<16xi32>
      %reduce_sum3A_157 = vector.extract %reduce_sum3A_156[15] : i32 from vector<16xi32>
      %le3A_158 = arith.constant 524160 : i32
      %le3A_159 = arith.cmpi sle, %reduce_sum3A_157, %le3A_158 : i32
      %convert_element_type3A_160 = arith.extui %le3A_159 : i1 to i32
      %cond3A_161 = arith.constant 0 : i32
      %cond3A_162 = arith.cmpi ne, %convert_element_type3A_160, %cond3A_161 : i32
      scf.if %cond3A_162 {
        %mul3A_214 = arith.constant 128 : i32
        %mul3A_215 = arith.muli %reduce_sum3A_157, %mul3A_214 : i32
        %dma_start3A_216 = tpu.memref_slice %arg2[%mul3A_215] : memref<67108864xf32, #tpu.memory_space<hbm>> -> memref<16384xf32, #tpu.memory_space<hbm>>
        %dma_start3A_217 = tpu.memref_slice %arg2[%mul3A_215] : memref<67108864xf32, #tpu.memory_space<hbm>> -> memref<16384xf32, #tpu.memory_space<hbm>>
        tpu.enqueue_dma source(%dma_start3A_217 : memref<16384xf32, #tpu.memory_space<hbm>>) target(%arg10 : memref<16384xf32, #tpu.memory_space<vmem>>) target_semaphore(%arg15 : memref<!tpu.dma_semaphore, #tpu.memory_space<semaphore_mem>>)
      } else {
      }
      %gt3A_163 = arith.constant 524160 : i32
      %gt3A_164 = arith.cmpi sgt, %reduce_sum3A_157, %gt3A_163 : i32
      %convert_element_type3A_165 = arith.extui %gt3A_164 : i1 to i32
      %cond3A_166 = arith.constant 0 : i32
      %cond3A_167 = arith.cmpi ne, %convert_element_type3A_165, %cond3A_166 : i32
      scf.if %cond3A_167 {
        %scan3A_214 = arith.constant 0 : i32
        %scan3A_215 = arith.constant 0 : i32
        %scan3A_216 = arith.constant 128 : i32
        %scan3A_217 = arith.addi %scan3A_215, %scan3A_216 : i32
        %scan3A_218 = arith.constant 1 : i32
        scf.for %scan3A_220 = %scan3A_215 to %scan3A_217 step %scan3A_218  : i32 {
          %add3A_221 = arith.addi %reduce_sum3A_157, %scan3A_220 : i32
          %min3A = arith.constant 524287 : i32
          %min3A_222 = arith.minsi %add3A_221, %min3A : i32
          %mul3A_223 = arith.constant 128 : i32
          %mul3A_224 = arith.muli %min3A_222, %mul3A_223 : i32
          %mul3A_225 = arith.constant 128 : i32
          %mul3A_226 = arith.muli %scan3A_220, %mul3A_225 : i32
          %dma_start3A_227 = tpu.memref_slice %arg10[%mul3A_226] : memref<16384xf32, #tpu.memory_space<vmem>> -> memref<128xf32, #tpu.memory_space<vmem>>
          %dma_start3A_228 = tpu.memref_slice %arg2[%mul3A_224] : memref<67108864xf32, #tpu.memory_space<hbm>> -> memref<128xf32, #tpu.memory_space<hbm>>
          %dma_start3A_229 = tpu.memref_slice %arg10[%mul3A_226] : memref<16384xf32, #tpu.memory_space<vmem>> -> memref<128xf32, #tpu.memory_space<vmem>>
          %dma_start3A_230 = tpu.memref_slice %arg2[%mul3A_224] : memref<67108864xf32, #tpu.memory_space<hbm>> -> memref<128xf32, #tpu.memory_space<hbm>>
          tpu.enqueue_dma source(%dma_start3A_230 : memref<128xf32, #tpu.memory_space<hbm>>) target(%dma_start3A_229 : memref<128xf32, #tpu.memory_space<vmem>>) target_semaphore(%arg15 : memref<!tpu.dma_semaphore, #tpu.memory_space<semaphore_mem>>)
        }
        %scan3A_219 = arith.constant 128 : i32
      } else {
      }
      %dma_wait3A_168 = arith.constant 0 : i32
      %dma_wait3A_169 = tpu.memref_slice %arg2[%dma_wait3A_168] : memref<67108864xf32, #tpu.memory_space<hbm>> -> memref<16384xf32, #tpu.memory_space<hbm>>
      %dma_wait3A_170 = arith.constant 0 : i32
      %dma_wait3A_171 = tpu.memref_slice %arg2[%dma_wait3A_170] : memref<67108864xf32, #tpu.memory_space<hbm>> -> memref<16384xf32, #tpu.memory_space<hbm>>
      tpu.wait_dma2 semaphore(%arg14 : memref<!tpu.dma_semaphore, #tpu.memory_space<semaphore_mem>>) src(%dma_wait3A_171 : memref<16384xf32, #tpu.memory_space<hbm>>) dst(%arg9 : memref<16384xf32, #tpu.memory_space<vmem>>)
      %gt3A_172 = arith.constant 0 : i32
      %gt3A_173 = arith.cmpi sgt, %scan3A_99, %gt3A_172 : i32
      %convert_element_type3A_174 = arith.extui %gt3A_173 : i1 to i32
      %cond3A_175 = arith.constant 0 : i32
      %cond3A_176 = arith.cmpi ne, %convert_element_type3A_174, %cond3A_175 : i32
      scf.if %cond3A_176 {
        %dma_wait3A_214 = arith.constant 0 : i32
        %dma_wait3A_215 = tpu.memref_slice %arg4[%mul3A_34, %dma_wait3A_214] : memref<2048x3072xf32, #tpu.memory_space<hbm>> -> memref<1x3072xf32, #tpu.memory_space<hbm>>
        %dma_wait3A_216 = arith.constant 0 : i32
        %dma_wait3A_217 = tpu.memref_slice %arg4[%mul3A_34, %dma_wait3A_216] : memref<2048x3072xf32, #tpu.memory_space<hbm>> -> memref<1x3072xf32, #tpu.memory_space<hbm>>
        tpu.wait_dma2 semaphore(%arg16 : memref<!tpu.dma_semaphore, #tpu.memory_space<semaphore_mem>>) src(%arg11 : memref<1x3072xf32, #tpu.memory_space<vmem>>) dst(%dma_wait3A_217 : memref<1x3072xf32, #tpu.memory_space<hbm>>)
      } else {
      }
      %scan3A_177 = arith.constant 0 : i32
      %scan3A_178 = arith.constant 0 : i32
      %scan3A_179 = arith.constant 8 : i32
      %scan3A_180 = arith.addi %scan3A_178, %scan3A_179 : i32
      %scan3A_181 = arith.constant 1 : i32
      scf.for %scan3A_214 = %scan3A_178 to %scan3A_180 step %scan3A_181  : i32 {
        %mul3A_215 = arith.constant 16 : i32
        %mul3A_216 = arith.muli %mul3A_215, %scan3A_214 : i32
        %mul3A_217 = arith.constant 128 : i32
        %mul3A_218 = arith.muli %mul3A_216, %mul3A_217 : i32
        %add3A_219 = arith.constant 0 : i32
        %add3A_220 = arith.addi %mul3A_218, %add3A_219 : i32
        %add3A_221 = arith.constant 0 : i32
        %add3A_222 = arith.addi %add3A_220, %add3A_221 : i32
        %get3A_223 = arith.index_cast %add3A_222 : i32 to index
        %get3A_224 = tpu.vector_load %arg9[%get3A_223] {strides = array<i32>} : memref<16384xf32, #tpu.memory_space<vmem>>, vector<16xf32>,
        %add3A_225 = arith.constant 128 : i32
        %add3A_226 = arith.addi %mul3A_218, %add3A_225 : i32
        %add3A_227 = arith.constant 0 : i32
        %add3A_228 = arith.addi %add3A_226, %add3A_227 : i32
        %get3A_229 = arith.index_cast %add3A_228 : i32 to index
        %get3A_230 = tpu.vector_load %arg9[%get3A_229] {strides = array<i32>} : memref<16384xf32, #tpu.memory_space<vmem>>, vector<16xf32>,
        %add3A_231 = arith.constant 256 : i32
        %add3A_232 = arith.addi %mul3A_218, %add3A_231 : i32
        %add3A_233 = arith.constant 0 : i32
        %add3A_234 = arith.addi %add3A_232, %add3A_233 : i32
        %get3A_235 = arith.index_cast %add3A_234 : i32 to index
        %get3A_236 = tpu.vector_load %arg9[%get3A_235] {strides = array<i32>} : memref<16384xf32, #tpu.memory_space<vmem>>, vector<16xf32>,
        %add3A_237 = arith.constant 384 : i32
        %add3A_238 = arith.addi %mul3A_218, %add3A_237 : i32
        %add3A_239 = arith.constant 0 : i32
        %add3A_240 = arith.addi %add3A_238, %add3A_239 : i32
        %get3A_241 = arith.index_cast %add3A_240 : i32 to index
        %get3A_242 = tpu.vector_load %arg9[%get3A_241] {strides = array<i32>} : memref<16384xf32, #tpu.memory_space<vmem>>, vector<16xf32>,
        %add3A_243 = arith.constant 512 : i32
        %add3A_244 = arith.addi %mul3A_218, %add3A_243 : i32
        %add3A_245 = arith.constant 0 : i32
        %add3A_246 = arith.addi %add3A_244, %add3A_245 : i32
        %get3A_247 = arith.index_cast %add3A_246 : i32 to index
        %get3A_248 = tpu.vector_load %arg9[%get3A_247] {strides = array<i32>} : memref<16384xf32, #tpu.memory_space<vmem>>, vector<16xf32>,
        %add3A_249 = arith.addf %get3A_224, %get3A_248 : vector<16xf32>
        %max3A = arith.maximumf %get3A_224, %get3A_248 : vector<16xf32>
        %add3A_250 = arith.constant 640 : i32
        %add3A_251 = arith.addi %mul3A_218, %add3A_250 : i32
        %add3A_252 = arith.constant 0 : i32
        %add3A_253 = arith.addi %add3A_251, %add3A_252 : i32
        %get3A_254 = arith.index_cast %add3A_253 : i32 to index
        %get3A_255 = tpu.vector_load %arg9[%get3A_254] {strides = array<i32>} : memref<16384xf32, #tpu.memory_space<vmem>>, vector<16xf32>,
        %add3A_256 = arith.addf %get3A_230, %get3A_255 : vector<16xf32>
        %max3A_257 = arith.maximumf %get3A_230, %get3A_255 : vector<16xf32>
        %add3A_258 = arith.constant 768 : i32
        %add3A_259 = arith.addi %mul3A_218, %add3A_258 : i32
        %add3A_260 = arith.constant 0 : i32
        %add3A_261 = arith.addi %add3A_259, %add3A_260 : i32
        %get3A_262 = arith.index_cast %add3A_261 : i32 to index
        %get3A_263 = tpu.vector_load %arg9[%get3A_262] {strides = array<i32>} : memref<16384xf32, #tpu.memory_space<vmem>>, vector<16xf32>,
        %add3A_264 = arith.addf %get3A_236, %get3A_263 : vector<16xf32>
        %max3A_265 = arith.maximumf %get3A_236, %get3A_263 : vector<16xf32>
        %add3A_266 = arith.constant 896 : i32
        %add3A_267 = arith.addi %mul3A_218, %add3A_266 : i32
        %add3A_268 = arith.constant 0 : i32
        %add3A_269 = arith.addi %add3A_267, %add3A_268 : i32
        %get3A_270 = arith.index_cast %add3A_269 : i32 to index
        %get3A_271 = tpu.vector_load %arg9[%get3A_270] {strides = array<i32>} : memref<16384xf32, #tpu.memory_space<vmem>>, vector<16xf32>,
        %add3A_272 = arith.addf %get3A_242, %get3A_271 : vector<16xf32>
        %max3A_273 = arith.maximumf %get3A_242, %get3A_271 : vector<16xf32>
        %add3A_274 = arith.constant 1024 : i32
        %add3A_275 = arith.addi %mul3A_218, %add3A_274 : i32
        %add3A_276 = arith.constant 0 : i32
        %add3A_277 = arith.addi %add3A_275, %add3A_276 : i32
        %get3A_278 = arith.index_cast %add3A_277 : i32 to index
        %get3A_279 = tpu.vector_load %arg9[%get3A_278] {strides = array<i32>} : memref<16384xf32, #tpu.memory_space<vmem>>, vector<16xf32>,
        %add3A_280 = arith.addf %add3A_249, %get3A_279 : vector<16xf32>
        %max3A_281 = arith.maximumf %max3A, %get3A_279 : vector<16xf32>
        %add3A_282 = arith.constant 1152 : i32
        %add3A_283 = arith.addi %mul3A_218, %add3A_282 : i32
        %add3A_284 = arith.constant 0 : i32
        %add3A_285 = arith.addi %add3A_283, %add3A_284 : i32
        %get3A_286 = arith.index_cast %add3A_285 : i32 to index
        %get3A_287 = tpu.vector_load %arg9[%get3A_286] {strides = array<i32>} : memref<16384xf32, #tpu.memory_space<vmem>>, vector<16xf32>,
        %add3A_288 = arith.addf %add3A_256, %get3A_287 : vector<16xf32>
        %max3A_289 = arith.maximumf %max3A_257, %get3A_287 : vector<16xf32>
        %add3A_290 = arith.constant 1280 : i32
        %add3A_291 = arith.addi %mul3A_218, %add3A_290 : i32
        %add3A_292 = arith.constant 0 : i32
        %add3A_293 = arith.addi %add3A_291, %add3A_292 : i32
        %get3A_294 = arith.index_cast %add3A_293 : i32 to index
        %get3A_295 = tpu.vector_load %arg9[%get3A_294] {strides = array<i32>} : memref<16384xf32, #tpu.memory_space<vmem>>, vector<16xf32>,
        %add3A_296 = arith.addf %add3A_264, %get3A_295 : vector<16xf32>
        %max3A_297 = arith.maximumf %max3A_265, %get3A_295 : vector<16xf32>
        %add3A_298 = arith.constant 1408 : i32
        %add3A_299 = arith.addi %mul3A_218, %add3A_298 : i32
        %add3A_300 = arith.constant 0 : i32
        %add3A_301 = arith.addi %add3A_299, %add3A_300 : i32
        %get3A_302 = arith.index_cast %add3A_301 : i32 to index
        %get3A_303 = tpu.vector_load %arg9[%get3A_302] {strides = array<i32>} : memref<16384xf32, #tpu.memory_space<vmem>>, vector<16xf32>,
        %add3A_304 = arith.addf %add3A_272, %get3A_303 : vector<16xf32>
        %max3A_305 = arith.maximumf %max3A_273, %get3A_303 : vector<16xf32>
        %add3A_306 = arith.constant 1536 : i32
        %add3A_307 = arith.addi %mul3A_218, %add3A_306 : i32
        %add3A_308 = arith.constant 0 : i32
        %add3A_309 = arith.addi %add3A_307, %add3A_308 : i32
        %get3A_310 = arith.index_cast %add3A_309 : i32 to index
        %get3A_311 = tpu.vector_load %arg9[%get3A_310] {strides = array<i32>} : memref<16384xf32, #tpu.memory_space<vmem>>, vector<16xf32>,
        %add3A_312 = arith.addf %add3A_280, %get3A_311 : vector<16xf32>
        %max3A_313 = arith.maximumf %max3A_281, %get3A_311 : vector<16xf32>
        %add3A_314 = arith.constant 1664 : i32
        %add3A_315 = arith.addi %mul3A_218, %add3A_314 : i32
        %add3A_316 = arith.constant 0 : i32
        %add3A_317 = arith.addi %add3A_315, %add3A_316 : i32
        %get3A_318 = arith.index_cast %add3A_317 : i32 to index
        %get3A_319 = tpu.vector_load %arg9[%get3A_318] {strides = array<i32>} : memref<16384xf32, #tpu.memory_space<vmem>>, vector<16xf32>,
        %add3A_320 = arith.addf %add3A_288, %get3A_319 : vector<16xf32>
        %max3A_321 = arith.maximumf %max3A_289, %get3A_319 : vector<16xf32>
        %add3A_322 = arith.constant 1792 : i32
        %add3A_323 = arith.addi %mul3A_218, %add3A_322 : i32
        %add3A_324 = arith.constant 0 : i32
        %add3A_325 = arith.addi %add3A_323, %add3A_324 : i32
        %get3A_326 = arith.index_cast %add3A_325 : i32 to index
        %get3A_327 = tpu.vector_load %arg9[%get3A_326] {strides = array<i32>} : memref<16384xf32, #tpu.memory_space<vmem>>, vector<16xf32>,
        %add3A_328 = arith.addf %add3A_296, %get3A_327 : vector<16xf32>
        %max3A_329 = arith.maximumf %max3A_297, %get3A_327 : vector<16xf32>
        %add3A_330 = arith.constant 1920 : i32
        %add3A_331 = arith.addi %mul3A_218, %add3A_330 : i32
        %add3A_332 = arith.constant 0 : i32
        %add3A_333 = arith.addi %add3A_331, %add3A_332 : i32
        %get3A_334 = arith.index_cast %add3A_333 : i32 to index
        %get3A_335 = tpu.vector_load %arg9[%get3A_334] {strides = array<i32>} : memref<16384xf32, #tpu.memory_space<vmem>>, vector<16xf32>,
        %add3A_336 = arith.addf %add3A_304, %get3A_335 : vector<16xf32>
        %max3A_337 = arith.maximumf %max3A_305, %get3A_335 : vector<16xf32>
        %add3A_338 = arith.addf %add3A_312, %add3A_320 : vector<16xf32>
        %add3A_339 = arith.addf %add3A_328, %add3A_336 : vector<16xf32>
        %add3A_340 = arith.addf %add3A_338, %add3A_339 : vector<16xf32>
        %max3A_341 = arith.maximumf %max3A_313, %max3A_321 : vector<16xf32>
        %max3A_342 = arith.maximumf %max3A_329, %max3A_337 : vector<16xf32>
        %max3A_343 = arith.maximumf %max3A_341, %max3A_342 : vector<16xf32>
        %mul3A_344 = arith.constant 384 : i32
        %mul3A_345 = arith.muli %scan3A_214, %mul3A_344 : i32
        %add3A_346 = arith.constant 0 : i32
        %add3A_347 = arith.addi %mul3A_345, %add3A_346 : i32
        %mul3A_348 = arith.constant 6.250000e-02 : f32
        %mul3A_349 = vector.broadcast %mul3A_348 : f32 to vector<16xf32>
        %mul3A_350 = arith.mulf %add3A_340, %mul3A_349 : vector<16xf32>
        %swap3A = arith.constant 0 : i32
        %swap3A_351 = arith.index_cast %swap3A : i32 to index
        %swap3A_352 = arith.index_cast %add3A_347 : i32 to index
        %swap3A_353 = tpu.vector_load %arg11[%swap3A_351, %swap3A_352] {strides = array<i32>} : memref<1x3072xf32, #tpu.memory_space<vmem>>, vector<16xf32>,
        tpu.vector_store %arg11[%swap3A_351, %swap3A_352], %mul3A_350 {strides = array<i32>} : memref<1x3072xf32, #tpu.memory_space<vmem>>, vector<16xf32>,
        %add3A_354 = arith.constant 128 : i32
        %add3A_355 = arith.addi %add3A_347, %add3A_354 : i32
        %swap3A_356 = arith.constant 0 : i32
        %swap3A_357 = arith.index_cast %swap3A_356 : i32 to index
        %swap3A_358 = arith.index_cast %add3A_355 : i32 to index
        %swap3A_359 = tpu.vector_load %arg11[%swap3A_357, %swap3A_358] {strides = array<i32>} : memref<1x3072xf32, #tpu.memory_space<vmem>>, vector<16xf32>,
        tpu.vector_store %arg11[%swap3A_357, %swap3A_358], %max3A_343 {strides = array<i32>} : memref<1x3072xf32, #tpu.memory_space<vmem>>, vector<16xf32>,
        %add3A_360 = arith.constant 256 : i32
        %add3A_361 = arith.addi %add3A_347, %add3A_360 : i32
        %swap3A_362 = arith.constant 0 : i32
        %swap3A_363 = arith.index_cast %swap3A_362 : i32 to index
        %swap3A_364 = arith.index_cast %add3A_361 : i32 to index
        %swap3A_365 = tpu.vector_load %arg11[%swap3A_363, %swap3A_364] {strides = array<i32>} : memref<1x3072xf32, #tpu.memory_space<vmem>>, vector<16xf32>,
        tpu.vector_store %arg11[%swap3A_363, %swap3A_364], %add3A_340 {strides = array<i32>} : memref<1x3072xf32, #tpu.memory_space<vmem>>, vector<16xf32>,
        %add3A_366 = arith.constant 0 : i32
        %add3A_367 = arith.addi %mul3A_218, %add3A_366 : i32
        %add3A_368 = arith.constant 16 : i32
        %add3A_369 = arith.addi %add3A_367, %add3A_368 : i32
        %get3A_370 = arith.index_cast %add3A_369 : i32 to index
        %get3A_371 = tpu.vector_load %arg9[%get3A_370] {strides = array<i32>} : memref<16384xf32, #tpu.memory_space<vmem>>, vector<16xf32>,
        %add3A_372 = arith.constant 128 : i32
        %add3A_373 = arith.addi %mul3A_218, %add3A_372 : i32
        %add3A_374 = arith.constant 16 : i32
        %add3A_375 = arith.addi %add3A_373, %add3A_374 : i32
        %get3A_376 = arith.index_cast %add3A_375 : i32 to index
        %get3A_377 = tpu.vector_load %arg9[%get3A_376] {strides = array<i32>} : memref<16384xf32, #tpu.memory_space<vmem>>, vector<16xf32>,
        %add3A_378 = arith.constant 256 : i32
        %add3A_379 = arith.addi %mul3A_218, %add3A_378 : i32
        %add3A_380 = arith.constant 16 : i32
        %add3A_381 = arith.addi %add3A_379, %add3A_380 : i32
        %get3A_382 = arith.index_cast %add3A_381 : i32 to index
        %get3A_383 = tpu.vector_load %arg9[%get3A_382] {strides = array<i32>} : memref<16384xf32, #tpu.memory_space<vmem>>, vector<16xf32>,
        %add3A_384 = arith.constant 384 : i32
        %add3A_385 = arith.addi %mul3A_218, %add3A_384 : i32
        %add3A_386 = arith.constant 16 : i32
        %add3A_387 = arith.addi %add3A_385, %add3A_386 : i32
        %get3A_388 = arith.index_cast %add3A_387 : i32 to index
        %get3A_389 = tpu.vector_load %arg9[%get3A_388] {strides = array<i32>} : memref<16384xf32, #tpu.memory_space<vmem>>, vector<16xf32>,
        %add3A_390 = arith.constant 512 : i32
        %add3A_391 = arith.addi %mul3A_218, %add3A_390 : i32
        %add3A_392 = arith.constant 16 : i32
        %add3A_393 = arith.addi %add3A_391, %add3A_392 : i32
        %get3A_394 = arith.index_cast %add3A_393 : i32 to index
        %get3A_395 = tpu.vector_load %arg9[%get3A_394] {strides = array<i32>} : memref<16384xf32, #tpu.memory_space<vmem>>, vector<16xf32>,
        %add3A_396 = arith.addf %get3A_371, %get3A_395 : vector<16xf32>
        %max3A_397 = arith.maximumf %get3A_371, %get3A_395 : vector<16xf32>
        %add3A_398 = arith.constant 640 : i32
        %add3A_399 = arith.addi %mul3A_218, %add3A_398 : i32
        %add3A_400 = arith.constant 16 : i32
        %add3A_401 = arith.addi %add3A_399, %add3A_400 : i32
        %get3A_402 = arith.index_cast %add3A_401 : i32 to index
        %get3A_403 = tpu.vector_load %arg9[%get3A_402] {strides = array<i32>} : memref<16384xf32, #tpu.memory_space<vmem>>, vector<16xf32>,
        %add3A_404 = arith.addf %get3A_377, %get3A_403 : vector<16xf32>
        %max3A_405 = arith.maximumf %get3A_377, %get3A_403 : vector<16xf32>
        %add3A_406 = arith.constant 768 : i32
        %add3A_407 = arith.addi %mul3A_218, %add3A_406 : i32
        %add3A_408 = arith.constant 16 : i32
        %add3A_409 = arith.addi %add3A_407, %add3A_408 : i32
        %get3A_410 = arith.index_cast %add3A_409 : i32 to index
        %get3A_411 = tpu.vector_load %arg9[%get3A_410] {strides = array<i32>} : memref<16384xf32, #tpu.memory_space<vmem>>, vector<16xf32>,
        %add3A_412 = arith.addf %get3A_383, %get3A_411 : vector<16xf32>
        %max3A_413 = arith.maximumf %get3A_383, %get3A_411 : vector<16xf32>
        %add3A_414 = arith.constant 896 : i32
        %add3A_415 = arith.addi %mul3A_218, %add3A_414 : i32
        %add3A_416 = arith.constant 16 : i32
        %add3A_417 = arith.addi %add3A_415, %add3A_416 : i32
        %get3A_418 = arith.index_cast %add3A_417 : i32 to index
        %get3A_419 = tpu.vector_load %arg9[%get3A_418] {strides = array<i32>} : memref<16384xf32, #tpu.memory_space<vmem>>, vector<16xf32>,
        %add3A_420 = arith.addf %get3A_389, %get3A_419 : vector<16xf32>
        %max3A_421 = arith.maximumf %get3A_389, %get3A_419 : vector<16xf32>
        %add3A_422 = arith.constant 1024 : i32
        %add3A_423 = arith.addi %mul3A_218, %add3A_422 : i32
        %add3A_424 = arith.constant 16 : i32
        %add3A_425 = arith.addi %add3A_423, %add3A_424 : i32
        %get3A_426 = arith.index_cast %add3A_425 : i32 to index
        %get3A_427 = tpu.vector_load %arg9[%get3A_426] {strides = array<i32>} : memref<16384xf32, #tpu.memory_space<vmem>>, vector<16xf32>,
        %add3A_428 = arith.addf %add3A_396, %get3A_427 : vector<16xf32>
        %max3A_429 = arith.maximumf %max3A_397, %get3A_427 : vector<16xf32>
        %add3A_430 = arith.constant 1152 : i32
        %add3A_431 = arith.addi %mul3A_218, %add3A_430 : i32
        %add3A_432 = arith.constant 16 : i32
        %add3A_433 = arith.addi %add3A_431, %add3A_432 : i32
        %get3A_434 = arith.index_cast %add3A_433 : i32 to index
        %get3A_435 = tpu.vector_load %arg9[%get3A_434] {strides = array<i32>} : memref<16384xf32, #tpu.memory_space<vmem>>, vector<16xf32>,
        %add3A_436 = arith.addf %add3A_404, %get3A_435 : vector<16xf32>
        %max3A_437 = arith.maximumf %max3A_405, %get3A_435 : vector<16xf32>
        %add3A_438 = arith.constant 1280 : i32
        %add3A_439 = arith.addi %mul3A_218, %add3A_438 : i32
        %add3A_440 = arith.constant 16 : i32
        %add3A_441 = arith.addi %add3A_439, %add3A_440 : i32
        %get3A_442 = arith.index_cast %add3A_441 : i32 to index
        %get3A_443 = tpu.vector_load %arg9[%get3A_442] {strides = array<i32>} : memref<16384xf32, #tpu.memory_space<vmem>>, vector<16xf32>,
        %add3A_444 = arith.addf %add3A_412, %get3A_443 : vector<16xf32>
        %max3A_445 = arith.maximumf %max3A_413, %get3A_443 : vector<16xf32>
        %add3A_446 = arith.constant 1408 : i32
        %add3A_447 = arith.addi %mul3A_218, %add3A_446 : i32
        %add3A_448 = arith.constant 16 : i32
        %add3A_449 = arith.addi %add3A_447, %add3A_448 : i32
        %get3A_450 = arith.index_cast %add3A_449 : i32 to index
        %get3A_451 = tpu.vector_load %arg9[%get3A_450] {strides = array<i32>} : memref<16384xf32, #tpu.memory_space<vmem>>, vector<16xf32>,
        %add3A_452 = arith.addf %add3A_420, %get3A_451 : vector<16xf32>
        %max3A_453 = arith.maximumf %max3A_421, %get3A_451 : vector<16xf32>
        %add3A_454 = arith.constant 1536 : i32
        %add3A_455 = arith.addi %mul3A_218, %add3A_454 : i32
        %add3A_456 = arith.constant 16 : i32
        %add3A_457 = arith.addi %add3A_455, %add3A_456 : i32
        %get3A_458 = arith.index_cast %add3A_457 : i32 to index
        %get3A_459 = tpu.vector_load %arg9[%get3A_458] {strides = array<i32>} : memref<16384xf32, #tpu.memory_space<vmem>>, vector<16xf32>,
        %add3A_460 = arith.addf %add3A_428, %get3A_459 : vector<16xf32>
        %max3A_461 = arith.maximumf %max3A_429, %get3A_459 : vector<16xf32>
        %add3A_462 = arith.constant 1664 : i32
        %add3A_463 = arith.addi %mul3A_218, %add3A_462 : i32
        %add3A_464 = arith.constant 16 : i32
        %add3A_465 = arith.addi %add3A_463, %add3A_464 : i32
        %get3A_466 = arith.index_cast %add3A_465 : i32 to index
        %get3A_467 = tpu.vector_load %arg9[%get3A_466] {strides = array<i32>} : memref<16384xf32, #tpu.memory_space<vmem>>, vector<16xf32>,
        %add3A_468 = arith.addf %add3A_436, %get3A_467 : vector<16xf32>
        %max3A_469 = arith.maximumf %max3A_437, %get3A_467 : vector<16xf32>
        %add3A_470 = arith.constant 1792 : i32
        %add3A_471 = arith.addi %mul3A_218, %add3A_470 : i32
        %add3A_472 = arith.constant 16 : i32
        %add3A_473 = arith.addi %add3A_471, %add3A_472 : i32
        %get3A_474 = arith.index_cast %add3A_473 : i32 to index
        %get3A_475 = tpu.vector_load %arg9[%get3A_474] {strides = array<i32>} : memref<16384xf32, #tpu.memory_space<vmem>>, vector<16xf32>,
        %add3A_476 = arith.addf %add3A_444, %get3A_475 : vector<16xf32>
        %max3A_477 = arith.maximumf %max3A_445, %get3A_475 : vector<16xf32>
        %add3A_478 = arith.constant 1920 : i32
        %add3A_479 = arith.addi %mul3A_218, %add3A_478 : i32
        %add3A_480 = arith.constant 16 : i32
        %add3A_481 = arith.addi %add3A_479, %add3A_480 : i32
        %get3A_482 = arith.index_cast %add3A_481 : i32 to index
        %get3A_483 = tpu.vector_load %arg9[%get3A_482] {strides = array<i32>} : memref<16384xf32, #tpu.memory_space<vmem>>, vector<16xf32>,
        %add3A_484 = arith.addf %add3A_452, %get3A_483 : vector<16xf32>
        %max3A_485 = arith.maximumf %max3A_453, %get3A_483 : vector<16xf32>
        %add3A_486 = arith.addf %add3A_460, %add3A_468 : vector<16xf32>
        %add3A_487 = arith.addf %add3A_476, %add3A_484 : vector<16xf32>
        %add3A_488 = arith.addf %add3A_486, %add3A_487 : vector<16xf32>
        %max3A_489 = arith.maximumf %max3A_461, %max3A_469 : vector<16xf32>
        %max3A_490 = arith.maximumf %max3A_477, %max3A_485 : vector<16xf32>
        %max3A_491 = arith.maximumf %max3A_489, %max3A_490 : vector<16xf32>
        %mul3A_492 = arith.constant 384 : i32
        %mul3A_493 = arith.muli %scan3A_214, %mul3A_492 : i32
        %add3A_494 = arith.constant 16 : i32
        %add3A_495 = arith.addi %mul3A_493, %add3A_494 : i32
        %mul3A_496 = arith.constant 6.250000e-02 : f32
        %mul3A_497 = vector.broadcast %mul3A_496 : f32 to vector<16xf32>
        %mul3A_498 = arith.mulf %add3A_488, %mul3A_497 : vector<16xf32>
        %swap3A_499 = arith.constant 0 : i32
        %swap3A_500 = arith.index_cast %swap3A_499 : i32 to index
        %swap3A_501 = arith.index_cast %add3A_495 : i32 to index
        %swap3A_502 = tpu.vector_load %arg11[%swap3A_500, %swap3A_501] {strides = array<i32>} : memref<1x3072xf32, #tpu.memory_space<vmem>>, vector<16xf32>,
        tpu.vector_store %arg11[%swap3A_500, %swap3A_501], %mul3A_498 {strides = array<i32>} : memref<1x3072xf32, #tpu.memory_space<vmem>>, vector<16xf32>,
        %add3A_503 = arith.constant 128 : i32
        %add3A_504 = arith.addi %add3A_495, %add3A_503 : i32
        %swap3A_505 = arith.constant 0 : i32
        %swap3A_506 = arith.index_cast %swap3A_505 : i32 to index
        %swap3A_507 = arith.index_cast %add3A_504 : i32 to index
        %swap3A_508 = tpu.vector_load %arg11[%swap3A_506, %swap3A_507] {strides = array<i32>} : memref<1x3072xf32, #tpu.memory_space<vmem>>, vector<16xf32>,
        tpu.vector_store %arg11[%swap3A_506, %swap3A_507], %max3A_491 {strides = array<i32>} : memref<1x3072xf32, #tpu.memory_space<vmem>>, vector<16xf32>,
        %add3A_509 = arith.constant 256 : i32
        %add3A_510 = arith.addi %add3A_495, %add3A_509 : i32
        %swap3A_511 = arith.constant 0 : i32
        %swap3A_512 = arith.index_cast %swap3A_511 : i32 to index
        %swap3A_513 = arith.index_cast %add3A_510 : i32 to index
        %swap3A_514 = tpu.vector_load %arg11[%swap3A_512, %swap3A_513] {strides = array<i32>} : memref<1x3072xf32, #tpu.memory_space<vmem>>, vector<16xf32>,
        tpu.vector_store %arg11[%swap3A_512, %swap3A_513], %add3A_488 {strides = array<i32>} : memref<1x3072xf32, #tpu.memory_space<vmem>>, vector<16xf32>,
        %add3A_515 = arith.constant 0 : i32
        %add3A_516 = arith.addi %mul3A_218, %add3A_515 : i32
        %add3A_517 = arith.constant 32 : i32
        %add3A_518 = arith.addi %add3A_516, %add3A_517 : i32
        %get3A_519 = arith.index_cast %add3A_518 : i32 to index
        %get3A_520 = tpu.vector_load %arg9[%get3A_519] {strides = array<i32>} : memref<16384xf32, #tpu.memory_space<vmem>>, vector<16xf32>,
        %add3A_521 = arith.constant 128 : i32
        %add3A_522 = arith.addi %mul3A_218, %add3A_521 : i32
        %add3A_523 = arith.constant 32 : i32
        %add3A_524 = arith.addi %add3A_522, %add3A_523 : i32
        %get3A_525 = arith.index_cast %add3A_524 : i32 to index
        %get3A_526 = tpu.vector_load %arg9[%get3A_525] {strides = array<i32>} : memref<16384xf32, #tpu.memory_space<vmem>>, vector<16xf32>,
        %add3A_527 = arith.constant 256 : i32
        %add3A_528 = arith.addi %mul3A_218, %add3A_527 : i32
        %add3A_529 = arith.constant 32 : i32
        %add3A_530 = arith.addi %add3A_528, %add3A_529 : i32
        %get3A_531 = arith.index_cast %add3A_530 : i32 to index
        %get3A_532 = tpu.vector_load %arg9[%get3A_531] {strides = array<i32>} : memref<16384xf32, #tpu.memory_space<vmem>>, vector<16xf32>,
        %add3A_533 = arith.constant 384 : i32
        %add3A_534 = arith.addi %mul3A_218, %add3A_533 : i32
        %add3A_535 = arith.constant 32 : i32
        %add3A_536 = arith.addi %add3A_534, %add3A_535 : i32
        %get3A_537 = arith.index_cast %add3A_536 : i32 to index
        %get3A_538 = tpu.vector_load %arg9[%get3A_537] {strides = array<i32>} : memref<16384xf32, #tpu.memory_space<vmem>>, vector<16xf32>,
        %add3A_539 = arith.constant 512 : i32
        %add3A_540 = arith.addi %mul3A_218, %add3A_539 : i32
        %add3A_541 = arith.constant 32 : i32
        %add3A_542 = arith.addi %add3A_540, %add3A_541 : i32
        %get3A_543 = arith.index_cast %add3A_542 : i32 to index
        %get3A_544 = tpu.vector_load %arg9[%get3A_543] {strides = array<i32>} : memref<16384xf32, #tpu.memory_space<vmem>>, vector<16xf32>,
        %add3A_545 = arith.addf %get3A_520, %get3A_544 : vector<16xf32>
        %max3A_546 = arith.maximumf %get3A_520, %get3A_544 : vector<16xf32>
        %add3A_547 = arith.constant 640 : i32
        %add3A_548 = arith.addi %mul3A_218, %add3A_547 : i32
        %add3A_549 = arith.constant 32 : i32
        %add3A_550 = arith.addi %add3A_548, %add3A_549 : i32
        %get3A_551 = arith.index_cast %add3A_550 : i32 to index
        %get3A_552 = tpu.vector_load %arg9[%get3A_551] {strides = array<i32>} : memref<16384xf32, #tpu.memory_space<vmem>>, vector<16xf32>,
        %add3A_553 = arith.addf %get3A_526, %get3A_552 : vector<16xf32>
        %max3A_554 = arith.maximumf %get3A_526, %get3A_552 : vector<16xf32>
        %add3A_555 = arith.constant 768 : i32
        %add3A_556 = arith.addi %mul3A_218, %add3A_555 : i32
        %add3A_557 = arith.constant 32 : i32
        %add3A_558 = arith.addi %add3A_556, %add3A_557 : i32
        %get3A_559 = arith.index_cast %add3A_558 : i32 to index
        %get3A_560 = tpu.vector_load %arg9[%get3A_559] {strides = array<i32>} : memref<16384xf32, #tpu.memory_space<vmem>>, vector<16xf32>,
        %add3A_561 = arith.addf %get3A_532, %get3A_560 : vector<16xf32>
        %max3A_562 = arith.maximumf %get3A_532, %get3A_560 : vector<16xf32>
        %add3A_563 = arith.constant 896 : i32
        %add3A_564 = arith.addi %mul3A_218, %add3A_563 : i32
        %add3A_565 = arith.constant 32 : i32
        %add3A_566 = arith.addi %add3A_564, %add3A_565 : i32
        %get3A_567 = arith.index_cast %add3A_566 : i32 to index
        %get3A_568 = tpu.vector_load %arg9[%get3A_567] {strides = array<i32>} : memref<16384xf32, #tpu.memory_space<vmem>>, vector<16xf32>,
        %add3A_569 = arith.addf %get3A_538, %get3A_568 : vector<16xf32>
        %max3A_570 = arith.maximumf %get3A_538, %get3A_568 : vector<16xf32>
        %add3A_571 = arith.constant 1024 : i32
        %add3A_572 = arith.addi %mul3A_218, %add3A_571 : i32
        %add3A_573 = arith.constant 32 : i32
        %add3A_574 = arith.addi %add3A_572, %add3A_573 : i32
        %get3A_575 = arith.index_cast %add3A_574 : i32 to index
        %get3A_576 = tpu.vector_load %arg9[%get3A_575] {strides = array<i32>} : memref<16384xf32, #tpu.memory_space<vmem>>, vector<16xf32>,
        %add3A_577 = arith.addf %add3A_545, %get3A_576 : vector<16xf32>
        %max3A_578 = arith.maximumf %max3A_546, %get3A_576 : vector<16xf32>
        %add3A_579 = arith.constant 1152 : i32
        %add3A_580 = arith.addi %mul3A_218, %add3A_579 : i32
        %add3A_581 = arith.constant 32 : i32
        %add3A_582 = arith.addi %add3A_580, %add3A_581 : i32
        %get3A_583 = arith.index_cast %add3A_582 : i32 to index
        %get3A_584 = tpu.vector_load %arg9[%get3A_583] {strides = array<i32>} : memref<16384xf32, #tpu.memory_space<vmem>>, vector<16xf32>,
        %add3A_585 = arith.addf %add3A_553, %get3A_584 : vector<16xf32>
        %max3A_586 = arith.maximumf %max3A_554, %get3A_584 : vector<16xf32>
        %add3A_587 = arith.constant 1280 : i32
        %add3A_588 = arith.addi %mul3A_218, %add3A_587 : i32
        %add3A_589 = arith.constant 32 : i32
        %add3A_590 = arith.addi %add3A_588, %add3A_589 : i32
        %get3A_591 = arith.index_cast %add3A_590 : i32 to index
        %get3A_592 = tpu.vector_load %arg9[%get3A_591] {strides = array<i32>} : memref<16384xf32, #tpu.memory_space<vmem>>, vector<16xf32>,
        %add3A_593 = arith.addf %add3A_561, %get3A_592 : vector<16xf32>
        %max3A_594 = arith.maximumf %max3A_562, %get3A_592 : vector<16xf32>
        %add3A_595 = arith.constant 1408 : i32
        %add3A_596 = arith.addi %mul3A_218, %add3A_595 : i32
        %add3A_597 = arith.constant 32 : i32
        %add3A_598 = arith.addi %add3A_596, %add3A_597 : i32
        %get3A_599 = arith.index_cast %add3A_598 : i32 to index
        %get3A_600 = tpu.vector_load %arg9[%get3A_599] {strides = array<i32>} : memref<16384xf32, #tpu.memory_space<vmem>>, vector<16xf32>,
        %add3A_601 = arith.addf %add3A_569, %get3A_600 : vector<16xf32>
        %max3A_602 = arith.maximumf %max3A_570, %get3A_600 : vector<16xf32>
        %add3A_603 = arith.constant 1536 : i32
        %add3A_604 = arith.addi %mul3A_218, %add3A_603 : i32
        %add3A_605 = arith.constant 32 : i32
        %add3A_606 = arith.addi %add3A_604, %add3A_605 : i32
        %get3A_607 = arith.index_cast %add3A_606 : i32 to index
        %get3A_608 = tpu.vector_load %arg9[%get3A_607] {strides = array<i32>} : memref<16384xf32, #tpu.memory_space<vmem>>, vector<16xf32>,
        %add3A_609 = arith.addf %add3A_577, %get3A_608 : vector<16xf32>
        %max3A_610 = arith.maximumf %max3A_578, %get3A_608 : vector<16xf32>
        %add3A_611 = arith.constant 1664 : i32
        %add3A_612 = arith.addi %mul3A_218, %add3A_611 : i32
        %add3A_613 = arith.constant 32 : i32
        %add3A_614 = arith.addi %add3A_612, %add3A_613 : i32
        %get3A_615 = arith.index_cast %add3A_614 : i32 to index
        %get3A_616 = tpu.vector_load %arg9[%get3A_615] {strides = array<i32>} : memref<16384xf32, #tpu.memory_space<vmem>>, vector<16xf32>,
        %add3A_617 = arith.addf %add3A_585, %get3A_616 : vector<16xf32>
        %max3A_618 = arith.maximumf %max3A_586, %get3A_616 : vector<16xf32>
        %add3A_619 = arith.constant 1792 : i32
        %add3A_620 = arith.addi %mul3A_218, %add3A_619 : i32
        %add3A_621 = arith.constant 32 : i32
        %add3A_622 = arith.addi %add3A_620, %add3A_621 : i32
        %get3A_623 = arith.index_cast %add3A_622 : i32 to index
        %get3A_624 = tpu.vector_load %arg9[%get3A_623] {strides = array<i32>} : memref<16384xf32, #tpu.memory_space<vmem>>, vector<16xf32>,
        %add3A_625 = arith.addf %add3A_593, %get3A_624 : vector<16xf32>
        %max3A_626 = arith.maximumf %max3A_594, %get3A_624 : vector<16xf32>
        %add3A_627 = arith.constant 1920 : i32
        %add3A_628 = arith.addi %mul3A_218, %add3A_627 : i32
        %add3A_629 = arith.constant 32 : i32
        %add3A_630 = arith.addi %add3A_628, %add3A_629 : i32
        %get3A_631 = arith.index_cast %add3A_630 : i32 to index
        %get3A_632 = tpu.vector_load %arg9[%get3A_631] {strides = array<i32>} : memref<16384xf32, #tpu.memory_space<vmem>>, vector<16xf32>,
        %add3A_633 = arith.addf %add3A_601, %get3A_632 : vector<16xf32>
        %max3A_634 = arith.maximumf %max3A_602, %get3A_632 : vector<16xf32>
        %add3A_635 = arith.addf %add3A_609, %add3A_617 : vector<16xf32>
        %add3A_636 = arith.addf %add3A_625, %add3A_633 : vector<16xf32>
        %add3A_637 = arith.addf %add3A_635, %add3A_636 : vector<16xf32>
        %max3A_638 = arith.maximumf %max3A_610, %max3A_618 : vector<16xf32>
        %max3A_639 = arith.maximumf %max3A_626, %max3A_634 : vector<16xf32>
        %max3A_640 = arith.maximumf %max3A_638, %max3A_639 : vector<16xf32>
        %mul3A_641 = arith.constant 384 : i32
        %mul3A_642 = arith.muli %scan3A_214, %mul3A_641 : i32
        %add3A_643 = arith.constant 32 : i32
        %add3A_644 = arith.addi %mul3A_642, %add3A_643 : i32
        %mul3A_645 = arith.constant 6.250000e-02 : f32
        %mul3A_646 = vector.broadcast %mul3A_645 : f32 to vector<16xf32>
        %mul3A_647 = arith.mulf %add3A_637, %mul3A_646 : vector<16xf32>
        %swap3A_648 = arith.constant 0 : i32
        %swap3A_649 = arith.index_cast %swap3A_648 : i32 to index
        %swap3A_650 = arith.index_cast %add3A_644 : i32 to index
        %swap3A_651 = tpu.vector_load %arg11[%swap3A_649, %swap3A_650] {strides = array<i32>} : memref<1x3072xf32, #tpu.memory_space<vmem>>, vector<16xf32>,
        tpu.vector_store %arg11[%swap3A_649, %swap3A_650], %mul3A_647 {strides = array<i32>} : memref<1x3072xf32, #tpu.memory_space<vmem>>, vector<16xf32>,
        %add3A_652 = arith.constant 128 : i32
        %add3A_653 = arith.addi %add3A_644, %add3A_652 : i32
        %swap3A_654 = arith.constant 0 : i32
        %swap3A_655 = arith.index_cast %swap3A_654 : i32 to index
        %swap3A_656 = arith.index_cast %add3A_653 : i32 to index
        %swap3A_657 = tpu.vector_load %arg11[%swap3A_655, %swap3A_656] {strides = array<i32>} : memref<1x3072xf32, #tpu.memory_space<vmem>>, vector<16xf32>,
        tpu.vector_store %arg11[%swap3A_655, %swap3A_656], %max3A_640 {strides = array<i32>} : memref<1x3072xf32, #tpu.memory_space<vmem>>, vector<16xf32>,
        %add3A_658 = arith.constant 256 : i32
        %add3A_659 = arith.addi %add3A_644, %add3A_658 : i32
        %swap3A_660 = arith.constant 0 : i32
        %swap3A_661 = arith.index_cast %swap3A_660 : i32 to index
        %swap3A_662 = arith.index_cast %add3A_659 : i32 to index
        %swap3A_663 = tpu.vector_load %arg11[%swap3A_661, %swap3A_662] {strides = array<i32>} : memref<1x3072xf32, #tpu.memory_space<vmem>>, vector<16xf32>,
        tpu.vector_store %arg11[%swap3A_661, %swap3A_662], %add3A_637 {strides = array<i32>} : memref<1x3072xf32, #tpu.memory_space<vmem>>, vector<16xf32>,
        %add3A_664 = arith.constant 0 : i32
        %add3A_665 = arith.addi %mul3A_218, %add3A_664 : i32
        %add3A_666 = arith.constant 48 : i32
        %add3A_667 = arith.addi %add3A_665, %add3A_666 : i32
        %get3A_668 = arith.index_cast %add3A_667 : i32 to index
        %get3A_669 = tpu.vector_load %arg9[%get3A_668] {strides = array<i32>} : memref<16384xf32, #tpu.memory_space<vmem>>, vector<16xf32>,
        %add3A_670 = arith.constant 128 : i32
        %add3A_671 = arith.addi %mul3A_218, %add3A_670 : i32
        %add3A_672 = arith.constant 48 : i32
        %add3A_673 = arith.addi %add3A_671, %add3A_672 : i32
        %get3A_674 = arith.index_cast %add3A_673 : i32 to index
        %get3A_675 = tpu.vector_load %arg9[%get3A_674] {strides = array<i32>} : memref<16384xf32, #tpu.memory_space<vmem>>, vector<16xf32>,
        %add3A_676 = arith.constant 256 : i32
        %add3A_677 = arith.addi %mul3A_218, %add3A_676 : i32
        %add3A_678 = arith.constant 48 : i32
        %add3A_679 = arith.addi %add3A_677, %add3A_678 : i32
        %get3A_680 = arith.index_cast %add3A_679 : i32 to index
        %get3A_681 = tpu.vector_load %arg9[%get3A_680] {strides = array<i32>} : memref<16384xf32, #tpu.memory_space<vmem>>, vector<16xf32>,
        %add3A_682 = arith.constant 384 : i32
        %add3A_683 = arith.addi %mul3A_218, %add3A_682 : i32
        %add3A_684 = arith.constant 48 : i32
        %add3A_685 = arith.addi %add3A_683, %add3A_684 : i32
        %get3A_686 = arith.index_cast %add3A_685 : i32 to index
        %get3A_687 = tpu.vector_load %arg9[%get3A_686] {strides = array<i32>} : memref<16384xf32, #tpu.memory_space<vmem>>, vector<16xf32>,
        %add3A_688 = arith.constant 512 : i32
        %add3A_689 = arith.addi %mul3A_218, %add3A_688 : i32
        %add3A_690 = arith.constant 48 : i32
        %add3A_691 = arith.addi %add3A_689, %add3A_690 : i32
        %get3A_692 = arith.index_cast %add3A_691 : i32 to index
        %get3A_693 = tpu.vector_load %arg9[%get3A_692] {strides = array<i32>} : memref<16384xf32, #tpu.memory_space<vmem>>, vector<16xf32>,
        %add3A_694 = arith.addf %get3A_669, %get3A_693 : vector<16xf32>
        %max3A_695 = arith.maximumf %get3A_669, %get3A_693 : vector<16xf32>
        %add3A_696 = arith.constant 640 : i32
        %add3A_697 = arith.addi %mul3A_218, %add3A_696 : i32
        %add3A_698 = arith.constant 48 : i32
        %add3A_699 = arith.addi %add3A_697, %add3A_698 : i32
        %get3A_700 = arith.index_cast %add3A_699 : i32 to index
        %get3A_701 = tpu.vector_load %arg9[%get3A_700] {strides = array<i32>} : memref<16384xf32, #tpu.memory_space<vmem>>, vector<16xf32>,
        %add3A_702 = arith.addf %get3A_675, %get3A_701 : vector<16xf32>
        %max3A_703 = arith.maximumf %get3A_675, %get3A_701 : vector<16xf32>
        %add3A_704 = arith.constant 768 : i32
        %add3A_705 = arith.addi %mul3A_218, %add3A_704 : i32
        %add3A_706 = arith.constant 48 : i32
        %add3A_707 = arith.addi %add3A_705, %add3A_706 : i32
        %get3A_708 = arith.index_cast %add3A_707 : i32 to index
        %get3A_709 = tpu.vector_load %arg9[%get3A_708] {strides = array<i32>} : memref<16384xf32, #tpu.memory_space<vmem>>, vector<16xf32>,
        %add3A_710 = arith.addf %get3A_681, %get3A_709 : vector<16xf32>
        %max3A_711 = arith.maximumf %get3A_681, %get3A_709 : vector<16xf32>
        %add3A_712 = arith.constant 896 : i32
        %add3A_713 = arith.addi %mul3A_218, %add3A_712 : i32
        %add3A_714 = arith.constant 48 : i32
        %add3A_715 = arith.addi %add3A_713, %add3A_714 : i32
        %get3A_716 = arith.index_cast %add3A_715 : i32 to index
        %get3A_717 = tpu.vector_load %arg9[%get3A_716] {strides = array<i32>} : memref<16384xf32, #tpu.memory_space<vmem>>, vector<16xf32>,
        %add3A_718 = arith.addf %get3A_687, %get3A_717 : vector<16xf32>
        %max3A_719 = arith.maximumf %get3A_687, %get3A_717 : vector<16xf32>
        %add3A_720 = arith.constant 1024 : i32
        %add3A_721 = arith.addi %mul3A_218, %add3A_720 : i32
        %add3A_722 = arith.constant 48 : i32
        %add3A_723 = arith.addi %add3A_721, %add3A_722 : i32
        %get3A_724 = arith.index_cast %add3A_723 : i32 to index
        %get3A_725 = tpu.vector_load %arg9[%get3A_724] {strides = array<i32>} : memref<16384xf32, #tpu.memory_space<vmem>>, vector<16xf32>,
        %add3A_726 = arith.addf %add3A_694, %get3A_725 : vector<16xf32>
        %max3A_727 = arith.maximumf %max3A_695, %get3A_725 : vector<16xf32>
        %add3A_728 = arith.constant 1152 : i32
        %add3A_729 = arith.addi %mul3A_218, %add3A_728 : i32
        %add3A_730 = arith.constant 48 : i32
        %add3A_731 = arith.addi %add3A_729, %add3A_730 : i32
        %get3A_732 = arith.index_cast %add3A_731 : i32 to index
        %get3A_733 = tpu.vector_load %arg9[%get3A_732] {strides = array<i32>} : memref<16384xf32, #tpu.memory_space<vmem>>, vector<16xf32>,
        %add3A_734 = arith.addf %add3A_702, %get3A_733 : vector<16xf32>
        %max3A_735 = arith.maximumf %max3A_703, %get3A_733 : vector<16xf32>
        %add3A_736 = arith.constant 1280 : i32
        %add3A_737 = arith.addi %mul3A_218, %add3A_736 : i32
        %add3A_738 = arith.constant 48 : i32
        %add3A_739 = arith.addi %add3A_737, %add3A_738 : i32
        %get3A_740 = arith.index_cast %add3A_739 : i32 to index
        %get3A_741 = tpu.vector_load %arg9[%get3A_740] {strides = array<i32>} : memref<16384xf32, #tpu.memory_space<vmem>>, vector<16xf32>,
        %add3A_742 = arith.addf %add3A_710, %get3A_741 : vector<16xf32>
        %max3A_743 = arith.maximumf %max3A_711, %get3A_741 : vector<16xf32>
        %add3A_744 = arith.constant 1408 : i32
        %add3A_745 = arith.addi %mul3A_218, %add3A_744 : i32
        %add3A_746 = arith.constant 48 : i32
        %add3A_747 = arith.addi %add3A_745, %add3A_746 : i32
        %get3A_748 = arith.index_cast %add3A_747 : i32 to index
        %get3A_749 = tpu.vector_load %arg9[%get3A_748] {strides = array<i32>} : memref<16384xf32, #tpu.memory_space<vmem>>, vector<16xf32>,
        %add3A_750 = arith.addf %add3A_718, %get3A_749 : vector<16xf32>
        %max3A_751 = arith.maximumf %max3A_719, %get3A_749 : vector<16xf32>
        %add3A_752 = arith.constant 1536 : i32
        %add3A_753 = arith.addi %mul3A_218, %add3A_752 : i32
        %add3A_754 = arith.constant 48 : i32
        %add3A_755 = arith.addi %add3A_753, %add3A_754 : i32
        %get3A_756 = arith.index_cast %add3A_755 : i32 to index
        %get3A_757 = tpu.vector_load %arg9[%get3A_756] {strides = array<i32>} : memref<16384xf32, #tpu.memory_space<vmem>>, vector<16xf32>,
        %add3A_758 = arith.addf %add3A_726, %get3A_757 : vector<16xf32>
        %max3A_759 = arith.maximumf %max3A_727, %get3A_757 : vector<16xf32>
        %add3A_760 = arith.constant 1664 : i32
        %add3A_761 = arith.addi %mul3A_218, %add3A_760 : i32
        %add3A_762 = arith.constant 48 : i32
        %add3A_763 = arith.addi %add3A_761, %add3A_762 : i32
        %get3A_764 = arith.index_cast %add3A_763 : i32 to index
        %get3A_765 = tpu.vector_load %arg9[%get3A_764] {strides = array<i32>} : memref<16384xf32, #tpu.memory_space<vmem>>, vector<16xf32>,
        %add3A_766 = arith.addf %add3A_734, %get3A_765 : vector<16xf32>
        %max3A_767 = arith.maximumf %max3A_735, %get3A_765 : vector<16xf32>
        %add3A_768 = arith.constant 1792 : i32
        %add3A_769 = arith.addi %mul3A_218, %add3A_768 : i32
        %add3A_770 = arith.constant 48 : i32
        %add3A_771 = arith.addi %add3A_769, %add3A_770 : i32
        %get3A_772 = arith.index_cast %add3A_771 : i32 to index
        %get3A_773 = tpu.vector_load %arg9[%get3A_772] {strides = array<i32>} : memref<16384xf32, #tpu.memory_space<vmem>>, vector<16xf32>,
        %add3A_774 = arith.addf %add3A_742, %get3A_773 : vector<16xf32>
        %max3A_775 = arith.maximumf %max3A_743, %get3A_773 : vector<16xf32>
        %add3A_776 = arith.constant 1920 : i32
        %add3A_777 = arith.addi %mul3A_218, %add3A_776 : i32
        %add3A_778 = arith.constant 48 : i32
        %add3A_779 = arith.addi %add3A_777, %add3A_778 : i32
        %get3A_780 = arith.index_cast %add3A_779 : i32 to index
        %get3A_781 = tpu.vector_load %arg9[%get3A_780] {strides = array<i32>} : memref<16384xf32, #tpu.memory_space<vmem>>, vector<16xf32>,
        %add3A_782 = arith.addf %add3A_750, %get3A_781 : vector<16xf32>
        %max3A_783 = arith.maximumf %max3A_751, %get3A_781 : vector<16xf32>
        %add3A_784 = arith.addf %add3A_758, %add3A_766 : vector<16xf32>
        %add3A_785 = arith.addf %add3A_774, %add3A_782 : vector<16xf32>
        %add3A_786 = arith.addf %add3A_784, %add3A_785 : vector<16xf32>
        %max3A_787 = arith.maximumf %max3A_759, %max3A_767 : vector<16xf32>
        %max3A_788 = arith.maximumf %max3A_775, %max3A_783 : vector<16xf32>
        %max3A_789 = arith.maximumf %max3A_787, %max3A_788 : vector<16xf32>
        %mul3A_790 = arith.constant 384 : i32
        %mul3A_791 = arith.muli %scan3A_214, %mul3A_790 : i32
        %add3A_792 = arith.constant 48 : i32
        %add3A_793 = arith.addi %mul3A_791, %add3A_792 : i32
        %mul3A_794 = arith.constant 6.250000e-02 : f32
        %mul3A_795 = vector.broadcast %mul3A_794 : f32 to vector<16xf32>
        %mul3A_796 = arith.mulf %add3A_786, %mul3A_795 : vector<16xf32>
        %swap3A_797 = arith.constant 0 : i32
        %swap3A_798 = arith.index_cast %swap3A_797 : i32 to index
        %swap3A_799 = arith.index_cast %add3A_793 : i32 to index
        %swap3A_800 = tpu.vector_load %arg11[%swap3A_798, %swap3A_799] {strides = array<i32>} : memref<1x3072xf32, #tpu.memory_space<vmem>>, vector<16xf32>,
        tpu.vector_store %arg11[%swap3A_798, %swap3A_799], %mul3A_796 {strides = array<i32>} : memref<1x3072xf32, #tpu.memory_space<vmem>>, vector<16xf32>,
        %add3A_801 = arith.constant 128 : i32
        %add3A_802 = arith.addi %add3A_793, %add3A_801 : i32
        %swap3A_803 = arith.constant 0 : i32
        %swap3A_804 = arith.index_cast %swap3A_803 : i32 to index
        %swap3A_805 = arith.index_cast %add3A_802 : i32 to index
        %swap3A_806 = tpu.vector_load %arg11[%swap3A_804, %swap3A_805] {strides = array<i32>} : memref<1x3072xf32, #tpu.memory_space<vmem>>, vector<16xf32>,
        tpu.vector_store %arg11[%swap3A_804, %swap3A_805], %max3A_789 {strides = array<i32>} : memref<1x3072xf32, #tpu.memory_space<vmem>>, vector<16xf32>,
        %add3A_807 = arith.constant 256 : i32
        %add3A_808 = arith.addi %add3A_793, %add3A_807 : i32
        %swap3A_809 = arith.constant 0 : i32
        %swap3A_810 = arith.index_cast %swap3A_809 : i32 to index
        %swap3A_811 = arith.index_cast %add3A_808 : i32 to index
        %swap3A_812 = tpu.vector_load %arg11[%swap3A_810, %swap3A_811] {strides = array<i32>} : memref<1x3072xf32, #tpu.memory_space<vmem>>, vector<16xf32>,
        tpu.vector_store %arg11[%swap3A_810, %swap3A_811], %add3A_786 {strides = array<i32>} : memref<1x3072xf32, #tpu.memory_space<vmem>>, vector<16xf32>,
        %add3A_813 = arith.constant 0 : i32
        %add3A_814 = arith.addi %mul3A_218, %add3A_813 : i32
        %add3A_815 = arith.constant 64 : i32
        %add3A_816 = arith.addi %add3A_814, %add3A_815 : i32
        %get3A_817 = arith.index_cast %add3A_816 : i32 to index
        %get3A_818 = tpu.vector_load %arg9[%get3A_817] {strides = array<i32>} : memref<16384xf32, #tpu.memory_space<vmem>>, vector<16xf32>,
        %add3A_819 = arith.constant 128 : i32
        %add3A_820 = arith.addi %mul3A_218, %add3A_819 : i32
        %add3A_821 = arith.constant 64 : i32
        %add3A_822 = arith.addi %add3A_820, %add3A_821 : i32
        %get3A_823 = arith.index_cast %add3A_822 : i32 to index
        %get3A_824 = tpu.vector_load %arg9[%get3A_823] {strides = array<i32>} : memref<16384xf32, #tpu.memory_space<vmem>>, vector<16xf32>,
        %add3A_825 = arith.constant 256 : i32
        %add3A_826 = arith.addi %mul3A_218, %add3A_825 : i32
        %add3A_827 = arith.constant 64 : i32
        %add3A_828 = arith.addi %add3A_826, %add3A_827 : i32
        %get3A_829 = arith.index_cast %add3A_828 : i32 to index
        %get3A_830 = tpu.vector_load %arg9[%get3A_829] {strides = array<i32>} : memref<16384xf32, #tpu.memory_space<vmem>>, vector<16xf32>,
        %add3A_831 = arith.constant 384 : i32
        %add3A_832 = arith.addi %mul3A_218, %add3A_831 : i32
        %add3A_833 = arith.constant 64 : i32
        %add3A_834 = arith.addi %add3A_832, %add3A_833 : i32
        %get3A_835 = arith.index_cast %add3A_834 : i32 to index
        %get3A_836 = tpu.vector_load %arg9[%get3A_835] {strides = array<i32>} : memref<16384xf32, #tpu.memory_space<vmem>>, vector<16xf32>,
        %add3A_837 = arith.constant 512 : i32
        %add3A_838 = arith.addi %mul3A_218, %add3A_837 : i32
        %add3A_839 = arith.constant 64 : i32
        %add3A_840 = arith.addi %add3A_838, %add3A_839 : i32
        %get3A_841 = arith.index_cast %add3A_840 : i32 to index
        %get3A_842 = tpu.vector_load %arg9[%get3A_841] {strides = array<i32>} : memref<16384xf32, #tpu.memory_space<vmem>>, vector<16xf32>,
        %add3A_843 = arith.addf %get3A_818, %get3A_842 : vector<16xf32>
        %max3A_844 = arith.maximumf %get3A_818, %get3A_842 : vector<16xf32>
        %add3A_845 = arith.constant 640 : i32
        %add3A_846 = arith.addi %mul3A_218, %add3A_845 : i32
        %add3A_847 = arith.constant 64 : i32
        %add3A_848 = arith.addi %add3A_846, %add3A_847 : i32
        %get3A_849 = arith.index_cast %add3A_848 : i32 to index
        %get3A_850 = tpu.vector_load %arg9[%get3A_849] {strides = array<i32>} : memref<16384xf32, #tpu.memory_space<vmem>>, vector<16xf32>,
        %add3A_851 = arith.addf %get3A_824, %get3A_850 : vector<16xf32>
        %max3A_852 = arith.maximumf %get3A_824, %get3A_850 : vector<16xf32>
        %add3A_853 = arith.constant 768 : i32
        %add3A_854 = arith.addi %mul3A_218, %add3A_853 : i32
        %add3A_855 = arith.constant 64 : i32
        %add3A_856 = arith.addi %add3A_854, %add3A_855 : i32
        %get3A_857 = arith.index_cast %add3A_856 : i32 to index
        %get3A_858 = tpu.vector_load %arg9[%get3A_857] {strides = array<i32>} : memref<16384xf32, #tpu.memory_space<vmem>>, vector<16xf32>,
        %add3A_859 = arith.addf %get3A_830, %get3A_858 : vector<16xf32>
        %max3A_860 = arith.maximumf %get3A_830, %get3A_858 : vector<16xf32>
        %add3A_861 = arith.constant 896 : i32
        %add3A_862 = arith.addi %mul3A_218, %add3A_861 : i32
        %add3A_863 = arith.constant 64 : i32
        %add3A_864 = arith.addi %add3A_862, %add3A_863 : i32
        %get3A_865 = arith.index_cast %add3A_864 : i32 to index
        %get3A_866 = tpu.vector_load %arg9[%get3A_865] {strides = array<i32>} : memref<16384xf32, #tpu.memory_space<vmem>>, vector<16xf32>,
        %add3A_867 = arith.addf %get3A_836, %get3A_866 : vector<16xf32>
        %max3A_868 = arith.maximumf %get3A_836, %get3A_866 : vector<16xf32>
        %add3A_869 = arith.constant 1024 : i32
        %add3A_870 = arith.addi %mul3A_218, %add3A_869 : i32
        %add3A_871 = arith.constant 64 : i32
        %add3A_872 = arith.addi %add3A_870, %add3A_871 : i32
        %get3A_873 = arith.index_cast %add3A_872 : i32 to index
        %get3A_874 = tpu.vector_load %arg9[%get3A_873] {strides = array<i32>} : memref<16384xf32, #tpu.memory_space<vmem>>, vector<16xf32>,
        %add3A_875 = arith.addf %add3A_843, %get3A_874 : vector<16xf32>
        %max3A_876 = arith.maximumf %max3A_844, %get3A_874 : vector<16xf32>
        %add3A_877 = arith.constant 1152 : i32
        %add3A_878 = arith.addi %mul3A_218, %add3A_877 : i32
        %add3A_879 = arith.constant 64 : i32
        %add3A_880 = arith.addi %add3A_878, %add3A_879 : i32
        %get3A_881 = arith.index_cast %add3A_880 : i32 to index
        %get3A_882 = tpu.vector_load %arg9[%get3A_881] {strides = array<i32>} : memref<16384xf32, #tpu.memory_space<vmem>>, vector<16xf32>,
        %add3A_883 = arith.addf %add3A_851, %get3A_882 : vector<16xf32>
        %max3A_884 = arith.maximumf %max3A_852, %get3A_882 : vector<16xf32>
        %add3A_885 = arith.constant 1280 : i32
        %add3A_886 = arith.addi %mul3A_218, %add3A_885 : i32
        %add3A_887 = arith.constant 64 : i32
        %add3A_888 = arith.addi %add3A_886, %add3A_887 : i32
        %get3A_889 = arith.index_cast %add3A_888 : i32 to index
        %get3A_890 = tpu.vector_load %arg9[%get3A_889] {strides = array<i32>} : memref<16384xf32, #tpu.memory_space<vmem>>, vector<16xf32>,
        %add3A_891 = arith.addf %add3A_859, %get3A_890 : vector<16xf32>
        %max3A_892 = arith.maximumf %max3A_860, %get3A_890 : vector<16xf32>
        %add3A_893 = arith.constant 1408 : i32
        %add3A_894 = arith.addi %mul3A_218, %add3A_893 : i32
        %add3A_895 = arith.constant 64 : i32
        %add3A_896 = arith.addi %add3A_894, %add3A_895 : i32
        %get3A_897 = arith.index_cast %add3A_896 : i32 to index
        %get3A_898 = tpu.vector_load %arg9[%get3A_897] {strides = array<i32>} : memref<16384xf32, #tpu.memory_space<vmem>>, vector<16xf32>,
        %add3A_899 = arith.addf %add3A_867, %get3A_898 : vector<16xf32>
        %max3A_900 = arith.maximumf %max3A_868, %get3A_898 : vector<16xf32>
        %add3A_901 = arith.constant 1536 : i32
        %add3A_902 = arith.addi %mul3A_218, %add3A_901 : i32
        %add3A_903 = arith.constant 64 : i32
        %add3A_904 = arith.addi %add3A_902, %add3A_903 : i32
        %get3A_905 = arith.index_cast %add3A_904 : i32 to index
        %get3A_906 = tpu.vector_load %arg9[%get3A_905] {strides = array<i32>} : memref<16384xf32, #tpu.memory_space<vmem>>, vector<16xf32>,
        %add3A_907 = arith.addf %add3A_875, %get3A_906 : vector<16xf32>
        %max3A_908 = arith.maximumf %max3A_876, %get3A_906 : vector<16xf32>
        %add3A_909 = arith.constant 1664 : i32
        %add3A_910 = arith.addi %mul3A_218, %add3A_909 : i32
        %add3A_911 = arith.constant 64 : i32
        %add3A_912 = arith.addi %add3A_910, %add3A_911 : i32
        %get3A_913 = arith.index_cast %add3A_912 : i32 to index
        %get3A_914 = tpu.vector_load %arg9[%get3A_913] {strides = array<i32>} : memref<16384xf32, #tpu.memory_space<vmem>>, vector<16xf32>,
        %add3A_915 = arith.addf %add3A_883, %get3A_914 : vector<16xf32>
        %max3A_916 = arith.maximumf %max3A_884, %get3A_914 : vector<16xf32>
        %add3A_917 = arith.constant 1792 : i32
        %add3A_918 = arith.addi %mul3A_218, %add3A_917 : i32
        %add3A_919 = arith.constant 64 : i32
        %add3A_920 = arith.addi %add3A_918, %add3A_919 : i32
        %get3A_921 = arith.index_cast %add3A_920 : i32 to index
        %get3A_922 = tpu.vector_load %arg9[%get3A_921] {strides = array<i32>} : memref<16384xf32, #tpu.memory_space<vmem>>, vector<16xf32>,
        %add3A_923 = arith.addf %add3A_891, %get3A_922 : vector<16xf32>
        %max3A_924 = arith.maximumf %max3A_892, %get3A_922 : vector<16xf32>
        %add3A_925 = arith.constant 1920 : i32
        %add3A_926 = arith.addi %mul3A_218, %add3A_925 : i32
        %add3A_927 = arith.constant 64 : i32
        %add3A_928 = arith.addi %add3A_926, %add3A_927 : i32
        %get3A_929 = arith.index_cast %add3A_928 : i32 to index
        %get3A_930 = tpu.vector_load %arg9[%get3A_929] {strides = array<i32>} : memref<16384xf32, #tpu.memory_space<vmem>>, vector<16xf32>,
        %add3A_931 = arith.addf %add3A_899, %get3A_930 : vector<16xf32>
        %max3A_932 = arith.maximumf %max3A_900, %get3A_930 : vector<16xf32>
        %add3A_933 = arith.addf %add3A_907, %add3A_915 : vector<16xf32>
        %add3A_934 = arith.addf %add3A_923, %add3A_931 : vector<16xf32>
        %add3A_935 = arith.addf %add3A_933, %add3A_934 : vector<16xf32>
        %max3A_936 = arith.maximumf %max3A_908, %max3A_916 : vector<16xf32>
        %max3A_937 = arith.maximumf %max3A_924, %max3A_932 : vector<16xf32>
        %max3A_938 = arith.maximumf %max3A_936, %max3A_937 : vector<16xf32>
        %mul3A_939 = arith.constant 384 : i32
        %mul3A_940 = arith.muli %scan3A_214, %mul3A_939 : i32
        %add3A_941 = arith.constant 64 : i32
        %add3A_942 = arith.addi %mul3A_940, %add3A_941 : i32
        %mul3A_943 = arith.constant 6.250000e-02 : f32
        %mul3A_944 = vector.broadcast %mul3A_943 : f32 to vector<16xf32>
        %mul3A_945 = arith.mulf %add3A_935, %mul3A_944 : vector<16xf32>
        %swap3A_946 = arith.constant 0 : i32
        %swap3A_947 = arith.index_cast %swap3A_946 : i32 to index
        %swap3A_948 = arith.index_cast %add3A_942 : i32 to index
        %swap3A_949 = tpu.vector_load %arg11[%swap3A_947, %swap3A_948] {strides = array<i32>} : memref<1x3072xf32, #tpu.memory_space<vmem>>, vector<16xf32>,
        tpu.vector_store %arg11[%swap3A_947, %swap3A_948], %mul3A_945 {strides = array<i32>} : memref<1x3072xf32, #tpu.memory_space<vmem>>, vector<16xf32>,
        %add3A_950 = arith.constant 128 : i32
        %add3A_951 = arith.addi %add3A_942, %add3A_950 : i32
        %swap3A_952 = arith.constant 0 : i32
        %swap3A_953 = arith.index_cast %swap3A_952 : i32 to index
        %swap3A_954 = arith.index_cast %add3A_951 : i32 to index
        %swap3A_955 = tpu.vector_load %arg11[%swap3A_953, %swap3A_954] {strides = array<i32>} : memref<1x3072xf32, #tpu.memory_space<vmem>>, vector<16xf32>,
        tpu.vector_store %arg11[%swap3A_953, %swap3A_954], %max3A_938 {strides = array<i32>} : memref<1x3072xf32, #tpu.memory_space<vmem>>, vector<16xf32>,
        %add3A_956 = arith.constant 256 : i32
        %add3A_957 = arith.addi %add3A_942, %add3A_956 : i32
        %swap3A_958 = arith.constant 0 : i32
        %swap3A_959 = arith.index_cast %swap3A_958 : i32 to index
        %swap3A_960 = arith.index_cast %add3A_957 : i32 to index
        %swap3A_961 = tpu.vector_load %arg11[%swap3A_959, %swap3A_960] {strides = array<i32>} : memref<1x3072xf32, #tpu.memory_space<vmem>>, vector<16xf32>,
        tpu.vector_store %arg11[%swap3A_959, %swap3A_960], %add3A_935 {strides = array<i32>} : memref<1x3072xf32, #tpu.memory_space<vmem>>, vector<16xf32>,
        %add3A_962 = arith.constant 0 : i32
        %add3A_963 = arith.addi %mul3A_218, %add3A_962 : i32
        %add3A_964 = arith.constant 80 : i32
        %add3A_965 = arith.addi %add3A_963, %add3A_964 : i32
        %get3A_966 = arith.index_cast %add3A_965 : i32 to index
        %get3A_967 = tpu.vector_load %arg9[%get3A_966] {strides = array<i32>} : memref<16384xf32, #tpu.memory_space<vmem>>, vector<16xf32>,
        %add3A_968 = arith.constant 128 : i32
        %add3A_969 = arith.addi %mul3A_218, %add3A_968 : i32
        %add3A_970 = arith.constant 80 : i32
        %add3A_971 = arith.addi %add3A_969, %add3A_970 : i32
        %get3A_972 = arith.index_cast %add3A_971 : i32 to index
        %get3A_973 = tpu.vector_load %arg9[%get3A_972] {strides = array<i32>} : memref<16384xf32, #tpu.memory_space<vmem>>, vector<16xf32>,
        %add3A_974 = arith.constant 256 : i32
        %add3A_975 = arith.addi %mul3A_218, %add3A_974 : i32
        %add3A_976 = arith.constant 80 : i32
        %add3A_977 = arith.addi %add3A_975, %add3A_976 : i32
        %get3A_978 = arith.index_cast %add3A_977 : i32 to index
        %get3A_979 = tpu.vector_load %arg9[%get3A_978] {strides = array<i32>} : memref<16384xf32, #tpu.memory_space<vmem>>, vector<16xf32>,
        %add3A_980 = arith.constant 384 : i32
        %add3A_981 = arith.addi %mul3A_218, %add3A_980 : i32
        %add3A_982 = arith.constant 80 : i32
        %add3A_983 = arith.addi %add3A_981, %add3A_982 : i32
        %get3A_984 = arith.index_cast %add3A_983 : i32 to index
        %get3A_985 = tpu.vector_load %arg9[%get3A_984] {strides = array<i32>} : memref<16384xf32, #tpu.memory_space<vmem>>, vector<16xf32>,
        %add3A_986 = arith.constant 512 : i32
        %add3A_987 = arith.addi %mul3A_218, %add3A_986 : i32
        %add3A_988 = arith.constant 80 : i32
        %add3A_989 = arith.addi %add3A_987, %add3A_988 : i32
        %get3A_990 = arith.index_cast %add3A_989 : i32 to index
        %get3A_991 = tpu.vector_load %arg9[%get3A_990] {strides = array<i32>} : memref<16384xf32, #tpu.memory_space<vmem>>, vector<16xf32>,
        %add3A_992 = arith.addf %get3A_967, %get3A_991 : vector<16xf32>
        %max3A_993 = arith.maximumf %get3A_967, %get3A_991 : vector<16xf32>
        %add3A_994 = arith.constant 640 : i32
        %add3A_995 = arith.addi %mul3A_218, %add3A_994 : i32
        %add3A_996 = arith.constant 80 : i32
        %add3A_997 = arith.addi %add3A_995, %add3A_996 : i32
        %get3A_998 = arith.index_cast %add3A_997 : i32 to index
        %get3A_999 = tpu.vector_load %arg9[%get3A_998] {strides = array<i32>} : memref<16384xf32, #tpu.memory_space<vmem>>, vector<16xf32>,
        %add3A_1000 = arith.addf %get3A_973, %get3A_999 : vector<16xf32>
        %max3A_1001 = arith.maximumf %get3A_973, %get3A_999 : vector<16xf32>
        %add3A_1002 = arith.constant 768 : i32
        %add3A_1003 = arith.addi %mul3A_218, %add3A_1002 : i32
        %add3A_1004 = arith.constant 80 : i32
        %add3A_1005 = arith.addi %add3A_1003, %add3A_1004 : i32
        %get3A_1006 = arith.index_cast %add3A_1005 : i32 to index
        %get3A_1007 = tpu.vector_load %arg9[%get3A_1006] {strides = array<i32>} : memref<16384xf32, #tpu.memory_space<vmem>>, vector<16xf32>,
        %add3A_1008 = arith.addf %get3A_979, %get3A_1007 : vector<16xf32>
        %max3A_1009 = arith.maximumf %get3A_979, %get3A_1007 : vector<16xf32>
        %add3A_1010 = arith.constant 896 : i32
        %add3A_1011 = arith.addi %mul3A_218, %add3A_1010 : i32
        %add3A_1012 = arith.constant 80 : i32
        %add3A_1013 = arith.addi %add3A_1011, %add3A_1012 : i32
        %get3A_1014 = arith.index_cast %add3A_1013 : i32 to index
        %get3A_1015 = tpu.vector_load %arg9[%get3A_1014] {strides = array<i32>} : memref<16384xf32, #tpu.memory_space<vmem>>, vector<16xf32>,
        %add3A_1016 = arith.addf %get3A_985, %get3A_1015 : vector<16xf32>
        %max3A_1017 = arith.maximumf %get3A_985, %get3A_1015 : vector<16xf32>
        %add3A_1018 = arith.constant 1024 : i32
        %add3A_1019 = arith.addi %mul3A_218, %add3A_1018 : i32
        %add3A_1020 = arith.constant 80 : i32
        %add3A_1021 = arith.addi %add3A_1019, %add3A_1020 : i32
        %get3A_1022 = arith.index_cast %add3A_1021 : i32 to index
        %get3A_1023 = tpu.vector_load %arg9[%get3A_1022] {strides = array<i32>} : memref<16384xf32, #tpu.memory_space<vmem>>, vector<16xf32>,
        %add3A_1024 = arith.addf %add3A_992, %get3A_1023 : vector<16xf32>
        %max3A_1025 = arith.maximumf %max3A_993, %get3A_1023 : vector<16xf32>
        %add3A_1026 = arith.constant 1152 : i32
        %add3A_1027 = arith.addi %mul3A_218, %add3A_1026 : i32
        %add3A_1028 = arith.constant 80 : i32
        %add3A_1029 = arith.addi %add3A_1027, %add3A_1028 : i32
        %get3A_1030 = arith.index_cast %add3A_1029 : i32 to index
        %get3A_1031 = tpu.vector_load %arg9[%get3A_1030] {strides = array<i32>} : memref<16384xf32, #tpu.memory_space<vmem>>, vector<16xf32>,
        %add3A_1032 = arith.addf %add3A_1000, %get3A_1031 : vector<16xf32>
        %max3A_1033 = arith.maximumf %max3A_1001, %get3A_1031 : vector<16xf32>
        %add3A_1034 = arith.constant 1280 : i32
        %add3A_1035 = arith.addi %mul3A_218, %add3A_1034 : i32
        %add3A_1036 = arith.constant 80 : i32
        %add3A_1037 = arith.addi %add3A_1035, %add3A_1036 : i32
        %get3A_1038 = arith.index_cast %add3A_1037 : i32 to index
        %get3A_1039 = tpu.vector_load %arg9[%get3A_1038] {strides = array<i32>} : memref<16384xf32, #tpu.memory_space<vmem>>, vector<16xf32>,
        %add3A_1040 = arith.addf %add3A_1008, %get3A_1039 : vector<16xf32>
        %max3A_1041 = arith.maximumf %max3A_1009, %get3A_1039 : vector<16xf32>
        %add3A_1042 = arith.constant 1408 : i32
        %add3A_1043 = arith.addi %mul3A_218, %add3A_1042 : i32
        %add3A_1044 = arith.constant 80 : i32
        %add3A_1045 = arith.addi %add3A_1043, %add3A_1044 : i32
        %get3A_1046 = arith.index_cast %add3A_1045 : i32 to index
        %get3A_1047 = tpu.vector_load %arg9[%get3A_1046] {strides = array<i32>} : memref<16384xf32, #tpu.memory_space<vmem>>, vector<16xf32>,
        %add3A_1048 = arith.addf %add3A_1016, %get3A_1047 : vector<16xf32>
        %max3A_1049 = arith.maximumf %max3A_1017, %get3A_1047 : vector<16xf32>
        %add3A_1050 = arith.constant 1536 : i32
        %add3A_1051 = arith.addi %mul3A_218, %add3A_1050 : i32
        %add3A_1052 = arith.constant 80 : i32
        %add3A_1053 = arith.addi %add3A_1051, %add3A_1052 : i32
        %get3A_1054 = arith.index_cast %add3A_1053 : i32 to index
        %get3A_1055 = tpu.vector_load %arg9[%get3A_1054] {strides = array<i32>} : memref<16384xf32, #tpu.memory_space<vmem>>, vector<16xf32>,
        %add3A_1056 = arith.addf %add3A_1024, %get3A_1055 : vector<16xf32>
        %max3A_1057 = arith.maximumf %max3A_1025, %get3A_1055 : vector<16xf32>
        %add3A_1058 = arith.constant 1664 : i32
        %add3A_1059 = arith.addi %mul3A_218, %add3A_1058 : i32
        %add3A_1060 = arith.constant 80 : i32
        %add3A_1061 = arith.addi %add3A_1059, %add3A_1060 : i32
        %get3A_1062 = arith.index_cast %add3A_1061 : i32 to index
        %get3A_1063 = tpu.vector_load %arg9[%get3A_1062] {strides = array<i32>} : memref<16384xf32, #tpu.memory_space<vmem>>, vector<16xf32>,
        %add3A_1064 = arith.addf %add3A_1032, %get3A_1063 : vector<16xf32>
        %max3A_1065 = arith.maximumf %max3A_1033, %get3A_1063 : vector<16xf32>
        %add3A_1066 = arith.constant 1792 : i32
        %add3A_1067 = arith.addi %mul3A_218, %add3A_1066 : i32
        %add3A_1068 = arith.constant 80 : i32
        %add3A_1069 = arith.addi %add3A_1067, %add3A_1068 : i32
        %get3A_1070 = arith.index_cast %add3A_1069 : i32 to index
        %get3A_1071 = tpu.vector_load %arg9[%get3A_1070] {strides = array<i32>} : memref<16384xf32, #tpu.memory_space<vmem>>, vector<16xf32>,
        %add3A_1072 = arith.addf %add3A_1040, %get3A_1071 : vector<16xf32>
        %max3A_1073 = arith.maximumf %max3A_1041, %get3A_1071 : vector<16xf32>
        %add3A_1074 = arith.constant 1920 : i32
        %add3A_1075 = arith.addi %mul3A_218, %add3A_1074 : i32
        %add3A_1076 = arith.constant 80 : i32
        %add3A_1077 = arith.addi %add3A_1075, %add3A_1076 : i32
        %get3A_1078 = arith.index_cast %add3A_1077 : i32 to index
        %get3A_1079 = tpu.vector_load %arg9[%get3A_1078] {strides = array<i32>} : memref<16384xf32, #tpu.memory_space<vmem>>, vector<16xf32>,
        %add3A_1080 = arith.addf %add3A_1048, %get3A_1079 : vector<16xf32>
        %max3A_1081 = arith.maximumf %max3A_1049, %get3A_1079 : vector<16xf32>
        %add3A_1082 = arith.addf %add3A_1056, %add3A_1064 : vector<16xf32>
        %add3A_1083 = arith.addf %add3A_1072, %add3A_1080 : vector<16xf32>
        %add3A_1084 = arith.addf %add3A_1082, %add3A_1083 : vector<16xf32>
        %max3A_1085 = arith.maximumf %max3A_1057, %max3A_1065 : vector<16xf32>
        %max3A_1086 = arith.maximumf %max3A_1073, %max3A_1081 : vector<16xf32>
        %max3A_1087 = arith.maximumf %max3A_1085, %max3A_1086 : vector<16xf32>
        %mul3A_1088 = arith.constant 384 : i32
        %mul3A_1089 = arith.muli %scan3A_214, %mul3A_1088 : i32
        %add3A_1090 = arith.constant 80 : i32
        %add3A_1091 = arith.addi %mul3A_1089, %add3A_1090 : i32
        %mul3A_1092 = arith.constant 6.250000e-02 : f32
        %mul3A_1093 = vector.broadcast %mul3A_1092 : f32 to vector<16xf32>
        %mul3A_1094 = arith.mulf %add3A_1084, %mul3A_1093 : vector<16xf32>
        %swap3A_1095 = arith.constant 0 : i32
        %swap3A_1096 = arith.index_cast %swap3A_1095 : i32 to index
        %swap3A_1097 = arith.index_cast %add3A_1091 : i32 to index
        %swap3A_1098 = tpu.vector_load %arg11[%swap3A_1096, %swap3A_1097] {strides = array<i32>} : memref<1x3072xf32, #tpu.memory_space<vmem>>, vector<16xf32>,
        tpu.vector_store %arg11[%swap3A_1096, %swap3A_1097], %mul3A_1094 {strides = array<i32>} : memref<1x3072xf32, #tpu.memory_space<vmem>>, vector<16xf32>,
        %add3A_1099 = arith.constant 128 : i32
        %add3A_1100 = arith.addi %add3A_1091, %add3A_1099 : i32
        %swap3A_1101 = arith.constant 0 : i32
        %swap3A_1102 = arith.index_cast %swap3A_1101 : i32 to index
        %swap3A_1103 = arith.index_cast %add3A_1100 : i32 to index
        %swap3A_1104 = tpu.vector_load %arg11[%swap3A_1102, %swap3A_1103] {strides = array<i32>} : memref<1x3072xf32, #tpu.memory_space<vmem>>, vector<16xf32>,
        tpu.vector_store %arg11[%swap3A_1102, %swap3A_1103], %max3A_1087 {strides = array<i32>} : memref<1x3072xf32, #tpu.memory_space<vmem>>, vector<16xf32>,
        %add3A_1105 = arith.constant 256 : i32
        %add3A_1106 = arith.addi %add3A_1091, %add3A_1105 : i32
        %swap3A_1107 = arith.constant 0 : i32
        %swap3A_1108 = arith.index_cast %swap3A_1107 : i32 to index
        %swap3A_1109 = arith.index_cast %add3A_1106 : i32 to index
        %swap3A_1110 = tpu.vector_load %arg11[%swap3A_1108, %swap3A_1109] {strides = array<i32>} : memref<1x3072xf32, #tpu.memory_space<vmem>>, vector<16xf32>,
        tpu.vector_store %arg11[%swap3A_1108, %swap3A_1109], %add3A_1084 {strides = array<i32>} : memref<1x3072xf32, #tpu.memory_space<vmem>>, vector<16xf32>,
        %add3A_1111 = arith.constant 0 : i32
        %add3A_1112 = arith.addi %mul3A_218, %add3A_1111 : i32
        %add3A_1113 = arith.constant 96 : i32
        %add3A_1114 = arith.addi %add3A_1112, %add3A_1113 : i32
        %get3A_1115 = arith.index_cast %add3A_1114 : i32 to index
        %get3A_1116 = tpu.vector_load %arg9[%get3A_1115] {strides = array<i32>} : memref<16384xf32, #tpu.memory_space<vmem>>, vector<16xf32>,
        %add3A_1117 = arith.constant 128 : i32
        %add3A_1118 = arith.addi %mul3A_218, %add3A_1117 : i32
        %add3A_1119 = arith.constant 96 : i32
        %add3A_1120 = arith.addi %add3A_1118, %add3A_1119 : i32
        %get3A_1121 = arith.index_cast %add3A_1120 : i32 to index
        %get3A_1122 = tpu.vector_load %arg9[%get3A_1121] {strides = array<i32>} : memref<16384xf32, #tpu.memory_space<vmem>>, vector<16xf32>,
        %add3A_1123 = arith.constant 256 : i32
        %add3A_1124 = arith.addi %mul3A_218, %add3A_1123 : i32
        %add3A_1125 = arith.constant 96 : i32
        %add3A_1126 = arith.addi %add3A_1124, %add3A_1125 : i32
        %get3A_1127 = arith.index_cast %add3A_1126 : i32 to index
        %get3A_1128 = tpu.vector_load %arg9[%get3A_1127] {strides = array<i32>} : memref<16384xf32, #tpu.memory_space<vmem>>, vector<16xf32>,
        %add3A_1129 = arith.constant 384 : i32
        %add3A_1130 = arith.addi %mul3A_218, %add3A_1129 : i32
        %add3A_1131 = arith.constant 96 : i32
        %add3A_1132 = arith.addi %add3A_1130, %add3A_1131 : i32
        %get3A_1133 = arith.index_cast %add3A_1132 : i32 to index
        %get3A_1134 = tpu.vector_load %arg9[%get3A_1133] {strides = array<i32>} : memref<16384xf32, #tpu.memory_space<vmem>>, vector<16xf32>,
        %add3A_1135 = arith.constant 512 : i32
        %add3A_1136 = arith.addi %mul3A_218, %add3A_1135 : i32
        %add3A_1137 = arith.constant 96 : i32
        %add3A_1138 = arith.addi %add3A_1136, %add3A_1137 : i32
        %get3A_1139 = arith.index_cast %add3A_1138 : i32 to index
        %get3A_1140 = tpu.vector_load %arg9[%get3A_1139] {strides = array<i32>} : memref<16384xf32, #tpu.memory_space<vmem>>, vector<16xf32>,
        %add3A_1141 = arith.addf %get3A_1116, %get3A_1140 : vector<16xf32>
        %max3A_1142 = arith.maximumf %get3A_1116, %get3A_1140 : vector<16xf32>
        %add3A_1143 = arith.constant 640 : i32
        %add3A_1144 = arith.addi %mul3A_218, %add3A_1143 : i32
        %add3A_1145 = arith.constant 96 : i32
        %add3A_1146 = arith.addi %add3A_1144, %add3A_1145 : i32
        %get3A_1147 = arith.index_cast %add3A_1146 : i32 to index
        %get3A_1148 = tpu.vector_load %arg9[%get3A_1147] {strides = array<i32>} : memref<16384xf32, #tpu.memory_space<vmem>>, vector<16xf32>,
        %add3A_1149 = arith.addf %get3A_1122, %get3A_1148 : vector<16xf32>
        %max3A_1150 = arith.maximumf %get3A_1122, %get3A_1148 : vector<16xf32>
        %add3A_1151 = arith.constant 768 : i32
        %add3A_1152 = arith.addi %mul3A_218, %add3A_1151 : i32
        %add3A_1153 = arith.constant 96 : i32
        %add3A_1154 = arith.addi %add3A_1152, %add3A_1153 : i32
        %get3A_1155 = arith.index_cast %add3A_1154 : i32 to index
        %get3A_1156 = tpu.vector_load %arg9[%get3A_1155] {strides = array<i32>} : memref<16384xf32, #tpu.memory_space<vmem>>, vector<16xf32>,
        %add3A_1157 = arith.addf %get3A_1128, %get3A_1156 : vector<16xf32>
        %max3A_1158 = arith.maximumf %get3A_1128, %get3A_1156 : vector<16xf32>
        %add3A_1159 = arith.constant 896 : i32
        %add3A_1160 = arith.addi %mul3A_218, %add3A_1159 : i32
        %add3A_1161 = arith.constant 96 : i32
        %add3A_1162 = arith.addi %add3A_1160, %add3A_1161 : i32
        %get3A_1163 = arith.index_cast %add3A_1162 : i32 to index
        %get3A_1164 = tpu.vector_load %arg9[%get3A_1163] {strides = array<i32>} : memref<16384xf32, #tpu.memory_space<vmem>>, vector<16xf32>,
        %add3A_1165 = arith.addf %get3A_1134, %get3A_1164 : vector<16xf32>
        %max3A_1166 = arith.maximumf %get3A_1134, %get3A_1164 : vector<16xf32>
        %add3A_1167 = arith.constant 1024 : i32
        %add3A_1168 = arith.addi %mul3A_218, %add3A_1167 : i32
        %add3A_1169 = arith.constant 96 : i32
        %add3A_1170 = arith.addi %add3A_1168, %add3A_1169 : i32
        %get3A_1171 = arith.index_cast %add3A_1170 : i32 to index
        %get3A_1172 = tpu.vector_load %arg9[%get3A_1171] {strides = array<i32>} : memref<16384xf32, #tpu.memory_space<vmem>>, vector<16xf32>,
        %add3A_1173 = arith.addf %add3A_1141, %get3A_1172 : vector<16xf32>
        %max3A_1174 = arith.maximumf %max3A_1142, %get3A_1172 : vector<16xf32>
        %add3A_1175 = arith.constant 1152 : i32
        %add3A_1176 = arith.addi %mul3A_218, %add3A_1175 : i32
        %add3A_1177 = arith.constant 96 : i32
        %add3A_1178 = arith.addi %add3A_1176, %add3A_1177 : i32
        %get3A_1179 = arith.index_cast %add3A_1178 : i32 to index
        %get3A_1180 = tpu.vector_load %arg9[%get3A_1179] {strides = array<i32>} : memref<16384xf32, #tpu.memory_space<vmem>>, vector<16xf32>,
        %add3A_1181 = arith.addf %add3A_1149, %get3A_1180 : vector<16xf32>
        %max3A_1182 = arith.maximumf %max3A_1150, %get3A_1180 : vector<16xf32>
        %add3A_1183 = arith.constant 1280 : i32
        %add3A_1184 = arith.addi %mul3A_218, %add3A_1183 : i32
        %add3A_1185 = arith.constant 96 : i32
        %add3A_1186 = arith.addi %add3A_1184, %add3A_1185 : i32
        %get3A_1187 = arith.index_cast %add3A_1186 : i32 to index
        %get3A_1188 = tpu.vector_load %arg9[%get3A_1187] {strides = array<i32>} : memref<16384xf32, #tpu.memory_space<vmem>>, vector<16xf32>,
        %add3A_1189 = arith.addf %add3A_1157, %get3A_1188 : vector<16xf32>
        %max3A_1190 = arith.maximumf %max3A_1158, %get3A_1188 : vector<16xf32>
        %add3A_1191 = arith.constant 1408 : i32
        %add3A_1192 = arith.addi %mul3A_218, %add3A_1191 : i32
        %add3A_1193 = arith.constant 96 : i32
        %add3A_1194 = arith.addi %add3A_1192, %add3A_1193 : i32
        %get3A_1195 = arith.index_cast %add3A_1194 : i32 to index
        %get3A_1196 = tpu.vector_load %arg9[%get3A_1195] {strides = array<i32>} : memref<16384xf32, #tpu.memory_space<vmem>>, vector<16xf32>,
        %add3A_1197 = arith.addf %add3A_1165, %get3A_1196 : vector<16xf32>
        %max3A_1198 = arith.maximumf %max3A_1166, %get3A_1196 : vector<16xf32>
        %add3A_1199 = arith.constant 1536 : i32
        %add3A_1200 = arith.addi %mul3A_218, %add3A_1199 : i32
        %add3A_1201 = arith.constant 96 : i32
        %add3A_1202 = arith.addi %add3A_1200, %add3A_1201 : i32
        %get3A_1203 = arith.index_cast %add3A_1202 : i32 to index
        %get3A_1204 = tpu.vector_load %arg9[%get3A_1203] {strides = array<i32>} : memref<16384xf32, #tpu.memory_space<vmem>>, vector<16xf32>,
        %add3A_1205 = arith.addf %add3A_1173, %get3A_1204 : vector<16xf32>
        %max3A_1206 = arith.maximumf %max3A_1174, %get3A_1204 : vector<16xf32>
        %add3A_1207 = arith.constant 1664 : i32
        %add3A_1208 = arith.addi %mul3A_218, %add3A_1207 : i32
        %add3A_1209 = arith.constant 96 : i32
        %add3A_1210 = arith.addi %add3A_1208, %add3A_1209 : i32
        %get3A_1211 = arith.index_cast %add3A_1210 : i32 to index
        %get3A_1212 = tpu.vector_load %arg9[%get3A_1211] {strides = array<i32>} : memref<16384xf32, #tpu.memory_space<vmem>>, vector<16xf32>,
        %add3A_1213 = arith.addf %add3A_1181, %get3A_1212 : vector<16xf32>
        %max3A_1214 = arith.maximumf %max3A_1182, %get3A_1212 : vector<16xf32>
        %add3A_1215 = arith.constant 1792 : i32
        %add3A_1216 = arith.addi %mul3A_218, %add3A_1215 : i32
        %add3A_1217 = arith.constant 96 : i32
        %add3A_1218 = arith.addi %add3A_1216, %add3A_1217 : i32
        %get3A_1219 = arith.index_cast %add3A_1218 : i32 to index
        %get3A_1220 = tpu.vector_load %arg9[%get3A_1219] {strides = array<i32>} : memref<16384xf32, #tpu.memory_space<vmem>>, vector<16xf32>,
        %add3A_1221 = arith.addf %add3A_1189, %get3A_1220 : vector<16xf32>
        %max3A_1222 = arith.maximumf %max3A_1190, %get3A_1220 : vector<16xf32>
        %add3A_1223 = arith.constant 1920 : i32
        %add3A_1224 = arith.addi %mul3A_218, %add3A_1223 : i32
        %add3A_1225 = arith.constant 96 : i32
        %add3A_1226 = arith.addi %add3A_1224, %add3A_1225 : i32
        %get3A_1227 = arith.index_cast %add3A_1226 : i32 to index
        %get3A_1228 = tpu.vector_load %arg9[%get3A_1227] {strides = array<i32>} : memref<16384xf32, #tpu.memory_space<vmem>>, vector<16xf32>,
        %add3A_1229 = arith.addf %add3A_1197, %get3A_1228 : vector<16xf32>
        %max3A_1230 = arith.maximumf %max3A_1198, %get3A_1228 : vector<16xf32>
        %add3A_1231 = arith.addf %add3A_1205, %add3A_1213 : vector<16xf32>
        %add3A_1232 = arith.addf %add3A_1221, %add3A_1229 : vector<16xf32>
        %add3A_1233 = arith.addf %add3A_1231, %add3A_1232 : vector<16xf32>
        %max3A_1234 = arith.maximumf %max3A_1206, %max3A_1214 : vector<16xf32>
        %max3A_1235 = arith.maximumf %max3A_1222, %max3A_1230 : vector<16xf32>
        %max3A_1236 = arith.maximumf %max3A_1234, %max3A_1235 : vector<16xf32>
        %mul3A_1237 = arith.constant 384 : i32
        %mul3A_1238 = arith.muli %scan3A_214, %mul3A_1237 : i32
        %add3A_1239 = arith.constant 96 : i32
        %add3A_1240 = arith.addi %mul3A_1238, %add3A_1239 : i32
        %mul3A_1241 = arith.constant 6.250000e-02 : f32
        %mul3A_1242 = vector.broadcast %mul3A_1241 : f32 to vector<16xf32>
        %mul3A_1243 = arith.mulf %add3A_1233, %mul3A_1242 : vector<16xf32>
        %swap3A_1244 = arith.constant 0 : i32
        %swap3A_1245 = arith.index_cast %swap3A_1244 : i32 to index
        %swap3A_1246 = arith.index_cast %add3A_1240 : i32 to index
        %swap3A_1247 = tpu.vector_load %arg11[%swap3A_1245, %swap3A_1246] {strides = array<i32>} : memref<1x3072xf32, #tpu.memory_space<vmem>>, vector<16xf32>,
        tpu.vector_store %arg11[%swap3A_1245, %swap3A_1246], %mul3A_1243 {strides = array<i32>} : memref<1x3072xf32, #tpu.memory_space<vmem>>, vector<16xf32>,
        %add3A_1248 = arith.constant 128 : i32
        %add3A_1249 = arith.addi %add3A_1240, %add3A_1248 : i32
        %swap3A_1250 = arith.constant 0 : i32
        %swap3A_1251 = arith.index_cast %swap3A_1250 : i32 to index
        %swap3A_1252 = arith.index_cast %add3A_1249 : i32 to index
        %swap3A_1253 = tpu.vector_load %arg11[%swap3A_1251, %swap3A_1252] {strides = array<i32>} : memref<1x3072xf32, #tpu.memory_space<vmem>>, vector<16xf32>,
        tpu.vector_store %arg11[%swap3A_1251, %swap3A_1252], %max3A_1236 {strides = array<i32>} : memref<1x3072xf32, #tpu.memory_space<vmem>>, vector<16xf32>,
        %add3A_1254 = arith.constant 256 : i32
        %add3A_1255 = arith.addi %add3A_1240, %add3A_1254 : i32
        %swap3A_1256 = arith.constant 0 : i32
        %swap3A_1257 = arith.index_cast %swap3A_1256 : i32 to index
        %swap3A_1258 = arith.index_cast %add3A_1255 : i32 to index
        %swap3A_1259 = tpu.vector_load %arg11[%swap3A_1257, %swap3A_1258] {strides = array<i32>} : memref<1x3072xf32, #tpu.memory_space<vmem>>, vector<16xf32>,
        tpu.vector_store %arg11[%swap3A_1257, %swap3A_1258], %add3A_1233 {strides = array<i32>} : memref<1x3072xf32, #tpu.memory_space<vmem>>, vector<16xf32>,
        %add3A_1260 = arith.constant 0 : i32
        %add3A_1261 = arith.addi %mul3A_218, %add3A_1260 : i32
        %add3A_1262 = arith.constant 112 : i32
        %add3A_1263 = arith.addi %add3A_1261, %add3A_1262 : i32
        %get3A_1264 = arith.index_cast %add3A_1263 : i32 to index
        %get3A_1265 = tpu.vector_load %arg9[%get3A_1264] {strides = array<i32>} : memref<16384xf32, #tpu.memory_space<vmem>>, vector<16xf32>,
        %add3A_1266 = arith.constant 128 : i32
        %add3A_1267 = arith.addi %mul3A_218, %add3A_1266 : i32
        %add3A_1268 = arith.constant 112 : i32
        %add3A_1269 = arith.addi %add3A_1267, %add3A_1268 : i32
        %get3A_1270 = arith.index_cast %add3A_1269 : i32 to index
        %get3A_1271 = tpu.vector_load %arg9[%get3A_1270] {strides = array<i32>} : memref<16384xf32, #tpu.memory_space<vmem>>, vector<16xf32>,
        %add3A_1272 = arith.constant 256 : i32
        %add3A_1273 = arith.addi %mul3A_218, %add3A_1272 : i32
        %add3A_1274 = arith.constant 112 : i32
        %add3A_1275 = arith.addi %add3A_1273, %add3A_1274 : i32
        %get3A_1276 = arith.index_cast %add3A_1275 : i32 to index
        %get3A_1277 = tpu.vector_load %arg9[%get3A_1276] {strides = array<i32>} : memref<16384xf32, #tpu.memory_space<vmem>>, vector<16xf32>,
        %add3A_1278 = arith.constant 384 : i32
        %add3A_1279 = arith.addi %mul3A_218, %add3A_1278 : i32
        %add3A_1280 = arith.constant 112 : i32
        %add3A_1281 = arith.addi %add3A_1279, %add3A_1280 : i32
        %get3A_1282 = arith.index_cast %add3A_1281 : i32 to index
        %get3A_1283 = tpu.vector_load %arg9[%get3A_1282] {strides = array<i32>} : memref<16384xf32, #tpu.memory_space<vmem>>, vector<16xf32>,
        %add3A_1284 = arith.constant 512 : i32
        %add3A_1285 = arith.addi %mul3A_218, %add3A_1284 : i32
        %add3A_1286 = arith.constant 112 : i32
        %add3A_1287 = arith.addi %add3A_1285, %add3A_1286 : i32
        %get3A_1288 = arith.index_cast %add3A_1287 : i32 to index
        %get3A_1289 = tpu.vector_load %arg9[%get3A_1288] {strides = array<i32>} : memref<16384xf32, #tpu.memory_space<vmem>>, vector<16xf32>,
        %add3A_1290 = arith.addf %get3A_1265, %get3A_1289 : vector<16xf32>
        %max3A_1291 = arith.maximumf %get3A_1265, %get3A_1289 : vector<16xf32>
        %add3A_1292 = arith.constant 640 : i32
        %add3A_1293 = arith.addi %mul3A_218, %add3A_1292 : i32
        %add3A_1294 = arith.constant 112 : i32
        %add3A_1295 = arith.addi %add3A_1293, %add3A_1294 : i32
        %get3A_1296 = arith.index_cast %add3A_1295 : i32 to index
        %get3A_1297 = tpu.vector_load %arg9[%get3A_1296] {strides = array<i32>} : memref<16384xf32, #tpu.memory_space<vmem>>, vector<16xf32>,
        %add3A_1298 = arith.addf %get3A_1271, %get3A_1297 : vector<16xf32>
        %max3A_1299 = arith.maximumf %get3A_1271, %get3A_1297 : vector<16xf32>
        %add3A_1300 = arith.constant 768 : i32
        %add3A_1301 = arith.addi %mul3A_218, %add3A_1300 : i32
        %add3A_1302 = arith.constant 112 : i32
        %add3A_1303 = arith.addi %add3A_1301, %add3A_1302 : i32
        %get3A_1304 = arith.index_cast %add3A_1303 : i32 to index
        %get3A_1305 = tpu.vector_load %arg9[%get3A_1304] {strides = array<i32>} : memref<16384xf32, #tpu.memory_space<vmem>>, vector<16xf32>,
        %add3A_1306 = arith.addf %get3A_1277, %get3A_1305 : vector<16xf32>
        %max3A_1307 = arith.maximumf %get3A_1277, %get3A_1305 : vector<16xf32>
        %add3A_1308 = arith.constant 896 : i32
        %add3A_1309 = arith.addi %mul3A_218, %add3A_1308 : i32
        %add3A_1310 = arith.constant 112 : i32
        %add3A_1311 = arith.addi %add3A_1309, %add3A_1310 : i32
        %get3A_1312 = arith.index_cast %add3A_1311 : i32 to index
        %get3A_1313 = tpu.vector_load %arg9[%get3A_1312] {strides = array<i32>} : memref<16384xf32, #tpu.memory_space<vmem>>, vector<16xf32>,
        %add3A_1314 = arith.addf %get3A_1283, %get3A_1313 : vector<16xf32>
        %max3A_1315 = arith.maximumf %get3A_1283, %get3A_1313 : vector<16xf32>
        %add3A_1316 = arith.constant 1024 : i32
        %add3A_1317 = arith.addi %mul3A_218, %add3A_1316 : i32
        %add3A_1318 = arith.constant 112 : i32
        %add3A_1319 = arith.addi %add3A_1317, %add3A_1318 : i32
        %get3A_1320 = arith.index_cast %add3A_1319 : i32 to index
        %get3A_1321 = tpu.vector_load %arg9[%get3A_1320] {strides = array<i32>} : memref<16384xf32, #tpu.memory_space<vmem>>, vector<16xf32>,
        %add3A_1322 = arith.addf %add3A_1290, %get3A_1321 : vector<16xf32>
        %max3A_1323 = arith.maximumf %max3A_1291, %get3A_1321 : vector<16xf32>
        %add3A_1324 = arith.constant 1152 : i32
        %add3A_1325 = arith.addi %mul3A_218, %add3A_1324 : i32
        %add3A_1326 = arith.constant 112 : i32
        %add3A_1327 = arith.addi %add3A_1325, %add3A_1326 : i32
        %get3A_1328 = arith.index_cast %add3A_1327 : i32 to index
        %get3A_1329 = tpu.vector_load %arg9[%get3A_1328] {strides = array<i32>} : memref<16384xf32, #tpu.memory_space<vmem>>, vector<16xf32>,
        %add3A_1330 = arith.addf %add3A_1298, %get3A_1329 : vector<16xf32>
        %max3A_1331 = arith.maximumf %max3A_1299, %get3A_1329 : vector<16xf32>
        %add3A_1332 = arith.constant 1280 : i32
        %add3A_1333 = arith.addi %mul3A_218, %add3A_1332 : i32
        %add3A_1334 = arith.constant 112 : i32
        %add3A_1335 = arith.addi %add3A_1333, %add3A_1334 : i32
        %get3A_1336 = arith.index_cast %add3A_1335 : i32 to index
        %get3A_1337 = tpu.vector_load %arg9[%get3A_1336] {strides = array<i32>} : memref<16384xf32, #tpu.memory_space<vmem>>, vector<16xf32>,
        %add3A_1338 = arith.addf %add3A_1306, %get3A_1337 : vector<16xf32>
        %max3A_1339 = arith.maximumf %max3A_1307, %get3A_1337 : vector<16xf32>
        %add3A_1340 = arith.constant 1408 : i32
        %add3A_1341 = arith.addi %mul3A_218, %add3A_1340 : i32
        %add3A_1342 = arith.constant 112 : i32
        %add3A_1343 = arith.addi %add3A_1341, %add3A_1342 : i32
        %get3A_1344 = arith.index_cast %add3A_1343 : i32 to index
        %get3A_1345 = tpu.vector_load %arg9[%get3A_1344] {strides = array<i32>} : memref<16384xf32, #tpu.memory_space<vmem>>, vector<16xf32>,
        %add3A_1346 = arith.addf %add3A_1314, %get3A_1345 : vector<16xf32>
        %max3A_1347 = arith.maximumf %max3A_1315, %get3A_1345 : vector<16xf32>
        %add3A_1348 = arith.constant 1536 : i32
        %add3A_1349 = arith.addi %mul3A_218, %add3A_1348 : i32
        %add3A_1350 = arith.constant 112 : i32
        %add3A_1351 = arith.addi %add3A_1349, %add3A_1350 : i32
        %get3A_1352 = arith.index_cast %add3A_1351 : i32 to index
        %get3A_1353 = tpu.vector_load %arg9[%get3A_1352] {strides = array<i32>} : memref<16384xf32, #tpu.memory_space<vmem>>, vector<16xf32>,
        %add3A_1354 = arith.addf %add3A_1322, %get3A_1353 : vector<16xf32>
        %max3A_1355 = arith.maximumf %max3A_1323, %get3A_1353 : vector<16xf32>
        %add3A_1356 = arith.constant 1664 : i32
        %add3A_1357 = arith.addi %mul3A_218, %add3A_1356 : i32
        %add3A_1358 = arith.constant 112 : i32
        %add3A_1359 = arith.addi %add3A_1357, %add3A_1358 : i32
        %get3A_1360 = arith.index_cast %add3A_1359 : i32 to index
        %get3A_1361 = tpu.vector_load %arg9[%get3A_1360] {strides = array<i32>} : memref<16384xf32, #tpu.memory_space<vmem>>, vector<16xf32>,
        %add3A_1362 = arith.addf %add3A_1330, %get3A_1361 : vector<16xf32>
        %max3A_1363 = arith.maximumf %max3A_1331, %get3A_1361 : vector<16xf32>
        %add3A_1364 = arith.constant 1792 : i32
        %add3A_1365 = arith.addi %mul3A_218, %add3A_1364 : i32
        %add3A_1366 = arith.constant 112 : i32
        %add3A_1367 = arith.addi %add3A_1365, %add3A_1366 : i32
        %get3A_1368 = arith.index_cast %add3A_1367 : i32 to index
        %get3A_1369 = tpu.vector_load %arg9[%get3A_1368] {strides = array<i32>} : memref<16384xf32, #tpu.memory_space<vmem>>, vector<16xf32>,
        %add3A_1370 = arith.addf %add3A_1338, %get3A_1369 : vector<16xf32>
        %max3A_1371 = arith.maximumf %max3A_1339, %get3A_1369 : vector<16xf32>
        %add3A_1372 = arith.constant 1920 : i32
        %add3A_1373 = arith.addi %mul3A_218, %add3A_1372 : i32
        %add3A_1374 = arith.constant 112 : i32
        %add3A_1375 = arith.addi %add3A_1373, %add3A_1374 : i32
        %get3A_1376 = arith.index_cast %add3A_1375 : i32 to index
        %get3A_1377 = tpu.vector_load %arg9[%get3A_1376] {strides = array<i32>} : memref<16384xf32, #tpu.memory_space<vmem>>, vector<16xf32>,
        %add3A_1378 = arith.addf %add3A_1346, %get3A_1377 : vector<16xf32>
        %max3A_1379 = arith.maximumf %max3A_1347, %get3A_1377 : vector<16xf32>
        %add3A_1380 = arith.addf %add3A_1354, %add3A_1362 : vector<16xf32>
        %add3A_1381 = arith.addf %add3A_1370, %add3A_1378 : vector<16xf32>
        %add3A_1382 = arith.addf %add3A_1380, %add3A_1381 : vector<16xf32>
        %max3A_1383 = arith.maximumf %max3A_1355, %max3A_1363 : vector<16xf32>
        %max3A_1384 = arith.maximumf %max3A_1371, %max3A_1379 : vector<16xf32>
        %max3A_1385 = arith.maximumf %max3A_1383, %max3A_1384 : vector<16xf32>
        %mul3A_1386 = arith.constant 384 : i32
        %mul3A_1387 = arith.muli %scan3A_214, %mul3A_1386 : i32
        %add3A_1388 = arith.constant 112 : i32
        %add3A_1389 = arith.addi %mul3A_1387, %add3A_1388 : i32
        %mul3A_1390 = arith.constant 6.250000e-02 : f32
        %mul3A_1391 = vector.broadcast %mul3A_1390 : f32 to vector<16xf32>
        %mul3A_1392 = arith.mulf %add3A_1382, %mul3A_1391 : vector<16xf32>
        %swap3A_1393 = arith.constant 0 : i32
        %swap3A_1394 = arith.index_cast %swap3A_1393 : i32 to index
        %swap3A_1395 = arith.index_cast %add3A_1389 : i32 to index
        %swap3A_1396 = tpu.vector_load %arg11[%swap3A_1394, %swap3A_1395] {strides = array<i32>} : memref<1x3072xf32, #tpu.memory_space<vmem>>, vector<16xf32>,
        tpu.vector_store %arg11[%swap3A_1394, %swap3A_1395], %mul3A_1392 {strides = array<i32>} : memref<1x3072xf32, #tpu.memory_space<vmem>>, vector<16xf32>,
        %add3A_1397 = arith.constant 128 : i32
        %add3A_1398 = arith.addi %add3A_1389, %add3A_1397 : i32
        %swap3A_1399 = arith.constant 0 : i32
        %swap3A_1400 = arith.index_cast %swap3A_1399 : i32 to index
        %swap3A_1401 = arith.index_cast %add3A_1398 : i32 to index
        %swap3A_1402 = tpu.vector_load %arg11[%swap3A_1400, %swap3A_1401] {strides = array<i32>} : memref<1x3072xf32, #tpu.memory_space<vmem>>, vector<16xf32>,
        tpu.vector_store %arg11[%swap3A_1400, %swap3A_1401], %max3A_1385 {strides = array<i32>} : memref<1x3072xf32, #tpu.memory_space<vmem>>, vector<16xf32>,
        %add3A_1403 = arith.constant 256 : i32
        %add3A_1404 = arith.addi %add3A_1389, %add3A_1403 : i32
        %swap3A_1405 = arith.constant 0 : i32
        %swap3A_1406 = arith.index_cast %swap3A_1405 : i32 to index
        %swap3A_1407 = arith.index_cast %add3A_1404 : i32 to index
        %swap3A_1408 = tpu.vector_load %arg11[%swap3A_1406, %swap3A_1407] {strides = array<i32>} : memref<1x3072xf32, #tpu.memory_space<vmem>>, vector<16xf32>,
        tpu.vector_store %arg11[%swap3A_1406, %swap3A_1407], %add3A_1382 {strides = array<i32>} : memref<1x3072xf32, #tpu.memory_space<vmem>>, vector<16xf32>,
      }
      %scan3A_182 = arith.constant 8 : i32
      %add3A_183 = arith.addi %mul3A_34, %mul3A_101 : i32
      %dma_start3A = arith.constant 0 : i32
      %dma_start3A_184 = tpu.memref_slice %arg4[%add3A_183, %dma_start3A] : memref<2048x3072xf32, #tpu.memory_space<hbm>> -> memref<1x3072xf32, #tpu.memory_space<hbm>>
      %dma_start3A_185 = arith.constant 0 : i32
      %dma_start3A_186 = tpu.memref_slice %arg4[%add3A_183, %dma_start3A_185] : memref<2048x3072xf32, #tpu.memory_space<hbm>> -> memref<1x3072xf32, #tpu.memory_space<hbm>>
      tpu.enqueue_dma source(%arg11 : memref<1x3072xf32, #tpu.memory_space<vmem>>) target(%dma_start3A_186 : memref<1x3072xf32, #tpu.memory_space<hbm>>) target_semaphore(%arg16 : memref<!tpu.dma_semaphore, #tpu.memory_space<semaphore_mem>>)
      %lt3A_187 = arith.constant 31 : i32
      %lt3A_188 = arith.cmpi slt, %scan3A_99, %lt3A_187 : i32
      %convert_element_type3A_189 = arith.extui %lt3A_188 : i1 to i32
      %cond3A_190 = arith.constant 0 : i32
      %cond3A_191 = arith.cmpi ne, %convert_element_type3A_189, %cond3A_190 : i32
      scf.if %cond3A_191 {
        %add3A_214 = arith.addi %mul3A_34, %mul3A_101 : i32
        %add3A_215 = arith.constant 2 : i32
        %add3A_216 = arith.addi %add3A_214, %add3A_215 : i32
        %jit3A_217 = arith.constant 16 : i32
        %div3A_218 = arith.divsi %add3A_216, %jit3A_217 : i32
        %sign3A_219 = arith.constant 0 : i32
        %sign3A_220 = arith.cmpi sgt, %add3A_216, %sign3A_219 : i32
        %sign3A_221 = arith.extui %sign3A_220 : i1 to i32
        %sign3A_222 = arith.constant 0 : i32
        %sign3A_223 = arith.cmpi slt, %add3A_216, %sign3A_222 : i32
        %sign3A_224 = arith.extui %sign3A_223 : i1 to i32
        %sign3A_225 = arith.subi %sign3A_221, %sign3A_224 : i32
        %sign3A_226 = arith.constant 0 : i32
        %sign3A_227 = arith.cmpi sgt, %jit3A_217, %sign3A_226 : i32
        %sign3A_228 = arith.extui %sign3A_227 : i1 to i32
        %sign3A_229 = arith.constant 0 : i32
        %sign3A_230 = arith.cmpi slt, %jit3A_217, %sign3A_229 : i32
        %sign3A_231 = arith.extui %sign3A_230 : i1 to i32
        %sign3A_232 = arith.subi %sign3A_228, %sign3A_231 : i32
        %ne3A_233 = arith.cmpi ne, %sign3A_225, %sign3A_232 : i32
        %rem3A_234 = arith.remsi %add3A_216, %jit3A_217 : i32
        %ne3A_235 = arith.constant 0 : i32
        %ne3A_236 = arith.cmpi ne, %rem3A_234, %ne3A_235 : i32
        %and3A_237 = arith.andi %ne3A_233, %ne3A_236 : i1
        %sub3A_238 = arith.constant 1 : i32
        %sub3A_239 = arith.subi %div3A_218, %sub3A_238 : i32
        %select_n3A_240 = arith.select %and3A_237, %sub3A_239, %div3A_218 : i32
        %mul3A_241 = arith.constant 16 : i32
        %mul3A_242 = arith.muli %mul3A_241, %select_n3A_240 : i32
        %get3A_243 = arith.index_cast %mul3A_242 : i32 to index
        %get3A_244 = tpu.vector_load %arg8[%get3A_243] {strides = array<i32>} : memref<2048xi32, #tpu.memory_space<vmem>>, vector<16xi32>,
        %jit3A_245 = arith.constant 16 : i32
        %eq3A_246 = arith.constant 0 : i32
        %eq3A_247 = arith.cmpi eq, %jit3A_245, %eq3A_246 : i32
        %jit3A_248 = arith.constant 1 : i32
        %select_n3A_249 = arith.select %eq3A_247, %jit3A_248, %jit3A_245 : i32
        %rem3A_250 = arith.remsi %add3A_216, %select_n3A_249 : i32
        %ne3A_251 = arith.constant 0 : i32
        %ne3A_252 = arith.cmpi ne, %rem3A_250, %ne3A_251 : i32
        %lt3A_253 = arith.constant 0 : i32
        %lt3A_254 = arith.cmpi slt, %rem3A_250, %lt3A_253 : i32
        %lt3A_255 = arith.constant 0 : i32
        %lt3A_256 = arith.cmpi slt, %select_n3A_249, %lt3A_255 : i32
        %ne3A_257 = arith.xori %lt3A_254, %lt3A_256 : i1
        %and3A_258 = arith.andi %ne3A_257, %ne3A_252 : i1
        %add3A_259 = arith.addi %rem3A_250, %select_n3A_249 : i32
        %select_n3A_260 = arith.select %and3A_258, %add3A_259, %rem3A_250 : i32
        %eq3A_261 = vector.broadcast %select_n3A_260 : i32 to vector<16xi32>
        %eq3A_262 = arith.cmpi eq, %iota3A, %eq3A_261 : vector<16xi32>
        %jit3A_263 = arith.constant 0 : i32
        %broadcast_in_dim3A_264 = vector.broadcast %jit3A_263 : i32 to vector<16xi32>
        %select_n3A_265 = arith.select %eq3A_262, %get3A_244, %broadcast_in_dim3A_264 : vector<16xi1>, vector<16xi32>
        %reduce_sum3A_266 = arith.constant true
        %reduce_sum3A_267 = vector.broadcast %reduce_sum3A_266 : i1 to vector<16xi1>
        %reduce_sum3A_268 = tpu.scan <sum>, %select_n3A_265 masked %reduce_sum3A_267 : vector<16xi32>, vector<16xi1> -> vector<16xi32>
        %reduce_sum3A_269 = vector.extract %reduce_sum3A_268[15] : i32 from vector<16xi32>
        %le3A_270 = arith.constant 524160 : i32
        %le3A_271 = arith.cmpi sle, %reduce_sum3A_269, %le3A_270 : i32
        %convert_element_type3A_272 = arith.extui %le3A_271 : i1 to i32
        %cond3A_273 = arith.constant 0 : i32
        %cond3A_274 = arith.cmpi ne, %convert_element_type3A_272, %cond3A_273 : i32
        scf.if %cond3A_274 {
          %mul3A_280 = arith.constant 128 : i32
          %mul3A_281 = arith.muli %reduce_sum3A_269, %mul3A_280 : i32
          %dma_start3A_282 = tpu.memref_slice %arg2[%mul3A_281] : memref<67108864xf32, #tpu.memory_space<hbm>> -> memref<16384xf32, #tpu.memory_space<hbm>>
          %dma_start3A_283 = tpu.memref_slice %arg2[%mul3A_281] : memref<67108864xf32, #tpu.memory_space<hbm>> -> memref<16384xf32, #tpu.memory_space<hbm>>
          tpu.enqueue_dma source(%dma_start3A_283 : memref<16384xf32, #tpu.memory_space<hbm>>) target(%arg9 : memref<16384xf32, #tpu.memory_space<vmem>>) target_semaphore(%arg14 : memref<!tpu.dma_semaphore, #tpu.memory_space<semaphore_mem>>)
        } else {
        }
        %gt3A_275 = arith.constant 524160 : i32
        %gt3A_276 = arith.cmpi sgt, %reduce_sum3A_269, %gt3A_275 : i32
        %convert_element_type3A_277 = arith.extui %gt3A_276 : i1 to i32
        %cond3A_278 = arith.constant 0 : i32
        %cond3A_279 = arith.cmpi ne, %convert_element_type3A_277, %cond3A_278 : i32
        scf.if %cond3A_279 {
          %scan3A_280 = arith.constant 0 : i32
          %scan3A_281 = arith.constant 0 : i32
          %scan3A_282 = arith.constant 128 : i32
          %scan3A_283 = arith.addi %scan3A_281, %scan3A_282 : i32
          %scan3A_284 = arith.constant 1 : i32
          scf.for %scan3A_286 = %scan3A_281 to %scan3A_283 step %scan3A_284  : i32 {
            %add3A_287 = arith.addi %reduce_sum3A_269, %scan3A_286 : i32
            %min3A = arith.constant 524287 : i32
            %min3A_288 = arith.minsi %add3A_287, %min3A : i32
            %mul3A_289 = arith.constant 128 : i32
            %mul3A_290 = arith.muli %min3A_288, %mul3A_289 : i32
            %mul3A_291 = arith.constant 128 : i32
            %mul3A_292 = arith.muli %scan3A_286, %mul3A_291 : i32
            %dma_start3A_293 = tpu.memref_slice %arg9[%mul3A_292] : memref<16384xf32, #tpu.memory_space<vmem>> -> memref<128xf32, #tpu.memory_space<vmem>>
            %dma_start3A_294 = tpu.memref_slice %arg2[%mul3A_290] : memref<67108864xf32, #tpu.memory_space<hbm>> -> memref<128xf32, #tpu.memory_space<hbm>>
            %dma_start3A_295 = tpu.memref_slice %arg9[%mul3A_292] : memref<16384xf32, #tpu.memory_space<vmem>> -> memref<128xf32, #tpu.memory_space<vmem>>
            %dma_start3A_296 = tpu.memref_slice %arg2[%mul3A_290] : memref<67108864xf32, #tpu.memory_space<hbm>> -> memref<128xf32, #tpu.memory_space<hbm>>
            tpu.enqueue_dma source(%dma_start3A_296 : memref<128xf32, #tpu.memory_space<hbm>>) target(%dma_start3A_295 : memref<128xf32, #tpu.memory_space<vmem>>) target_semaphore(%arg14 : memref<!tpu.dma_semaphore, #tpu.memory_space<semaphore_mem>>)
          }
          %scan3A_285 = arith.constant 128 : i32
        } else {
        }
      } else {
      }
      %dma_wait3A_192 = arith.constant 0 : i32
      %dma_wait3A_193 = tpu.memref_slice %arg2[%dma_wait3A_192] : memref<67108864xf32, #tpu.memory_space<hbm>> -> memref<16384xf32, #tpu.memory_space<hbm>>
      %dma_wait3A_194 = arith.constant 0 : i32
      %dma_wait3A_195 = tpu.memref_slice %arg2[%dma_wait3A_194] : memref<67108864xf32, #tpu.memory_space<hbm>> -> memref<16384xf32, #tpu.memory_space<hbm>>
      tpu.wait_dma2 semaphore(%arg15 : memref<!tpu.dma_semaphore, #tpu.memory_space<semaphore_mem>>) src(%dma_wait3A_195 : memref<16384xf32, #tpu.memory_space<hbm>>) dst(%arg10 : memref<16384xf32, #tpu.memory_space<vmem>>)
      %gt3A_196 = arith.constant 0 : i32
      %gt3A_197 = arith.cmpi sgt, %scan3A_99, %gt3A_196 : i32
      %convert_element_type3A_198 = arith.extui %gt3A_197 : i1 to i32
      %cond3A_199 = arith.constant 0 : i32
      %cond3A_200 = arith.cmpi ne, %convert_element_type3A_198, %cond3A_199 : i32
      scf.if %cond3A_200 {
        %dma_wait3A_214 = arith.constant 0 : i32
        %dma_wait3A_215 = tpu.memref_slice %arg4[%mul3A_34, %dma_wait3A_214] : memref<2048x3072xf32, #tpu.memory_space<hbm>> -> memref<1x3072xf32, #tpu.memory_space<hbm>>
        %dma_wait3A_216 = arith.constant 0 : i32
        %dma_wait3A_217 = tpu.memref_slice %arg4[%mul3A_34, %dma_wait3A_216] : memref<2048x3072xf32, #tpu.memory_space<hbm>> -> memref<1x3072xf32, #tpu.memory_space<hbm>>
        tpu.wait_dma2 semaphore(%arg17 : memref<!tpu.dma_semaphore, #tpu.memory_space<semaphore_mem>>) src(%arg12 : memref<1x3072xf32, #tpu.memory_space<vmem>>) dst(%dma_wait3A_217 : memref<1x3072xf32, #tpu.memory_space<hbm>>)
      } else {
      }
      %scan3A_201 = arith.constant 0 : i32
      %scan3A_202 = arith.constant 0 : i32
      %scan3A_203 = arith.constant 8 : i32
      %scan3A_204 = arith.addi %scan3A_202, %scan3A_203 : i32
      %scan3A_205 = arith.constant 1 : i32
      scf.for %scan3A_214 = %scan3A_202 to %scan3A_204 step %scan3A_205  : i32 {
        %mul3A_215 = arith.constant 16 : i32
        %mul3A_216 = arith.muli %mul3A_215, %scan3A_214 : i32
        %mul3A_217 = arith.constant 128 : i32
        %mul3A_218 = arith.muli %mul3A_216, %mul3A_217 : i32
        %add3A_219 = arith.constant 0 : i32
        %add3A_220 = arith.addi %mul3A_218, %add3A_219 : i32
        %add3A_221 = arith.constant 0 : i32
        %add3A_222 = arith.addi %add3A_220, %add3A_221 : i32
        %get3A_223 = arith.index_cast %add3A_222 : i32 to index
        %get3A_224 = tpu.vector_load %arg10[%get3A_223] {strides = array<i32>} : memref<16384xf32, #tpu.memory_space<vmem>>, vector<16xf32>,
        %add3A_225 = arith.constant 128 : i32
        %add3A_226 = arith.addi %mul3A_218, %add3A_225 : i32
        %add3A_227 = arith.constant 0 : i32
        %add3A_228 = arith.addi %add3A_226, %add3A_227 : i32
        %get3A_229 = arith.index_cast %add3A_228 : i32 to index
        %get3A_230 = tpu.vector_load %arg10[%get3A_229] {strides = array<i32>} : memref<16384xf32, #tpu.memory_space<vmem>>, vector<16xf32>,
        %add3A_231 = arith.constant 256 : i32
        %add3A_232 = arith.addi %mul3A_218, %add3A_231 : i32
        %add3A_233 = arith.constant 0 : i32
        %add3A_234 = arith.addi %add3A_232, %add3A_233 : i32
        %get3A_235 = arith.index_cast %add3A_234 : i32 to index
        %get3A_236 = tpu.vector_load %arg10[%get3A_235] {strides = array<i32>} : memref<16384xf32, #tpu.memory_space<vmem>>, vector<16xf32>,
        %add3A_237 = arith.constant 384 : i32
        %add3A_238 = arith.addi %mul3A_218, %add3A_237 : i32
        %add3A_239 = arith.constant 0 : i32
        %add3A_240 = arith.addi %add3A_238, %add3A_239 : i32
        %get3A_241 = arith.index_cast %add3A_240 : i32 to index
        %get3A_242 = tpu.vector_load %arg10[%get3A_241] {strides = array<i32>} : memref<16384xf32, #tpu.memory_space<vmem>>, vector<16xf32>,
        %add3A_243 = arith.constant 512 : i32
        %add3A_244 = arith.addi %mul3A_218, %add3A_243 : i32
        %add3A_245 = arith.constant 0 : i32
        %add3A_246 = arith.addi %add3A_244, %add3A_245 : i32
        %get3A_247 = arith.index_cast %add3A_246 : i32 to index
        %get3A_248 = tpu.vector_load %arg10[%get3A_247] {strides = array<i32>} : memref<16384xf32, #tpu.memory_space<vmem>>, vector<16xf32>,
        %add3A_249 = arith.addf %get3A_224, %get3A_248 : vector<16xf32>
        %max3A = arith.maximumf %get3A_224, %get3A_248 : vector<16xf32>
        %add3A_250 = arith.constant 640 : i32
        %add3A_251 = arith.addi %mul3A_218, %add3A_250 : i32
        %add3A_252 = arith.constant 0 : i32
        %add3A_253 = arith.addi %add3A_251, %add3A_252 : i32
        %get3A_254 = arith.index_cast %add3A_253 : i32 to index
        %get3A_255 = tpu.vector_load %arg10[%get3A_254] {strides = array<i32>} : memref<16384xf32, #tpu.memory_space<vmem>>, vector<16xf32>,
        %add3A_256 = arith.addf %get3A_230, %get3A_255 : vector<16xf32>
        %max3A_257 = arith.maximumf %get3A_230, %get3A_255 : vector<16xf32>
        %add3A_258 = arith.constant 768 : i32
        %add3A_259 = arith.addi %mul3A_218, %add3A_258 : i32
        %add3A_260 = arith.constant 0 : i32
        %add3A_261 = arith.addi %add3A_259, %add3A_260 : i32
        %get3A_262 = arith.index_cast %add3A_261 : i32 to index
        %get3A_263 = tpu.vector_load %arg10[%get3A_262] {strides = array<i32>} : memref<16384xf32, #tpu.memory_space<vmem>>, vector<16xf32>,
        %add3A_264 = arith.addf %get3A_236, %get3A_263 : vector<16xf32>
        %max3A_265 = arith.maximumf %get3A_236, %get3A_263 : vector<16xf32>
        %add3A_266 = arith.constant 896 : i32
        %add3A_267 = arith.addi %mul3A_218, %add3A_266 : i32
        %add3A_268 = arith.constant 0 : i32
        %add3A_269 = arith.addi %add3A_267, %add3A_268 : i32
        %get3A_270 = arith.index_cast %add3A_269 : i32 to index
        %get3A_271 = tpu.vector_load %arg10[%get3A_270] {strides = array<i32>} : memref<16384xf32, #tpu.memory_space<vmem>>, vector<16xf32>,
        %add3A_272 = arith.addf %get3A_242, %get3A_271 : vector<16xf32>
        %max3A_273 = arith.maximumf %get3A_242, %get3A_271 : vector<16xf32>
        %add3A_274 = arith.constant 1024 : i32
        %add3A_275 = arith.addi %mul3A_218, %add3A_274 : i32
        %add3A_276 = arith.constant 0 : i32
        %add3A_277 = arith.addi %add3A_275, %add3A_276 : i32
        %get3A_278 = arith.index_cast %add3A_277 : i32 to index
        %get3A_279 = tpu.vector_load %arg10[%get3A_278] {strides = array<i32>} : memref<16384xf32, #tpu.memory_space<vmem>>, vector<16xf32>,
        %add3A_280 = arith.addf %add3A_249, %get3A_279 : vector<16xf32>
        %max3A_281 = arith.maximumf %max3A, %get3A_279 : vector<16xf32>
        %add3A_282 = arith.constant 1152 : i32
        %add3A_283 = arith.addi %mul3A_218, %add3A_282 : i32
        %add3A_284 = arith.constant 0 : i32
        %add3A_285 = arith.addi %add3A_283, %add3A_284 : i32
        %get3A_286 = arith.index_cast %add3A_285 : i32 to index
        %get3A_287 = tpu.vector_load %arg10[%get3A_286] {strides = array<i32>} : memref<16384xf32, #tpu.memory_space<vmem>>, vector<16xf32>,
        %add3A_288 = arith.addf %add3A_256, %get3A_287 : vector<16xf32>
        %max3A_289 = arith.maximumf %max3A_257, %get3A_287 : vector<16xf32>
        %add3A_290 = arith.constant 1280 : i32
        %add3A_291 = arith.addi %mul3A_218, %add3A_290 : i32
        %add3A_292 = arith.constant 0 : i32
        %add3A_293 = arith.addi %add3A_291, %add3A_292 : i32
        %get3A_294 = arith.index_cast %add3A_293 : i32 to index
        %get3A_295 = tpu.vector_load %arg10[%get3A_294] {strides = array<i32>} : memref<16384xf32, #tpu.memory_space<vmem>>, vector<16xf32>,
        %add3A_296 = arith.addf %add3A_264, %get3A_295 : vector<16xf32>
        %max3A_297 = arith.maximumf %max3A_265, %get3A_295 : vector<16xf32>
        %add3A_298 = arith.constant 1408 : i32
        %add3A_299 = arith.addi %mul3A_218, %add3A_298 : i32
        %add3A_300 = arith.constant 0 : i32
        %add3A_301 = arith.addi %add3A_299, %add3A_300 : i32
        %get3A_302 = arith.index_cast %add3A_301 : i32 to index
        %get3A_303 = tpu.vector_load %arg10[%get3A_302] {strides = array<i32>} : memref<16384xf32, #tpu.memory_space<vmem>>, vector<16xf32>,
        %add3A_304 = arith.addf %add3A_272, %get3A_303 : vector<16xf32>
        %max3A_305 = arith.maximumf %max3A_273, %get3A_303 : vector<16xf32>
        %add3A_306 = arith.constant 1536 : i32
        %add3A_307 = arith.addi %mul3A_218, %add3A_306 : i32
        %add3A_308 = arith.constant 0 : i32
        %add3A_309 = arith.addi %add3A_307, %add3A_308 : i32
        %get3A_310 = arith.index_cast %add3A_309 : i32 to index
        %get3A_311 = tpu.vector_load %arg10[%get3A_310] {strides = array<i32>} : memref<16384xf32, #tpu.memory_space<vmem>>, vector<16xf32>,
        %add3A_312 = arith.addf %add3A_280, %get3A_311 : vector<16xf32>
        %max3A_313 = arith.maximumf %max3A_281, %get3A_311 : vector<16xf32>
        %add3A_314 = arith.constant 1664 : i32
        %add3A_315 = arith.addi %mul3A_218, %add3A_314 : i32
        %add3A_316 = arith.constant 0 : i32
        %add3A_317 = arith.addi %add3A_315, %add3A_316 : i32
        %get3A_318 = arith.index_cast %add3A_317 : i32 to index
        %get3A_319 = tpu.vector_load %arg10[%get3A_318] {strides = array<i32>} : memref<16384xf32, #tpu.memory_space<vmem>>, vector<16xf32>,
        %add3A_320 = arith.addf %add3A_288, %get3A_319 : vector<16xf32>
        %max3A_321 = arith.maximumf %max3A_289, %get3A_319 : vector<16xf32>
        %add3A_322 = arith.constant 1792 : i32
        %add3A_323 = arith.addi %mul3A_218, %add3A_322 : i32
        %add3A_324 = arith.constant 0 : i32
        %add3A_325 = arith.addi %add3A_323, %add3A_324 : i32
        %get3A_326 = arith.index_cast %add3A_325 : i32 to index
        %get3A_327 = tpu.vector_load %arg10[%get3A_326] {strides = array<i32>} : memref<16384xf32, #tpu.memory_space<vmem>>, vector<16xf32>,
        %add3A_328 = arith.addf %add3A_296, %get3A_327 : vector<16xf32>
        %max3A_329 = arith.maximumf %max3A_297, %get3A_327 : vector<16xf32>
        %add3A_330 = arith.constant 1920 : i32
        %add3A_331 = arith.addi %mul3A_218, %add3A_330 : i32
        %add3A_332 = arith.constant 0 : i32
        %add3A_333 = arith.addi %add3A_331, %add3A_332 : i32
        %get3A_334 = arith.index_cast %add3A_333 : i32 to index
        %get3A_335 = tpu.vector_load %arg10[%get3A_334] {strides = array<i32>} : memref<16384xf32, #tpu.memory_space<vmem>>, vector<16xf32>,
        %add3A_336 = arith.addf %add3A_304, %get3A_335 : vector<16xf32>
        %max3A_337 = arith.maximumf %max3A_305, %get3A_335 : vector<16xf32>
        %add3A_338 = arith.addf %add3A_312, %add3A_320 : vector<16xf32>
        %add3A_339 = arith.addf %add3A_328, %add3A_336 : vector<16xf32>
        %add3A_340 = arith.addf %add3A_338, %add3A_339 : vector<16xf32>
        %max3A_341 = arith.maximumf %max3A_313, %max3A_321 : vector<16xf32>
        %max3A_342 = arith.maximumf %max3A_329, %max3A_337 : vector<16xf32>
        %max3A_343 = arith.maximumf %max3A_341, %max3A_342 : vector<16xf32>
        %mul3A_344 = arith.constant 384 : i32
        %mul3A_345 = arith.muli %scan3A_214, %mul3A_344 : i32
        %add3A_346 = arith.constant 0 : i32
        %add3A_347 = arith.addi %mul3A_345, %add3A_346 : i32
        %mul3A_348 = arith.constant 6.250000e-02 : f32
        %mul3A_349 = vector.broadcast %mul3A_348 : f32 to vector<16xf32>
        %mul3A_350 = arith.mulf %add3A_340, %mul3A_349 : vector<16xf32>
        %swap3A = arith.constant 0 : i32
        %swap3A_351 = arith.index_cast %swap3A : i32 to index
        %swap3A_352 = arith.index_cast %add3A_347 : i32 to index
        %swap3A_353 = tpu.vector_load %arg12[%swap3A_351, %swap3A_352] {strides = array<i32>} : memref<1x3072xf32, #tpu.memory_space<vmem>>, vector<16xf32>,
        tpu.vector_store %arg12[%swap3A_351, %swap3A_352], %mul3A_350 {strides = array<i32>} : memref<1x3072xf32, #tpu.memory_space<vmem>>, vector<16xf32>,
        %add3A_354 = arith.constant 128 : i32
        %add3A_355 = arith.addi %add3A_347, %add3A_354 : i32
        %swap3A_356 = arith.constant 0 : i32
        %swap3A_357 = arith.index_cast %swap3A_356 : i32 to index
        %swap3A_358 = arith.index_cast %add3A_355 : i32 to index
        %swap3A_359 = tpu.vector_load %arg12[%swap3A_357, %swap3A_358] {strides = array<i32>} : memref<1x3072xf32, #tpu.memory_space<vmem>>, vector<16xf32>,
        tpu.vector_store %arg12[%swap3A_357, %swap3A_358], %max3A_343 {strides = array<i32>} : memref<1x3072xf32, #tpu.memory_space<vmem>>, vector<16xf32>,
        %add3A_360 = arith.constant 256 : i32
        %add3A_361 = arith.addi %add3A_347, %add3A_360 : i32
        %swap3A_362 = arith.constant 0 : i32
        %swap3A_363 = arith.index_cast %swap3A_362 : i32 to index
        %swap3A_364 = arith.index_cast %add3A_361 : i32 to index
        %swap3A_365 = tpu.vector_load %arg12[%swap3A_363, %swap3A_364] {strides = array<i32>} : memref<1x3072xf32, #tpu.memory_space<vmem>>, vector<16xf32>,
        tpu.vector_store %arg12[%swap3A_363, %swap3A_364], %add3A_340 {strides = array<i32>} : memref<1x3072xf32, #tpu.memory_space<vmem>>, vector<16xf32>,
        %add3A_366 = arith.constant 0 : i32
        %add3A_367 = arith.addi %mul3A_218, %add3A_366 : i32
        %add3A_368 = arith.constant 16 : i32
        %add3A_369 = arith.addi %add3A_367, %add3A_368 : i32
        %get3A_370 = arith.index_cast %add3A_369 : i32 to index
        %get3A_371 = tpu.vector_load %arg10[%get3A_370] {strides = array<i32>} : memref<16384xf32, #tpu.memory_space<vmem>>, vector<16xf32>,
        %add3A_372 = arith.constant 128 : i32
        %add3A_373 = arith.addi %mul3A_218, %add3A_372 : i32
        %add3A_374 = arith.constant 16 : i32
        %add3A_375 = arith.addi %add3A_373, %add3A_374 : i32
        %get3A_376 = arith.index_cast %add3A_375 : i32 to index
        %get3A_377 = tpu.vector_load %arg10[%get3A_376] {strides = array<i32>} : memref<16384xf32, #tpu.memory_space<vmem>>, vector<16xf32>,
        %add3A_378 = arith.constant 256 : i32
        %add3A_379 = arith.addi %mul3A_218, %add3A_378 : i32
        %add3A_380 = arith.constant 16 : i32
        %add3A_381 = arith.addi %add3A_379, %add3A_380 : i32
        %get3A_382 = arith.index_cast %add3A_381 : i32 to index
        %get3A_383 = tpu.vector_load %arg10[%get3A_382] {strides = array<i32>} : memref<16384xf32, #tpu.memory_space<vmem>>, vector<16xf32>,
        %add3A_384 = arith.constant 384 : i32
        %add3A_385 = arith.addi %mul3A_218, %add3A_384 : i32
        %add3A_386 = arith.constant 16 : i32
        %add3A_387 = arith.addi %add3A_385, %add3A_386 : i32
        %get3A_388 = arith.index_cast %add3A_387 : i32 to index
        %get3A_389 = tpu.vector_load %arg10[%get3A_388] {strides = array<i32>} : memref<16384xf32, #tpu.memory_space<vmem>>, vector<16xf32>,
        %add3A_390 = arith.constant 512 : i32
        %add3A_391 = arith.addi %mul3A_218, %add3A_390 : i32
        %add3A_392 = arith.constant 16 : i32
        %add3A_393 = arith.addi %add3A_391, %add3A_392 : i32
        %get3A_394 = arith.index_cast %add3A_393 : i32 to index
        %get3A_395 = tpu.vector_load %arg10[%get3A_394] {strides = array<i32>} : memref<16384xf32, #tpu.memory_space<vmem>>, vector<16xf32>,
        %add3A_396 = arith.addf %get3A_371, %get3A_395 : vector<16xf32>
        %max3A_397 = arith.maximumf %get3A_371, %get3A_395 : vector<16xf32>
        %add3A_398 = arith.constant 640 : i32
        %add3A_399 = arith.addi %mul3A_218, %add3A_398 : i32
        %add3A_400 = arith.constant 16 : i32
        %add3A_401 = arith.addi %add3A_399, %add3A_400 : i32
        %get3A_402 = arith.index_cast %add3A_401 : i32 to index
        %get3A_403 = tpu.vector_load %arg10[%get3A_402] {strides = array<i32>} : memref<16384xf32, #tpu.memory_space<vmem>>, vector<16xf32>,
        %add3A_404 = arith.addf %get3A_377, %get3A_403 : vector<16xf32>
        %max3A_405 = arith.maximumf %get3A_377, %get3A_403 : vector<16xf32>
        %add3A_406 = arith.constant 768 : i32
        %add3A_407 = arith.addi %mul3A_218, %add3A_406 : i32
        %add3A_408 = arith.constant 16 : i32
        %add3A_409 = arith.addi %add3A_407, %add3A_408 : i32
        %get3A_410 = arith.index_cast %add3A_409 : i32 to index
        %get3A_411 = tpu.vector_load %arg10[%get3A_410] {strides = array<i32>} : memref<16384xf32, #tpu.memory_space<vmem>>, vector<16xf32>,
        %add3A_412 = arith.addf %get3A_383, %get3A_411 : vector<16xf32>
        %max3A_413 = arith.maximumf %get3A_383, %get3A_411 : vector<16xf32>
        %add3A_414 = arith.constant 896 : i32
        %add3A_415 = arith.addi %mul3A_218, %add3A_414 : i32
        %add3A_416 = arith.constant 16 : i32
        %add3A_417 = arith.addi %add3A_415, %add3A_416 : i32
        %get3A_418 = arith.index_cast %add3A_417 : i32 to index
        %get3A_419 = tpu.vector_load %arg10[%get3A_418] {strides = array<i32>} : memref<16384xf32, #tpu.memory_space<vmem>>, vector<16xf32>,
        %add3A_420 = arith.addf %get3A_389, %get3A_419 : vector<16xf32>
        %max3A_421 = arith.maximumf %get3A_389, %get3A_419 : vector<16xf32>
        %add3A_422 = arith.constant 1024 : i32
        %add3A_423 = arith.addi %mul3A_218, %add3A_422 : i32
        %add3A_424 = arith.constant 16 : i32
        %add3A_425 = arith.addi %add3A_423, %add3A_424 : i32
        %get3A_426 = arith.index_cast %add3A_425 : i32 to index
        %get3A_427 = tpu.vector_load %arg10[%get3A_426] {strides = array<i32>} : memref<16384xf32, #tpu.memory_space<vmem>>, vector<16xf32>,
        %add3A_428 = arith.addf %add3A_396, %get3A_427 : vector<16xf32>
        %max3A_429 = arith.maximumf %max3A_397, %get3A_427 : vector<16xf32>
        %add3A_430 = arith.constant 1152 : i32
        %add3A_431 = arith.addi %mul3A_218, %add3A_430 : i32
        %add3A_432 = arith.constant 16 : i32
        %add3A_433 = arith.addi %add3A_431, %add3A_432 : i32
        %get3A_434 = arith.index_cast %add3A_433 : i32 to index
        %get3A_435 = tpu.vector_load %arg10[%get3A_434] {strides = array<i32>} : memref<16384xf32, #tpu.memory_space<vmem>>, vector<16xf32>,
        %add3A_436 = arith.addf %add3A_404, %get3A_435 : vector<16xf32>
        %max3A_437 = arith.maximumf %max3A_405, %get3A_435 : vector<16xf32>
        %add3A_438 = arith.constant 1280 : i32
        %add3A_439 = arith.addi %mul3A_218, %add3A_438 : i32
        %add3A_440 = arith.constant 16 : i32
        %add3A_441 = arith.addi %add3A_439, %add3A_440 : i32
        %get3A_442 = arith.index_cast %add3A_441 : i32 to index
        %get3A_443 = tpu.vector_load %arg10[%get3A_442] {strides = array<i32>} : memref<16384xf32, #tpu.memory_space<vmem>>, vector<16xf32>,
        %add3A_444 = arith.addf %add3A_412, %get3A_443 : vector<16xf32>
        %max3A_445 = arith.maximumf %max3A_413, %get3A_443 : vector<16xf32>
        %add3A_446 = arith.constant 1408 : i32
        %add3A_447 = arith.addi %mul3A_218, %add3A_446 : i32
        %add3A_448 = arith.constant 16 : i32
        %add3A_449 = arith.addi %add3A_447, %add3A_448 : i32
        %get3A_450 = arith.index_cast %add3A_449 : i32 to index
        %get3A_451 = tpu.vector_load %arg10[%get3A_450] {strides = array<i32>} : memref<16384xf32, #tpu.memory_space<vmem>>, vector<16xf32>,
        %add3A_452 = arith.addf %add3A_420, %get3A_451 : vector<16xf32>
        %max3A_453 = arith.maximumf %max3A_421, %get3A_451 : vector<16xf32>
        %add3A_454 = arith.constant 1536 : i32
        %add3A_455 = arith.addi %mul3A_218, %add3A_454 : i32
        %add3A_456 = arith.constant 16 : i32
        %add3A_457 = arith.addi %add3A_455, %add3A_456 : i32
        %get3A_458 = arith.index_cast %add3A_457 : i32 to index
        %get3A_459 = tpu.vector_load %arg10[%get3A_458] {strides = array<i32>} : memref<16384xf32, #tpu.memory_space<vmem>>, vector<16xf32>,
        %add3A_460 = arith.addf %add3A_428, %get3A_459 : vector<16xf32>
        %max3A_461 = arith.maximumf %max3A_429, %get3A_459 : vector<16xf32>
        %add3A_462 = arith.constant 1664 : i32
        %add3A_463 = arith.addi %mul3A_218, %add3A_462 : i32
        %add3A_464 = arith.constant 16 : i32
        %add3A_465 = arith.addi %add3A_463, %add3A_464 : i32
        %get3A_466 = arith.index_cast %add3A_465 : i32 to index
        %get3A_467 = tpu.vector_load %arg10[%get3A_466] {strides = array<i32>} : memref<16384xf32, #tpu.memory_space<vmem>>, vector<16xf32>,
        %add3A_468 = arith.addf %add3A_436, %get3A_467 : vector<16xf32>
        %max3A_469 = arith.maximumf %max3A_437, %get3A_467 : vector<16xf32>
        %add3A_470 = arith.constant 1792 : i32
        %add3A_471 = arith.addi %mul3A_218, %add3A_470 : i32
        %add3A_472 = arith.constant 16 : i32
        %add3A_473 = arith.addi %add3A_471, %add3A_472 : i32
        %get3A_474 = arith.index_cast %add3A_473 : i32 to index
        %get3A_475 = tpu.vector_load %arg10[%get3A_474] {strides = array<i32>} : memref<16384xf32, #tpu.memory_space<vmem>>, vector<16xf32>,
        %add3A_476 = arith.addf %add3A_444, %get3A_475 : vector<16xf32>
        %max3A_477 = arith.maximumf %max3A_445, %get3A_475 : vector<16xf32>
        %add3A_478 = arith.constant 1920 : i32
        %add3A_479 = arith.addi %mul3A_218, %add3A_478 : i32
        %add3A_480 = arith.constant 16 : i32
        %add3A_481 = arith.addi %add3A_479, %add3A_480 : i32
        %get3A_482 = arith.index_cast %add3A_481 : i32 to index
        %get3A_483 = tpu.vector_load %arg10[%get3A_482] {strides = array<i32>} : memref<16384xf32, #tpu.memory_space<vmem>>, vector<16xf32>,
        %add3A_484 = arith.addf %add3A_452, %get3A_483 : vector<16xf32>
        %max3A_485 = arith.maximumf %max3A_453, %get3A_483 : vector<16xf32>
        %add3A_486 = arith.addf %add3A_460, %add3A_468 : vector<16xf32>
        %add3A_487 = arith.addf %add3A_476, %add3A_484 : vector<16xf32>
        %add3A_488 = arith.addf %add3A_486, %add3A_487 : vector<16xf32>
        %max3A_489 = arith.maximumf %max3A_461, %max3A_469 : vector<16xf32>
        %max3A_490 = arith.maximumf %max3A_477, %max3A_485 : vector<16xf32>
        %max3A_491 = arith.maximumf %max3A_489, %max3A_490 : vector<16xf32>
        %mul3A_492 = arith.constant 384 : i32
        %mul3A_493 = arith.muli %scan3A_214, %mul3A_492 : i32
        %add3A_494 = arith.constant 16 : i32
        %add3A_495 = arith.addi %mul3A_493, %add3A_494 : i32
        %mul3A_496 = arith.constant 6.250000e-02 : f32
        %mul3A_497 = vector.broadcast %mul3A_496 : f32 to vector<16xf32>
        %mul3A_498 = arith.mulf %add3A_488, %mul3A_497 : vector<16xf32>
        %swap3A_499 = arith.constant 0 : i32
        %swap3A_500 = arith.index_cast %swap3A_499 : i32 to index
        %swap3A_501 = arith.index_cast %add3A_495 : i32 to index
        %swap3A_502 = tpu.vector_load %arg12[%swap3A_500, %swap3A_501] {strides = array<i32>} : memref<1x3072xf32, #tpu.memory_space<vmem>>, vector<16xf32>,
        tpu.vector_store %arg12[%swap3A_500, %swap3A_501], %mul3A_498 {strides = array<i32>} : memref<1x3072xf32, #tpu.memory_space<vmem>>, vector<16xf32>,
        %add3A_503 = arith.constant 128 : i32
        %add3A_504 = arith.addi %add3A_495, %add3A_503 : i32
        %swap3A_505 = arith.constant 0 : i32
        %swap3A_506 = arith.index_cast %swap3A_505 : i32 to index
        %swap3A_507 = arith.index_cast %add3A_504 : i32 to index
        %swap3A_508 = tpu.vector_load %arg12[%swap3A_506, %swap3A_507] {strides = array<i32>} : memref<1x3072xf32, #tpu.memory_space<vmem>>, vector<16xf32>,
        tpu.vector_store %arg12[%swap3A_506, %swap3A_507], %max3A_491 {strides = array<i32>} : memref<1x3072xf32, #tpu.memory_space<vmem>>, vector<16xf32>,
        %add3A_509 = arith.constant 256 : i32
        %add3A_510 = arith.addi %add3A_495, %add3A_509 : i32
        %swap3A_511 = arith.constant 0 : i32
        %swap3A_512 = arith.index_cast %swap3A_511 : i32 to index
        %swap3A_513 = arith.index_cast %add3A_510 : i32 to index
        %swap3A_514 = tpu.vector_load %arg12[%swap3A_512, %swap3A_513] {strides = array<i32>} : memref<1x3072xf32, #tpu.memory_space<vmem>>, vector<16xf32>,
        tpu.vector_store %arg12[%swap3A_512, %swap3A_513], %add3A_488 {strides = array<i32>} : memref<1x3072xf32, #tpu.memory_space<vmem>>, vector<16xf32>,
        %add3A_515 = arith.constant 0 : i32
        %add3A_516 = arith.addi %mul3A_218, %add3A_515 : i32
        %add3A_517 = arith.constant 32 : i32
        %add3A_518 = arith.addi %add3A_516, %add3A_517 : i32
        %get3A_519 = arith.index_cast %add3A_518 : i32 to index
        %get3A_520 = tpu.vector_load %arg10[%get3A_519] {strides = array<i32>} : memref<16384xf32, #tpu.memory_space<vmem>>, vector<16xf32>,
        %add3A_521 = arith.constant 128 : i32
        %add3A_522 = arith.addi %mul3A_218, %add3A_521 : i32
        %add3A_523 = arith.constant 32 : i32
        %add3A_524 = arith.addi %add3A_522, %add3A_523 : i32
        %get3A_525 = arith.index_cast %add3A_524 : i32 to index
        %get3A_526 = tpu.vector_load %arg10[%get3A_525] {strides = array<i32>} : memref<16384xf32, #tpu.memory_space<vmem>>, vector<16xf32>,
        %add3A_527 = arith.constant 256 : i32
        %add3A_528 = arith.addi %mul3A_218, %add3A_527 : i32
        %add3A_529 = arith.constant 32 : i32
        %add3A_530 = arith.addi %add3A_528, %add3A_529 : i32
        %get3A_531 = arith.index_cast %add3A_530 : i32 to index
        %get3A_532 = tpu.vector_load %arg10[%get3A_531] {strides = array<i32>} : memref<16384xf32, #tpu.memory_space<vmem>>, vector<16xf32>,
        %add3A_533 = arith.constant 384 : i32
        %add3A_534 = arith.addi %mul3A_218, %add3A_533 : i32
        %add3A_535 = arith.constant 32 : i32
        %add3A_536 = arith.addi %add3A_534, %add3A_535 : i32
        %get3A_537 = arith.index_cast %add3A_536 : i32 to index
        %get3A_538 = tpu.vector_load %arg10[%get3A_537] {strides = array<i32>} : memref<16384xf32, #tpu.memory_space<vmem>>, vector<16xf32>,
        %add3A_539 = arith.constant 512 : i32
        %add3A_540 = arith.addi %mul3A_218, %add3A_539 : i32
        %add3A_541 = arith.constant 32 : i32
        %add3A_542 = arith.addi %add3A_540, %add3A_541 : i32
        %get3A_543 = arith.index_cast %add3A_542 : i32 to index
        %get3A_544 = tpu.vector_load %arg10[%get3A_543] {strides = array<i32>} : memref<16384xf32, #tpu.memory_space<vmem>>, vector<16xf32>,
        %add3A_545 = arith.addf %get3A_520, %get3A_544 : vector<16xf32>
        %max3A_546 = arith.maximumf %get3A_520, %get3A_544 : vector<16xf32>
        %add3A_547 = arith.constant 640 : i32
        %add3A_548 = arith.addi %mul3A_218, %add3A_547 : i32
        %add3A_549 = arith.constant 32 : i32
        %add3A_550 = arith.addi %add3A_548, %add3A_549 : i32
        %get3A_551 = arith.index_cast %add3A_550 : i32 to index
        %get3A_552 = tpu.vector_load %arg10[%get3A_551] {strides = array<i32>} : memref<16384xf32, #tpu.memory_space<vmem>>, vector<16xf32>,
        %add3A_553 = arith.addf %get3A_526, %get3A_552 : vector<16xf32>
        %max3A_554 = arith.maximumf %get3A_526, %get3A_552 : vector<16xf32>
        %add3A_555 = arith.constant 768 : i32
        %add3A_556 = arith.addi %mul3A_218, %add3A_555 : i32
        %add3A_557 = arith.constant 32 : i32
        %add3A_558 = arith.addi %add3A_556, %add3A_557 : i32
        %get3A_559 = arith.index_cast %add3A_558 : i32 to index
        %get3A_560 = tpu.vector_load %arg10[%get3A_559] {strides = array<i32>} : memref<16384xf32, #tpu.memory_space<vmem>>, vector<16xf32>,
        %add3A_561 = arith.addf %get3A_532, %get3A_560 : vector<16xf32>
        %max3A_562 = arith.maximumf %get3A_532, %get3A_560 : vector<16xf32>
        %add3A_563 = arith.constant 896 : i32
        %add3A_564 = arith.addi %mul3A_218, %add3A_563 : i32
        %add3A_565 = arith.constant 32 : i32
        %add3A_566 = arith.addi %add3A_564, %add3A_565 : i32
        %get3A_567 = arith.index_cast %add3A_566 : i32 to index
        %get3A_568 = tpu.vector_load %arg10[%get3A_567] {strides = array<i32>} : memref<16384xf32, #tpu.memory_space<vmem>>, vector<16xf32>,
        %add3A_569 = arith.addf %get3A_538, %get3A_568 : vector<16xf32>
        %max3A_570 = arith.maximumf %get3A_538, %get3A_568 : vector<16xf32>
        %add3A_571 = arith.constant 1024 : i32
        %add3A_572 = arith.addi %mul3A_218, %add3A_571 : i32
        %add3A_573 = arith.constant 32 : i32
        %add3A_574 = arith.addi %add3A_572, %add3A_573 : i32
        %get3A_575 = arith.index_cast %add3A_574 : i32 to index
        %get3A_576 = tpu.vector_load %arg10[%get3A_575] {strides = array<i32>} : memref<16384xf32, #tpu.memory_space<vmem>>, vector<16xf32>,
        %add3A_577 = arith.addf %add3A_545, %get3A_576 : vector<16xf32>
        %max3A_578 = arith.maximumf %max3A_546, %get3A_576 : vector<16xf32>
        %add3A_579 = arith.constant 1152 : i32
        %add3A_580 = arith.addi %mul3A_218, %add3A_579 : i32
        %add3A_581 = arith.constant 32 : i32
        %add3A_582 = arith.addi %add3A_580, %add3A_581 : i32
        %get3A_583 = arith.index_cast %add3A_582 : i32 to index
        %get3A_584 = tpu.vector_load %arg10[%get3A_583] {strides = array<i32>} : memref<16384xf32, #tpu.memory_space<vmem>>, vector<16xf32>,
        %add3A_585 = arith.addf %add3A_553, %get3A_584 : vector<16xf32>
        %max3A_586 = arith.maximumf %max3A_554, %get3A_584 : vector<16xf32>
        %add3A_587 = arith.constant 1280 : i32
        %add3A_588 = arith.addi %mul3A_218, %add3A_587 : i32
        %add3A_589 = arith.constant 32 : i32
        %add3A_590 = arith.addi %add3A_588, %add3A_589 : i32
        %get3A_591 = arith.index_cast %add3A_590 : i32 to index
        %get3A_592 = tpu.vector_load %arg10[%get3A_591] {strides = array<i32>} : memref<16384xf32, #tpu.memory_space<vmem>>, vector<16xf32>,
        %add3A_593 = arith.addf %add3A_561, %get3A_592 : vector<16xf32>
        %max3A_594 = arith.maximumf %max3A_562, %get3A_592 : vector<16xf32>
        %add3A_595 = arith.constant 1408 : i32
        %add3A_596 = arith.addi %mul3A_218, %add3A_595 : i32
        %add3A_597 = arith.constant 32 : i32
        %add3A_598 = arith.addi %add3A_596, %add3A_597 : i32
        %get3A_599 = arith.index_cast %add3A_598 : i32 to index
        %get3A_600 = tpu.vector_load %arg10[%get3A_599] {strides = array<i32>} : memref<16384xf32, #tpu.memory_space<vmem>>, vector<16xf32>,
        %add3A_601 = arith.addf %add3A_569, %get3A_600 : vector<16xf32>
        %max3A_602 = arith.maximumf %max3A_570, %get3A_600 : vector<16xf32>
        %add3A_603 = arith.constant 1536 : i32
        %add3A_604 = arith.addi %mul3A_218, %add3A_603 : i32
        %add3A_605 = arith.constant 32 : i32
        %add3A_606 = arith.addi %add3A_604, %add3A_605 : i32
        %get3A_607 = arith.index_cast %add3A_606 : i32 to index
        %get3A_608 = tpu.vector_load %arg10[%get3A_607] {strides = array<i32>} : memref<16384xf32, #tpu.memory_space<vmem>>, vector<16xf32>,
        %add3A_609 = arith.addf %add3A_577, %get3A_608 : vector<16xf32>
        %max3A_610 = arith.maximumf %max3A_578, %get3A_608 : vector<16xf32>
        %add3A_611 = arith.constant 1664 : i32
        %add3A_612 = arith.addi %mul3A_218, %add3A_611 : i32
        %add3A_613 = arith.constant 32 : i32
        %add3A_614 = arith.addi %add3A_612, %add3A_613 : i32
        %get3A_615 = arith.index_cast %add3A_614 : i32 to index
        %get3A_616 = tpu.vector_load %arg10[%get3A_615] {strides = array<i32>} : memref<16384xf32, #tpu.memory_space<vmem>>, vector<16xf32>,
        %add3A_617 = arith.addf %add3A_585, %get3A_616 : vector<16xf32>
        %max3A_618 = arith.maximumf %max3A_586, %get3A_616 : vector<16xf32>
        %add3A_619 = arith.constant 1792 : i32
        %add3A_620 = arith.addi %mul3A_218, %add3A_619 : i32
        %add3A_621 = arith.constant 32 : i32
        %add3A_622 = arith.addi %add3A_620, %add3A_621 : i32
        %get3A_623 = arith.index_cast %add3A_622 : i32 to index
        %get3A_624 = tpu.vector_load %arg10[%get3A_623] {strides = array<i32>} : memref<16384xf32, #tpu.memory_space<vmem>>, vector<16xf32>,
        %add3A_625 = arith.addf %add3A_593, %get3A_624 : vector<16xf32>
        %max3A_626 = arith.maximumf %max3A_594, %get3A_624 : vector<16xf32>
        %add3A_627 = arith.constant 1920 : i32
        %add3A_628 = arith.addi %mul3A_218, %add3A_627 : i32
        %add3A_629 = arith.constant 32 : i32
        %add3A_630 = arith.addi %add3A_628, %add3A_629 : i32
        %get3A_631 = arith.index_cast %add3A_630 : i32 to index
        %get3A_632 = tpu.vector_load %arg10[%get3A_631] {strides = array<i32>} : memref<16384xf32, #tpu.memory_space<vmem>>, vector<16xf32>,
        %add3A_633 = arith.addf %add3A_601, %get3A_632 : vector<16xf32>
        %max3A_634 = arith.maximumf %max3A_602, %get3A_632 : vector<16xf32>
        %add3A_635 = arith.addf %add3A_609, %add3A_617 : vector<16xf32>
        %add3A_636 = arith.addf %add3A_625, %add3A_633 : vector<16xf32>
        %add3A_637 = arith.addf %add3A_635, %add3A_636 : vector<16xf32>
        %max3A_638 = arith.maximumf %max3A_610, %max3A_618 : vector<16xf32>
        %max3A_639 = arith.maximumf %max3A_626, %max3A_634 : vector<16xf32>
        %max3A_640 = arith.maximumf %max3A_638, %max3A_639 : vector<16xf32>
        %mul3A_641 = arith.constant 384 : i32
        %mul3A_642 = arith.muli %scan3A_214, %mul3A_641 : i32
        %add3A_643 = arith.constant 32 : i32
        %add3A_644 = arith.addi %mul3A_642, %add3A_643 : i32
        %mul3A_645 = arith.constant 6.250000e-02 : f32
        %mul3A_646 = vector.broadcast %mul3A_645 : f32 to vector<16xf32>
        %mul3A_647 = arith.mulf %add3A_637, %mul3A_646 : vector<16xf32>
        %swap3A_648 = arith.constant 0 : i32
        %swap3A_649 = arith.index_cast %swap3A_648 : i32 to index
        %swap3A_650 = arith.index_cast %add3A_644 : i32 to index
        %swap3A_651 = tpu.vector_load %arg12[%swap3A_649, %swap3A_650] {strides = array<i32>} : memref<1x3072xf32, #tpu.memory_space<vmem>>, vector<16xf32>,
        tpu.vector_store %arg12[%swap3A_649, %swap3A_650], %mul3A_647 {strides = array<i32>} : memref<1x3072xf32, #tpu.memory_space<vmem>>, vector<16xf32>,
        %add3A_652 = arith.constant 128 : i32
        %add3A_653 = arith.addi %add3A_644, %add3A_652 : i32
        %swap3A_654 = arith.constant 0 : i32
        %swap3A_655 = arith.index_cast %swap3A_654 : i32 to index
        %swap3A_656 = arith.index_cast %add3A_653 : i32 to index
        %swap3A_657 = tpu.vector_load %arg12[%swap3A_655, %swap3A_656] {strides = array<i32>} : memref<1x3072xf32, #tpu.memory_space<vmem>>, vector<16xf32>,
        tpu.vector_store %arg12[%swap3A_655, %swap3A_656], %max3A_640 {strides = array<i32>} : memref<1x3072xf32, #tpu.memory_space<vmem>>, vector<16xf32>,
        %add3A_658 = arith.constant 256 : i32
        %add3A_659 = arith.addi %add3A_644, %add3A_658 : i32
        %swap3A_660 = arith.constant 0 : i32
        %swap3A_661 = arith.index_cast %swap3A_660 : i32 to index
        %swap3A_662 = arith.index_cast %add3A_659 : i32 to index
        %swap3A_663 = tpu.vector_load %arg12[%swap3A_661, %swap3A_662] {strides = array<i32>} : memref<1x3072xf32, #tpu.memory_space<vmem>>, vector<16xf32>,
        tpu.vector_store %arg12[%swap3A_661, %swap3A_662], %add3A_637 {strides = array<i32>} : memref<1x3072xf32, #tpu.memory_space<vmem>>, vector<16xf32>,
        %add3A_664 = arith.constant 0 : i32
        %add3A_665 = arith.addi %mul3A_218, %add3A_664 : i32
        %add3A_666 = arith.constant 48 : i32
        %add3A_667 = arith.addi %add3A_665, %add3A_666 : i32
        %get3A_668 = arith.index_cast %add3A_667 : i32 to index
        %get3A_669 = tpu.vector_load %arg10[%get3A_668] {strides = array<i32>} : memref<16384xf32, #tpu.memory_space<vmem>>, vector<16xf32>,
        %add3A_670 = arith.constant 128 : i32
        %add3A_671 = arith.addi %mul3A_218, %add3A_670 : i32
        %add3A_672 = arith.constant 48 : i32
        %add3A_673 = arith.addi %add3A_671, %add3A_672 : i32
        %get3A_674 = arith.index_cast %add3A_673 : i32 to index
        %get3A_675 = tpu.vector_load %arg10[%get3A_674] {strides = array<i32>} : memref<16384xf32, #tpu.memory_space<vmem>>, vector<16xf32>,
        %add3A_676 = arith.constant 256 : i32
        %add3A_677 = arith.addi %mul3A_218, %add3A_676 : i32
        %add3A_678 = arith.constant 48 : i32
        %add3A_679 = arith.addi %add3A_677, %add3A_678 : i32
        %get3A_680 = arith.index_cast %add3A_679 : i32 to index
        %get3A_681 = tpu.vector_load %arg10[%get3A_680] {strides = array<i32>} : memref<16384xf32, #tpu.memory_space<vmem>>, vector<16xf32>,
        %add3A_682 = arith.constant 384 : i32
        %add3A_683 = arith.addi %mul3A_218, %add3A_682 : i32
        %add3A_684 = arith.constant 48 : i32
        %add3A_685 = arith.addi %add3A_683, %add3A_684 : i32
        %get3A_686 = arith.index_cast %add3A_685 : i32 to index
        %get3A_687 = tpu.vector_load %arg10[%get3A_686] {strides = array<i32>} : memref<16384xf32, #tpu.memory_space<vmem>>, vector<16xf32>,
        %add3A_688 = arith.constant 512 : i32
        %add3A_689 = arith.addi %mul3A_218, %add3A_688 : i32
        %add3A_690 = arith.constant 48 : i32
        %add3A_691 = arith.addi %add3A_689, %add3A_690 : i32
        %get3A_692 = arith.index_cast %add3A_691 : i32 to index
        %get3A_693 = tpu.vector_load %arg10[%get3A_692] {strides = array<i32>} : memref<16384xf32, #tpu.memory_space<vmem>>, vector<16xf32>,
        %add3A_694 = arith.addf %get3A_669, %get3A_693 : vector<16xf32>
        %max3A_695 = arith.maximumf %get3A_669, %get3A_693 : vector<16xf32>
        %add3A_696 = arith.constant 640 : i32
        %add3A_697 = arith.addi %mul3A_218, %add3A_696 : i32
        %add3A_698 = arith.constant 48 : i32
        %add3A_699 = arith.addi %add3A_697, %add3A_698 : i32
        %get3A_700 = arith.index_cast %add3A_699 : i32 to index
        %get3A_701 = tpu.vector_load %arg10[%get3A_700] {strides = array<i32>} : memref<16384xf32, #tpu.memory_space<vmem>>, vector<16xf32>,
        %add3A_702 = arith.addf %get3A_675, %get3A_701 : vector<16xf32>
        %max3A_703 = arith.maximumf %get3A_675, %get3A_701 : vector<16xf32>
        %add3A_704 = arith.constant 768 : i32
        %add3A_705 = arith.addi %mul3A_218, %add3A_704 : i32
        %add3A_706 = arith.constant 48 : i32
        %add3A_707 = arith.addi %add3A_705, %add3A_706 : i32
        %get3A_708 = arith.index_cast %add3A_707 : i32 to index
        %get3A_709 = tpu.vector_load %arg10[%get3A_708] {strides = array<i32>} : memref<16384xf32, #tpu.memory_space<vmem>>, vector<16xf32>,
        %add3A_710 = arith.addf %get3A_681, %get3A_709 : vector<16xf32>
        %max3A_711 = arith.maximumf %get3A_681, %get3A_709 : vector<16xf32>
        %add3A_712 = arith.constant 896 : i32
        %add3A_713 = arith.addi %mul3A_218, %add3A_712 : i32
        %add3A_714 = arith.constant 48 : i32
        %add3A_715 = arith.addi %add3A_713, %add3A_714 : i32
        %get3A_716 = arith.index_cast %add3A_715 : i32 to index
        %get3A_717 = tpu.vector_load %arg10[%get3A_716] {strides = array<i32>} : memref<16384xf32, #tpu.memory_space<vmem>>, vector<16xf32>,
        %add3A_718 = arith.addf %get3A_687, %get3A_717 : vector<16xf32>
        %max3A_719 = arith.maximumf %get3A_687, %get3A_717 : vector<16xf32>
        %add3A_720 = arith.constant 1024 : i32
        %add3A_721 = arith.addi %mul3A_218, %add3A_720 : i32
        %add3A_722 = arith.constant 48 : i32
        %add3A_723 = arith.addi %add3A_721, %add3A_722 : i32
        %get3A_724 = arith.index_cast %add3A_723 : i32 to index
        %get3A_725 = tpu.vector_load %arg10[%get3A_724] {strides = array<i32>} : memref<16384xf32, #tpu.memory_space<vmem>>, vector<16xf32>,
        %add3A_726 = arith.addf %add3A_694, %get3A_725 : vector<16xf32>
        %max3A_727 = arith.maximumf %max3A_695, %get3A_725 : vector<16xf32>
        %add3A_728 = arith.constant 1152 : i32
        %add3A_729 = arith.addi %mul3A_218, %add3A_728 : i32
        %add3A_730 = arith.constant 48 : i32
        %add3A_731 = arith.addi %add3A_729, %add3A_730 : i32
        %get3A_732 = arith.index_cast %add3A_731 : i32 to index
        %get3A_733 = tpu.vector_load %arg10[%get3A_732] {strides = array<i32>} : memref<16384xf32, #tpu.memory_space<vmem>>, vector<16xf32>,
        %add3A_734 = arith.addf %add3A_702, %get3A_733 : vector<16xf32>
        %max3A_735 = arith.maximumf %max3A_703, %get3A_733 : vector<16xf32>
        %add3A_736 = arith.constant 1280 : i32
        %add3A_737 = arith.addi %mul3A_218, %add3A_736 : i32
        %add3A_738 = arith.constant 48 : i32
        %add3A_739 = arith.addi %add3A_737, %add3A_738 : i32
        %get3A_740 = arith.index_cast %add3A_739 : i32 to index
        %get3A_741 = tpu.vector_load %arg10[%get3A_740] {strides = array<i32>} : memref<16384xf32, #tpu.memory_space<vmem>>, vector<16xf32>,
        %add3A_742 = arith.addf %add3A_710, %get3A_741 : vector<16xf32>
        %max3A_743 = arith.maximumf %max3A_711, %get3A_741 : vector<16xf32>
        %add3A_744 = arith.constant 1408 : i32
        %add3A_745 = arith.addi %mul3A_218, %add3A_744 : i32
        %add3A_746 = arith.constant 48 : i32
        %add3A_747 = arith.addi %add3A_745, %add3A_746 : i32
        %get3A_748 = arith.index_cast %add3A_747 : i32 to index
        %get3A_749 = tpu.vector_load %arg10[%get3A_748] {strides = array<i32>} : memref<16384xf32, #tpu.memory_space<vmem>>, vector<16xf32>,
        %add3A_750 = arith.addf %add3A_718, %get3A_749 : vector<16xf32>
        %max3A_751 = arith.maximumf %max3A_719, %get3A_749 : vector<16xf32>
        %add3A_752 = arith.constant 1536 : i32
        %add3A_753 = arith.addi %mul3A_218, %add3A_752 : i32
        %add3A_754 = arith.constant 48 : i32
        %add3A_755 = arith.addi %add3A_753, %add3A_754 : i32
        %get3A_756 = arith.index_cast %add3A_755 : i32 to index
        %get3A_757 = tpu.vector_load %arg10[%get3A_756] {strides = array<i32>} : memref<16384xf32, #tpu.memory_space<vmem>>, vector<16xf32>,
        %add3A_758 = arith.addf %add3A_726, %get3A_757 : vector<16xf32>
        %max3A_759 = arith.maximumf %max3A_727, %get3A_757 : vector<16xf32>
        %add3A_760 = arith.constant 1664 : i32
        %add3A_761 = arith.addi %mul3A_218, %add3A_760 : i32
        %add3A_762 = arith.constant 48 : i32
        %add3A_763 = arith.addi %add3A_761, %add3A_762 : i32
        %get3A_764 = arith.index_cast %add3A_763 : i32 to index
        %get3A_765 = tpu.vector_load %arg10[%get3A_764] {strides = array<i32>} : memref<16384xf32, #tpu.memory_space<vmem>>, vector<16xf32>,
        %add3A_766 = arith.addf %add3A_734, %get3A_765 : vector<16xf32>
        %max3A_767 = arith.maximumf %max3A_735, %get3A_765 : vector<16xf32>
        %add3A_768 = arith.constant 1792 : i32
        %add3A_769 = arith.addi %mul3A_218, %add3A_768 : i32
        %add3A_770 = arith.constant 48 : i32
        %add3A_771 = arith.addi %add3A_769, %add3A_770 : i32
        %get3A_772 = arith.index_cast %add3A_771 : i32 to index
        %get3A_773 = tpu.vector_load %arg10[%get3A_772] {strides = array<i32>} : memref<16384xf32, #tpu.memory_space<vmem>>, vector<16xf32>,
        %add3A_774 = arith.addf %add3A_742, %get3A_773 : vector<16xf32>
        %max3A_775 = arith.maximumf %max3A_743, %get3A_773 : vector<16xf32>
        %add3A_776 = arith.constant 1920 : i32
        %add3A_777 = arith.addi %mul3A_218, %add3A_776 : i32
        %add3A_778 = arith.constant 48 : i32
        %add3A_779 = arith.addi %add3A_777, %add3A_778 : i32
        %get3A_780 = arith.index_cast %add3A_779 : i32 to index
        %get3A_781 = tpu.vector_load %arg10[%get3A_780] {strides = array<i32>} : memref<16384xf32, #tpu.memory_space<vmem>>, vector<16xf32>,
        %add3A_782 = arith.addf %add3A_750, %get3A_781 : vector<16xf32>
        %max3A_783 = arith.maximumf %max3A_751, %get3A_781 : vector<16xf32>
        %add3A_784 = arith.addf %add3A_758, %add3A_766 : vector<16xf32>
        %add3A_785 = arith.addf %add3A_774, %add3A_782 : vector<16xf32>
        %add3A_786 = arith.addf %add3A_784, %add3A_785 : vector<16xf32>
        %max3A_787 = arith.maximumf %max3A_759, %max3A_767 : vector<16xf32>
        %max3A_788 = arith.maximumf %max3A_775, %max3A_783 : vector<16xf32>
        %max3A_789 = arith.maximumf %max3A_787, %max3A_788 : vector<16xf32>
        %mul3A_790 = arith.constant 384 : i32
        %mul3A_791 = arith.muli %scan3A_214, %mul3A_790 : i32
        %add3A_792 = arith.constant 48 : i32
        %add3A_793 = arith.addi %mul3A_791, %add3A_792 : i32
        %mul3A_794 = arith.constant 6.250000e-02 : f32
        %mul3A_795 = vector.broadcast %mul3A_794 : f32 to vector<16xf32>
        %mul3A_796 = arith.mulf %add3A_786, %mul3A_795 : vector<16xf32>
        %swap3A_797 = arith.constant 0 : i32
        %swap3A_798 = arith.index_cast %swap3A_797 : i32 to index
        %swap3A_799 = arith.index_cast %add3A_793 : i32 to index
        %swap3A_800 = tpu.vector_load %arg12[%swap3A_798, %swap3A_799] {strides = array<i32>} : memref<1x3072xf32, #tpu.memory_space<vmem>>, vector<16xf32>,
        tpu.vector_store %arg12[%swap3A_798, %swap3A_799], %mul3A_796 {strides = array<i32>} : memref<1x3072xf32, #tpu.memory_space<vmem>>, vector<16xf32>,
        %add3A_801 = arith.constant 128 : i32
        %add3A_802 = arith.addi %add3A_793, %add3A_801 : i32
        %swap3A_803 = arith.constant 0 : i32
        %swap3A_804 = arith.index_cast %swap3A_803 : i32 to index
        %swap3A_805 = arith.index_cast %add3A_802 : i32 to index
        %swap3A_806 = tpu.vector_load %arg12[%swap3A_804, %swap3A_805] {strides = array<i32>} : memref<1x3072xf32, #tpu.memory_space<vmem>>, vector<16xf32>,
        tpu.vector_store %arg12[%swap3A_804, %swap3A_805], %max3A_789 {strides = array<i32>} : memref<1x3072xf32, #tpu.memory_space<vmem>>, vector<16xf32>,
        %add3A_807 = arith.constant 256 : i32
        %add3A_808 = arith.addi %add3A_793, %add3A_807 : i32
        %swap3A_809 = arith.constant 0 : i32
        %swap3A_810 = arith.index_cast %swap3A_809 : i32 to index
        %swap3A_811 = arith.index_cast %add3A_808 : i32 to index
        %swap3A_812 = tpu.vector_load %arg12[%swap3A_810, %swap3A_811] {strides = array<i32>} : memref<1x3072xf32, #tpu.memory_space<vmem>>, vector<16xf32>,
        tpu.vector_store %arg12[%swap3A_810, %swap3A_811], %add3A_786 {strides = array<i32>} : memref<1x3072xf32, #tpu.memory_space<vmem>>, vector<16xf32>,
        %add3A_813 = arith.constant 0 : i32
        %add3A_814 = arith.addi %mul3A_218, %add3A_813 : i32
        %add3A_815 = arith.constant 64 : i32
        %add3A_816 = arith.addi %add3A_814, %add3A_815 : i32
        %get3A_817 = arith.index_cast %add3A_816 : i32 to index
        %get3A_818 = tpu.vector_load %arg10[%get3A_817] {strides = array<i32>} : memref<16384xf32, #tpu.memory_space<vmem>>, vector<16xf32>,
        %add3A_819 = arith.constant 128 : i32
        %add3A_820 = arith.addi %mul3A_218, %add3A_819 : i32
        %add3A_821 = arith.constant 64 : i32
        %add3A_822 = arith.addi %add3A_820, %add3A_821 : i32
        %get3A_823 = arith.index_cast %add3A_822 : i32 to index
        %get3A_824 = tpu.vector_load %arg10[%get3A_823] {strides = array<i32>} : memref<16384xf32, #tpu.memory_space<vmem>>, vector<16xf32>,
        %add3A_825 = arith.constant 256 : i32
        %add3A_826 = arith.addi %mul3A_218, %add3A_825 : i32
        %add3A_827 = arith.constant 64 : i32
        %add3A_828 = arith.addi %add3A_826, %add3A_827 : i32
        %get3A_829 = arith.index_cast %add3A_828 : i32 to index
        %get3A_830 = tpu.vector_load %arg10[%get3A_829] {strides = array<i32>} : memref<16384xf32, #tpu.memory_space<vmem>>, vector<16xf32>,
        %add3A_831 = arith.constant 384 : i32
        %add3A_832 = arith.addi %mul3A_218, %add3A_831 : i32
        %add3A_833 = arith.constant 64 : i32
        %add3A_834 = arith.addi %add3A_832, %add3A_833 : i32
        %get3A_835 = arith.index_cast %add3A_834 : i32 to index
        %get3A_836 = tpu.vector_load %arg10[%get3A_835] {strides = array<i32>} : memref<16384xf32, #tpu.memory_space<vmem>>, vector<16xf32>,
        %add3A_837 = arith.constant 512 : i32
        %add3A_838 = arith.addi %mul3A_218, %add3A_837 : i32
        %add3A_839 = arith.constant 64 : i32
        %add3A_840 = arith.addi %add3A_838, %add3A_839 : i32
        %get3A_841 = arith.index_cast %add3A_840 : i32 to index
        %get3A_842 = tpu.vector_load %arg10[%get3A_841] {strides = array<i32>} : memref<16384xf32, #tpu.memory_space<vmem>>, vector<16xf32>,
        %add3A_843 = arith.addf %get3A_818, %get3A_842 : vector<16xf32>
        %max3A_844 = arith.maximumf %get3A_818, %get3A_842 : vector<16xf32>
        %add3A_845 = arith.constant 640 : i32
        %add3A_846 = arith.addi %mul3A_218, %add3A_845 : i32
        %add3A_847 = arith.constant 64 : i32
        %add3A_848 = arith.addi %add3A_846, %add3A_847 : i32
        %get3A_849 = arith.index_cast %add3A_848 : i32 to index
        %get3A_850 = tpu.vector_load %arg10[%get3A_849] {strides = array<i32>} : memref<16384xf32, #tpu.memory_space<vmem>>, vector<16xf32>,
        %add3A_851 = arith.addf %get3A_824, %get3A_850 : vector<16xf32>
        %max3A_852 = arith.maximumf %get3A_824, %get3A_850 : vector<16xf32>
        %add3A_853 = arith.constant 768 : i32
        %add3A_854 = arith.addi %mul3A_218, %add3A_853 : i32
        %add3A_855 = arith.constant 64 : i32
        %add3A_856 = arith.addi %add3A_854, %add3A_855 : i32
        %get3A_857 = arith.index_cast %add3A_856 : i32 to index
        %get3A_858 = tpu.vector_load %arg10[%get3A_857] {strides = array<i32>} : memref<16384xf32, #tpu.memory_space<vmem>>, vector<16xf32>,
        %add3A_859 = arith.addf %get3A_830, %get3A_858 : vector<16xf32>
        %max3A_860 = arith.maximumf %get3A_830, %get3A_858 : vector<16xf32>
        %add3A_861 = arith.constant 896 : i32
        %add3A_862 = arith.addi %mul3A_218, %add3A_861 : i32
        %add3A_863 = arith.constant 64 : i32
        %add3A_864 = arith.addi %add3A_862, %add3A_863 : i32
        %get3A_865 = arith.index_cast %add3A_864 : i32 to index
        %get3A_866 = tpu.vector_load %arg10[%get3A_865] {strides = array<i32>} : memref<16384xf32, #tpu.memory_space<vmem>>, vector<16xf32>,
        %add3A_867 = arith.addf %get3A_836, %get3A_866 : vector<16xf32>
        %max3A_868 = arith.maximumf %get3A_836, %get3A_866 : vector<16xf32>
        %add3A_869 = arith.constant 1024 : i32
        %add3A_870 = arith.addi %mul3A_218, %add3A_869 : i32
        %add3A_871 = arith.constant 64 : i32
        %add3A_872 = arith.addi %add3A_870, %add3A_871 : i32
        %get3A_873 = arith.index_cast %add3A_872 : i32 to index
        %get3A_874 = tpu.vector_load %arg10[%get3A_873] {strides = array<i32>} : memref<16384xf32, #tpu.memory_space<vmem>>, vector<16xf32>,
        %add3A_875 = arith.addf %add3A_843, %get3A_874 : vector<16xf32>
        %max3A_876 = arith.maximumf %max3A_844, %get3A_874 : vector<16xf32>
        %add3A_877 = arith.constant 1152 : i32
        %add3A_878 = arith.addi %mul3A_218, %add3A_877 : i32
        %add3A_879 = arith.constant 64 : i32
        %add3A_880 = arith.addi %add3A_878, %add3A_879 : i32
        %get3A_881 = arith.index_cast %add3A_880 : i32 to index
        %get3A_882 = tpu.vector_load %arg10[%get3A_881] {strides = array<i32>} : memref<16384xf32, #tpu.memory_space<vmem>>, vector<16xf32>,
        %add3A_883 = arith.addf %add3A_851, %get3A_882 : vector<16xf32>
        %max3A_884 = arith.maximumf %max3A_852, %get3A_882 : vector<16xf32>
        %add3A_885 = arith.constant 1280 : i32
        %add3A_886 = arith.addi %mul3A_218, %add3A_885 : i32
        %add3A_887 = arith.constant 64 : i32
        %add3A_888 = arith.addi %add3A_886, %add3A_887 : i32
        %get3A_889 = arith.index_cast %add3A_888 : i32 to index
        %get3A_890 = tpu.vector_load %arg10[%get3A_889] {strides = array<i32>} : memref<16384xf32, #tpu.memory_space<vmem>>, vector<16xf32>,
        %add3A_891 = arith.addf %add3A_859, %get3A_890 : vector<16xf32>
        %max3A_892 = arith.maximumf %max3A_860, %get3A_890 : vector<16xf32>
        %add3A_893 = arith.constant 1408 : i32
        %add3A_894 = arith.addi %mul3A_218, %add3A_893 : i32
        %add3A_895 = arith.constant 64 : i32
        %add3A_896 = arith.addi %add3A_894, %add3A_895 : i32
        %get3A_897 = arith.index_cast %add3A_896 : i32 to index
        %get3A_898 = tpu.vector_load %arg10[%get3A_897] {strides = array<i32>} : memref<16384xf32, #tpu.memory_space<vmem>>, vector<16xf32>,
        %add3A_899 = arith.addf %add3A_867, %get3A_898 : vector<16xf32>
        %max3A_900 = arith.maximumf %max3A_868, %get3A_898 : vector<16xf32>
        %add3A_901 = arith.constant 1536 : i32
        %add3A_902 = arith.addi %mul3A_218, %add3A_901 : i32
        %add3A_903 = arith.constant 64 : i32
        %add3A_904 = arith.addi %add3A_902, %add3A_903 : i32
        %get3A_905 = arith.index_cast %add3A_904 : i32 to index
        %get3A_906 = tpu.vector_load %arg10[%get3A_905] {strides = array<i32>} : memref<16384xf32, #tpu.memory_space<vmem>>, vector<16xf32>,
        %add3A_907 = arith.addf %add3A_875, %get3A_906 : vector<16xf32>
        %max3A_908 = arith.maximumf %max3A_876, %get3A_906 : vector<16xf32>
        %add3A_909 = arith.constant 1664 : i32
        %add3A_910 = arith.addi %mul3A_218, %add3A_909 : i32
        %add3A_911 = arith.constant 64 : i32
        %add3A_912 = arith.addi %add3A_910, %add3A_911 : i32
        %get3A_913 = arith.index_cast %add3A_912 : i32 to index
        %get3A_914 = tpu.vector_load %arg10[%get3A_913] {strides = array<i32>} : memref<16384xf32, #tpu.memory_space<vmem>>, vector<16xf32>,
        %add3A_915 = arith.addf %add3A_883, %get3A_914 : vector<16xf32>
        %max3A_916 = arith.maximumf %max3A_884, %get3A_914 : vector<16xf32>
        %add3A_917 = arith.constant 1792 : i32
        %add3A_918 = arith.addi %mul3A_218, %add3A_917 : i32
        %add3A_919 = arith.constant 64 : i32
        %add3A_920 = arith.addi %add3A_918, %add3A_919 : i32
        %get3A_921 = arith.index_cast %add3A_920 : i32 to index
        %get3A_922 = tpu.vector_load %arg10[%get3A_921] {strides = array<i32>} : memref<16384xf32, #tpu.memory_space<vmem>>, vector<16xf32>,
        %add3A_923 = arith.addf %add3A_891, %get3A_922 : vector<16xf32>
        %max3A_924 = arith.maximumf %max3A_892, %get3A_922 : vector<16xf32>
        %add3A_925 = arith.constant 1920 : i32
        %add3A_926 = arith.addi %mul3A_218, %add3A_925 : i32
        %add3A_927 = arith.constant 64 : i32
        %add3A_928 = arith.addi %add3A_926, %add3A_927 : i32
        %get3A_929 = arith.index_cast %add3A_928 : i32 to index
        %get3A_930 = tpu.vector_load %arg10[%get3A_929] {strides = array<i32>} : memref<16384xf32, #tpu.memory_space<vmem>>, vector<16xf32>,
        %add3A_931 = arith.addf %add3A_899, %get3A_930 : vector<16xf32>
        %max3A_932 = arith.maximumf %max3A_900, %get3A_930 : vector<16xf32>
        %add3A_933 = arith.addf %add3A_907, %add3A_915 : vector<16xf32>
        %add3A_934 = arith.addf %add3A_923, %add3A_931 : vector<16xf32>
        %add3A_935 = arith.addf %add3A_933, %add3A_934 : vector<16xf32>
        %max3A_936 = arith.maximumf %max3A_908, %max3A_916 : vector<16xf32>
        %max3A_937 = arith.maximumf %max3A_924, %max3A_932 : vector<16xf32>
        %max3A_938 = arith.maximumf %max3A_936, %max3A_937 : vector<16xf32>
        %mul3A_939 = arith.constant 384 : i32
        %mul3A_940 = arith.muli %scan3A_214, %mul3A_939 : i32
        %add3A_941 = arith.constant 64 : i32
        %add3A_942 = arith.addi %mul3A_940, %add3A_941 : i32
        %mul3A_943 = arith.constant 6.250000e-02 : f32
        %mul3A_944 = vector.broadcast %mul3A_943 : f32 to vector<16xf32>
        %mul3A_945 = arith.mulf %add3A_935, %mul3A_944 : vector<16xf32>
        %swap3A_946 = arith.constant 0 : i32
        %swap3A_947 = arith.index_cast %swap3A_946 : i32 to index
        %swap3A_948 = arith.index_cast %add3A_942 : i32 to index
        %swap3A_949 = tpu.vector_load %arg12[%swap3A_947, %swap3A_948] {strides = array<i32>} : memref<1x3072xf32, #tpu.memory_space<vmem>>, vector<16xf32>,
        tpu.vector_store %arg12[%swap3A_947, %swap3A_948], %mul3A_945 {strides = array<i32>} : memref<1x3072xf32, #tpu.memory_space<vmem>>, vector<16xf32>,
        %add3A_950 = arith.constant 128 : i32
        %add3A_951 = arith.addi %add3A_942, %add3A_950 : i32
        %swap3A_952 = arith.constant 0 : i32
        %swap3A_953 = arith.index_cast %swap3A_952 : i32 to index
        %swap3A_954 = arith.index_cast %add3A_951 : i32 to index
        %swap3A_955 = tpu.vector_load %arg12[%swap3A_953, %swap3A_954] {strides = array<i32>} : memref<1x3072xf32, #tpu.memory_space<vmem>>, vector<16xf32>,
        tpu.vector_store %arg12[%swap3A_953, %swap3A_954], %max3A_938 {strides = array<i32>} : memref<1x3072xf32, #tpu.memory_space<vmem>>, vector<16xf32>,
        %add3A_956 = arith.constant 256 : i32
        %add3A_957 = arith.addi %add3A_942, %add3A_956 : i32
        %swap3A_958 = arith.constant 0 : i32
        %swap3A_959 = arith.index_cast %swap3A_958 : i32 to index
        %swap3A_960 = arith.index_cast %add3A_957 : i32 to index
        %swap3A_961 = tpu.vector_load %arg12[%swap3A_959, %swap3A_960] {strides = array<i32>} : memref<1x3072xf32, #tpu.memory_space<vmem>>, vector<16xf32>,
        tpu.vector_store %arg12[%swap3A_959, %swap3A_960], %add3A_935 {strides = array<i32>} : memref<1x3072xf32, #tpu.memory_space<vmem>>, vector<16xf32>,
        %add3A_962 = arith.constant 0 : i32
        %add3A_963 = arith.addi %mul3A_218, %add3A_962 : i32
        %add3A_964 = arith.constant 80 : i32
        %add3A_965 = arith.addi %add3A_963, %add3A_964 : i32
        %get3A_966 = arith.index_cast %add3A_965 : i32 to index
        %get3A_967 = tpu.vector_load %arg10[%get3A_966] {strides = array<i32>} : memref<16384xf32, #tpu.memory_space<vmem>>, vector<16xf32>,
        %add3A_968 = arith.constant 128 : i32
        %add3A_969 = arith.addi %mul3A_218, %add3A_968 : i32
        %add3A_970 = arith.constant 80 : i32
        %add3A_971 = arith.addi %add3A_969, %add3A_970 : i32
        %get3A_972 = arith.index_cast %add3A_971 : i32 to index
        %get3A_973 = tpu.vector_load %arg10[%get3A_972] {strides = array<i32>} : memref<16384xf32, #tpu.memory_space<vmem>>, vector<16xf32>,
        %add3A_974 = arith.constant 256 : i32
        %add3A_975 = arith.addi %mul3A_218, %add3A_974 : i32
        %add3A_976 = arith.constant 80 : i32
        %add3A_977 = arith.addi %add3A_975, %add3A_976 : i32
        %get3A_978 = arith.index_cast %add3A_977 : i32 to index
        %get3A_979 = tpu.vector_load %arg10[%get3A_978] {strides = array<i32>} : memref<16384xf32, #tpu.memory_space<vmem>>, vector<16xf32>,
        %add3A_980 = arith.constant 384 : i32
        %add3A_981 = arith.addi %mul3A_218, %add3A_980 : i32
        %add3A_982 = arith.constant 80 : i32
        %add3A_983 = arith.addi %add3A_981, %add3A_982 : i32
        %get3A_984 = arith.index_cast %add3A_983 : i32 to index
        %get3A_985 = tpu.vector_load %arg10[%get3A_984] {strides = array<i32>} : memref<16384xf32, #tpu.memory_space<vmem>>, vector<16xf32>,
        %add3A_986 = arith.constant 512 : i32
        %add3A_987 = arith.addi %mul3A_218, %add3A_986 : i32
        %add3A_988 = arith.constant 80 : i32
        %add3A_989 = arith.addi %add3A_987, %add3A_988 : i32
        %get3A_990 = arith.index_cast %add3A_989 : i32 to index
        %get3A_991 = tpu.vector_load %arg10[%get3A_990] {strides = array<i32>} : memref<16384xf32, #tpu.memory_space<vmem>>, vector<16xf32>,
        %add3A_992 = arith.addf %get3A_967, %get3A_991 : vector<16xf32>
        %max3A_993 = arith.maximumf %get3A_967, %get3A_991 : vector<16xf32>
        %add3A_994 = arith.constant 640 : i32
        %add3A_995 = arith.addi %mul3A_218, %add3A_994 : i32
        %add3A_996 = arith.constant 80 : i32
        %add3A_997 = arith.addi %add3A_995, %add3A_996 : i32
        %get3A_998 = arith.index_cast %add3A_997 : i32 to index
        %get3A_999 = tpu.vector_load %arg10[%get3A_998] {strides = array<i32>} : memref<16384xf32, #tpu.memory_space<vmem>>, vector<16xf32>,
        %add3A_1000 = arith.addf %get3A_973, %get3A_999 : vector<16xf32>
        %max3A_1001 = arith.maximumf %get3A_973, %get3A_999 : vector<16xf32>
        %add3A_1002 = arith.constant 768 : i32
        %add3A_1003 = arith.addi %mul3A_218, %add3A_1002 : i32
        %add3A_1004 = arith.constant 80 : i32
        %add3A_1005 = arith.addi %add3A_1003, %add3A_1004 : i32
        %get3A_1006 = arith.index_cast %add3A_1005 : i32 to index
        %get3A_1007 = tpu.vector_load %arg10[%get3A_1006] {strides = array<i32>} : memref<16384xf32, #tpu.memory_space<vmem>>, vector<16xf32>,
        %add3A_1008 = arith.addf %get3A_979, %get3A_1007 : vector<16xf32>
        %max3A_1009 = arith.maximumf %get3A_979, %get3A_1007 : vector<16xf32>
        %add3A_1010 = arith.constant 896 : i32
        %add3A_1011 = arith.addi %mul3A_218, %add3A_1010 : i32
        %add3A_1012 = arith.constant 80 : i32
        %add3A_1013 = arith.addi %add3A_1011, %add3A_1012 : i32
        %get3A_1014 = arith.index_cast %add3A_1013 : i32 to index
        %get3A_1015 = tpu.vector_load %arg10[%get3A_1014] {strides = array<i32>} : memref<16384xf32, #tpu.memory_space<vmem>>, vector<16xf32>,
        %add3A_1016 = arith.addf %get3A_985, %get3A_1015 : vector<16xf32>
        %max3A_1017 = arith.maximumf %get3A_985, %get3A_1015 : vector<16xf32>
        %add3A_1018 = arith.constant 1024 : i32
        %add3A_1019 = arith.addi %mul3A_218, %add3A_1018 : i32
        %add3A_1020 = arith.constant 80 : i32
        %add3A_1021 = arith.addi %add3A_1019, %add3A_1020 : i32
        %get3A_1022 = arith.index_cast %add3A_1021 : i32 to index
        %get3A_1023 = tpu.vector_load %arg10[%get3A_1022] {strides = array<i32>} : memref<16384xf32, #tpu.memory_space<vmem>>, vector<16xf32>,
        %add3A_1024 = arith.addf %add3A_992, %get3A_1023 : vector<16xf32>
        %max3A_1025 = arith.maximumf %max3A_993, %get3A_1023 : vector<16xf32>
        %add3A_1026 = arith.constant 1152 : i32
        %add3A_1027 = arith.addi %mul3A_218, %add3A_1026 : i32
        %add3A_1028 = arith.constant 80 : i32
        %add3A_1029 = arith.addi %add3A_1027, %add3A_1028 : i32
        %get3A_1030 = arith.index_cast %add3A_1029 : i32 to index
        %get3A_1031 = tpu.vector_load %arg10[%get3A_1030] {strides = array<i32>} : memref<16384xf32, #tpu.memory_space<vmem>>, vector<16xf32>,
        %add3A_1032 = arith.addf %add3A_1000, %get3A_1031 : vector<16xf32>
        %max3A_1033 = arith.maximumf %max3A_1001, %get3A_1031 : vector<16xf32>
        %add3A_1034 = arith.constant 1280 : i32
        %add3A_1035 = arith.addi %mul3A_218, %add3A_1034 : i32
        %add3A_1036 = arith.constant 80 : i32
        %add3A_1037 = arith.addi %add3A_1035, %add3A_1036 : i32
        %get3A_1038 = arith.index_cast %add3A_1037 : i32 to index
        %get3A_1039 = tpu.vector_load %arg10[%get3A_1038] {strides = array<i32>} : memref<16384xf32, #tpu.memory_space<vmem>>, vector<16xf32>,
        %add3A_1040 = arith.addf %add3A_1008, %get3A_1039 : vector<16xf32>
        %max3A_1041 = arith.maximumf %max3A_1009, %get3A_1039 : vector<16xf32>
        %add3A_1042 = arith.constant 1408 : i32
        %add3A_1043 = arith.addi %mul3A_218, %add3A_1042 : i32
        %add3A_1044 = arith.constant 80 : i32
        %add3A_1045 = arith.addi %add3A_1043, %add3A_1044 : i32
        %get3A_1046 = arith.index_cast %add3A_1045 : i32 to index
        %get3A_1047 = tpu.vector_load %arg10[%get3A_1046] {strides = array<i32>} : memref<16384xf32, #tpu.memory_space<vmem>>, vector<16xf32>,
        %add3A_1048 = arith.addf %add3A_1016, %get3A_1047 : vector<16xf32>
        %max3A_1049 = arith.maximumf %max3A_1017, %get3A_1047 : vector<16xf32>
        %add3A_1050 = arith.constant 1536 : i32
        %add3A_1051 = arith.addi %mul3A_218, %add3A_1050 : i32
        %add3A_1052 = arith.constant 80 : i32
        %add3A_1053 = arith.addi %add3A_1051, %add3A_1052 : i32
        %get3A_1054 = arith.index_cast %add3A_1053 : i32 to index
        %get3A_1055 = tpu.vector_load %arg10[%get3A_1054] {strides = array<i32>} : memref<16384xf32, #tpu.memory_space<vmem>>, vector<16xf32>,
        %add3A_1056 = arith.addf %add3A_1024, %get3A_1055 : vector<16xf32>
        %max3A_1057 = arith.maximumf %max3A_1025, %get3A_1055 : vector<16xf32>
        %add3A_1058 = arith.constant 1664 : i32
        %add3A_1059 = arith.addi %mul3A_218, %add3A_1058 : i32
        %add3A_1060 = arith.constant 80 : i32
        %add3A_1061 = arith.addi %add3A_1059, %add3A_1060 : i32
        %get3A_1062 = arith.index_cast %add3A_1061 : i32 to index
        %get3A_1063 = tpu.vector_load %arg10[%get3A_1062] {strides = array<i32>} : memref<16384xf32, #tpu.memory_space<vmem>>, vector<16xf32>,
        %add3A_1064 = arith.addf %add3A_1032, %get3A_1063 : vector<16xf32>
        %max3A_1065 = arith.maximumf %max3A_1033, %get3A_1063 : vector<16xf32>
        %add3A_1066 = arith.constant 1792 : i32
        %add3A_1067 = arith.addi %mul3A_218, %add3A_1066 : i32
        %add3A_1068 = arith.constant 80 : i32
        %add3A_1069 = arith.addi %add3A_1067, %add3A_1068 : i32
        %get3A_1070 = arith.index_cast %add3A_1069 : i32 to index
        %get3A_1071 = tpu.vector_load %arg10[%get3A_1070] {strides = array<i32>} : memref<16384xf32, #tpu.memory_space<vmem>>, vector<16xf32>,
        %add3A_1072 = arith.addf %add3A_1040, %get3A_1071 : vector<16xf32>
        %max3A_1073 = arith.maximumf %max3A_1041, %get3A_1071 : vector<16xf32>
        %add3A_1074 = arith.constant 1920 : i32
        %add3A_1075 = arith.addi %mul3A_218, %add3A_1074 : i32
        %add3A_1076 = arith.constant 80 : i32
        %add3A_1077 = arith.addi %add3A_1075, %add3A_1076 : i32
        %get3A_1078 = arith.index_cast %add3A_1077 : i32 to index
        %get3A_1079 = tpu.vector_load %arg10[%get3A_1078] {strides = array<i32>} : memref<16384xf32, #tpu.memory_space<vmem>>, vector<16xf32>,
        %add3A_1080 = arith.addf %add3A_1048, %get3A_1079 : vector<16xf32>
        %max3A_1081 = arith.maximumf %max3A_1049, %get3A_1079 : vector<16xf32>
        %add3A_1082 = arith.addf %add3A_1056, %add3A_1064 : vector<16xf32>
        %add3A_1083 = arith.addf %add3A_1072, %add3A_1080 : vector<16xf32>
        %add3A_1084 = arith.addf %add3A_1082, %add3A_1083 : vector<16xf32>
        %max3A_1085 = arith.maximumf %max3A_1057, %max3A_1065 : vector<16xf32>
        %max3A_1086 = arith.maximumf %max3A_1073, %max3A_1081 : vector<16xf32>
        %max3A_1087 = arith.maximumf %max3A_1085, %max3A_1086 : vector<16xf32>
        %mul3A_1088 = arith.constant 384 : i32
        %mul3A_1089 = arith.muli %scan3A_214, %mul3A_1088 : i32
        %add3A_1090 = arith.constant 80 : i32
        %add3A_1091 = arith.addi %mul3A_1089, %add3A_1090 : i32
        %mul3A_1092 = arith.constant 6.250000e-02 : f32
        %mul3A_1093 = vector.broadcast %mul3A_1092 : f32 to vector<16xf32>
        %mul3A_1094 = arith.mulf %add3A_1084, %mul3A_1093 : vector<16xf32>
        %swap3A_1095 = arith.constant 0 : i32
        %swap3A_1096 = arith.index_cast %swap3A_1095 : i32 to index
        %swap3A_1097 = arith.index_cast %add3A_1091 : i32 to index
        %swap3A_1098 = tpu.vector_load %arg12[%swap3A_1096, %swap3A_1097] {strides = array<i32>} : memref<1x3072xf32, #tpu.memory_space<vmem>>, vector<16xf32>,
        tpu.vector_store %arg12[%swap3A_1096, %swap3A_1097], %mul3A_1094 {strides = array<i32>} : memref<1x3072xf32, #tpu.memory_space<vmem>>, vector<16xf32>,
        %add3A_1099 = arith.constant 128 : i32
        %add3A_1100 = arith.addi %add3A_1091, %add3A_1099 : i32
        %swap3A_1101 = arith.constant 0 : i32
        %swap3A_1102 = arith.index_cast %swap3A_1101 : i32 to index
        %swap3A_1103 = arith.index_cast %add3A_1100 : i32 to index
        %swap3A_1104 = tpu.vector_load %arg12[%swap3A_1102, %swap3A_1103] {strides = array<i32>} : memref<1x3072xf32, #tpu.memory_space<vmem>>, vector<16xf32>,
        tpu.vector_store %arg12[%swap3A_1102, %swap3A_1103], %max3A_1087 {strides = array<i32>} : memref<1x3072xf32, #tpu.memory_space<vmem>>, vector<16xf32>,
        %add3A_1105 = arith.constant 256 : i32
        %add3A_1106 = arith.addi %add3A_1091, %add3A_1105 : i32
        %swap3A_1107 = arith.constant 0 : i32
        %swap3A_1108 = arith.index_cast %swap3A_1107 : i32 to index
        %swap3A_1109 = arith.index_cast %add3A_1106 : i32 to index
        %swap3A_1110 = tpu.vector_load %arg12[%swap3A_1108, %swap3A_1109] {strides = array<i32>} : memref<1x3072xf32, #tpu.memory_space<vmem>>, vector<16xf32>,
        tpu.vector_store %arg12[%swap3A_1108, %swap3A_1109], %add3A_1084 {strides = array<i32>} : memref<1x3072xf32, #tpu.memory_space<vmem>>, vector<16xf32>,
        %add3A_1111 = arith.constant 0 : i32
        %add3A_1112 = arith.addi %mul3A_218, %add3A_1111 : i32
        %add3A_1113 = arith.constant 96 : i32
        %add3A_1114 = arith.addi %add3A_1112, %add3A_1113 : i32
        %get3A_1115 = arith.index_cast %add3A_1114 : i32 to index
        %get3A_1116 = tpu.vector_load %arg10[%get3A_1115] {strides = array<i32>} : memref<16384xf32, #tpu.memory_space<vmem>>, vector<16xf32>,
        %add3A_1117 = arith.constant 128 : i32
        %add3A_1118 = arith.addi %mul3A_218, %add3A_1117 : i32
        %add3A_1119 = arith.constant 96 : i32
        %add3A_1120 = arith.addi %add3A_1118, %add3A_1119 : i32
        %get3A_1121 = arith.index_cast %add3A_1120 : i32 to index
        %get3A_1122 = tpu.vector_load %arg10[%get3A_1121] {strides = array<i32>} : memref<16384xf32, #tpu.memory_space<vmem>>, vector<16xf32>,
        %add3A_1123 = arith.constant 256 : i32
        %add3A_1124 = arith.addi %mul3A_218, %add3A_1123 : i32
        %add3A_1125 = arith.constant 96 : i32
        %add3A_1126 = arith.addi %add3A_1124, %add3A_1125 : i32
        %get3A_1127 = arith.index_cast %add3A_1126 : i32 to index
        %get3A_1128 = tpu.vector_load %arg10[%get3A_1127] {strides = array<i32>} : memref<16384xf32, #tpu.memory_space<vmem>>, vector<16xf32>,
        %add3A_1129 = arith.constant 384 : i32
        %add3A_1130 = arith.addi %mul3A_218, %add3A_1129 : i32
        %add3A_1131 = arith.constant 96 : i32
        %add3A_1132 = arith.addi %add3A_1130, %add3A_1131 : i32
        %get3A_1133 = arith.index_cast %add3A_1132 : i32 to index
        %get3A_1134 = tpu.vector_load %arg10[%get3A_1133] {strides = array<i32>} : memref<16384xf32, #tpu.memory_space<vmem>>, vector<16xf32>,
        %add3A_1135 = arith.constant 512 : i32
        %add3A_1136 = arith.addi %mul3A_218, %add3A_1135 : i32
        %add3A_1137 = arith.constant 96 : i32
        %add3A_1138 = arith.addi %add3A_1136, %add3A_1137 : i32
        %get3A_1139 = arith.index_cast %add3A_1138 : i32 to index
        %get3A_1140 = tpu.vector_load %arg10[%get3A_1139] {strides = array<i32>} : memref<16384xf32, #tpu.memory_space<vmem>>, vector<16xf32>,
        %add3A_1141 = arith.addf %get3A_1116, %get3A_1140 : vector<16xf32>
        %max3A_1142 = arith.maximumf %get3A_1116, %get3A_1140 : vector<16xf32>
        %add3A_1143 = arith.constant 640 : i32
        %add3A_1144 = arith.addi %mul3A_218, %add3A_1143 : i32
        %add3A_1145 = arith.constant 96 : i32
        %add3A_1146 = arith.addi %add3A_1144, %add3A_1145 : i32
        %get3A_1147 = arith.index_cast %add3A_1146 : i32 to index
        %get3A_1148 = tpu.vector_load %arg10[%get3A_1147] {strides = array<i32>} : memref<16384xf32, #tpu.memory_space<vmem>>, vector<16xf32>,
        %add3A_1149 = arith.addf %get3A_1122, %get3A_1148 : vector<16xf32>
        %max3A_1150 = arith.maximumf %get3A_1122, %get3A_1148 : vector<16xf32>
        %add3A_1151 = arith.constant 768 : i32
        %add3A_1152 = arith.addi %mul3A_218, %add3A_1151 : i32
        %add3A_1153 = arith.constant 96 : i32
        %add3A_1154 = arith.addi %add3A_1152, %add3A_1153 : i32
        %get3A_1155 = arith.index_cast %add3A_1154 : i32 to index
        %get3A_1156 = tpu.vector_load %arg10[%get3A_1155] {strides = array<i32>} : memref<16384xf32, #tpu.memory_space<vmem>>, vector<16xf32>,
        %add3A_1157 = arith.addf %get3A_1128, %get3A_1156 : vector<16xf32>
        %max3A_1158 = arith.maximumf %get3A_1128, %get3A_1156 : vector<16xf32>
        %add3A_1159 = arith.constant 896 : i32
        %add3A_1160 = arith.addi %mul3A_218, %add3A_1159 : i32
        %add3A_1161 = arith.constant 96 : i32
        %add3A_1162 = arith.addi %add3A_1160, %add3A_1161 : i32
        %get3A_1163 = arith.index_cast %add3A_1162 : i32 to index
        %get3A_1164 = tpu.vector_load %arg10[%get3A_1163] {strides = array<i32>} : memref<16384xf32, #tpu.memory_space<vmem>>, vector<16xf32>,
        %add3A_1165 = arith.addf %get3A_1134, %get3A_1164 : vector<16xf32>
        %max3A_1166 = arith.maximumf %get3A_1134, %get3A_1164 : vector<16xf32>
        %add3A_1167 = arith.constant 1024 : i32
        %add3A_1168 = arith.addi %mul3A_218, %add3A_1167 : i32
        %add3A_1169 = arith.constant 96 : i32
        %add3A_1170 = arith.addi %add3A_1168, %add3A_1169 : i32
        %get3A_1171 = arith.index_cast %add3A_1170 : i32 to index
        %get3A_1172 = tpu.vector_load %arg10[%get3A_1171] {strides = array<i32>} : memref<16384xf32, #tpu.memory_space<vmem>>, vector<16xf32>,
        %add3A_1173 = arith.addf %add3A_1141, %get3A_1172 : vector<16xf32>
        %max3A_1174 = arith.maximumf %max3A_1142, %get3A_1172 : vector<16xf32>
        %add3A_1175 = arith.constant 1152 : i32
        %add3A_1176 = arith.addi %mul3A_218, %add3A_1175 : i32
        %add3A_1177 = arith.constant 96 : i32
        %add3A_1178 = arith.addi %add3A_1176, %add3A_1177 : i32
        %get3A_1179 = arith.index_cast %add3A_1178 : i32 to index
        %get3A_1180 = tpu.vector_load %arg10[%get3A_1179] {strides = array<i32>} : memref<16384xf32, #tpu.memory_space<vmem>>, vector<16xf32>,
        %add3A_1181 = arith.addf %add3A_1149, %get3A_1180 : vector<16xf32>
        %max3A_1182 = arith.maximumf %max3A_1150, %get3A_1180 : vector<16xf32>
        %add3A_1183 = arith.constant 1280 : i32
        %add3A_1184 = arith.addi %mul3A_218, %add3A_1183 : i32
        %add3A_1185 = arith.constant 96 : i32
        %add3A_1186 = arith.addi %add3A_1184, %add3A_1185 : i32
        %get3A_1187 = arith.index_cast %add3A_1186 : i32 to index
        %get3A_1188 = tpu.vector_load %arg10[%get3A_1187] {strides = array<i32>} : memref<16384xf32, #tpu.memory_space<vmem>>, vector<16xf32>,
        %add3A_1189 = arith.addf %add3A_1157, %get3A_1188 : vector<16xf32>
        %max3A_1190 = arith.maximumf %max3A_1158, %get3A_1188 : vector<16xf32>
        %add3A_1191 = arith.constant 1408 : i32
        %add3A_1192 = arith.addi %mul3A_218, %add3A_1191 : i32
        %add3A_1193 = arith.constant 96 : i32
        %add3A_1194 = arith.addi %add3A_1192, %add3A_1193 : i32
        %get3A_1195 = arith.index_cast %add3A_1194 : i32 to index
        %get3A_1196 = tpu.vector_load %arg10[%get3A_1195] {strides = array<i32>} : memref<16384xf32, #tpu.memory_space<vmem>>, vector<16xf32>,
        %add3A_1197 = arith.addf %add3A_1165, %get3A_1196 : vector<16xf32>
        %max3A_1198 = arith.maximumf %max3A_1166, %get3A_1196 : vector<16xf32>
        %add3A_1199 = arith.constant 1536 : i32
        %add3A_1200 = arith.addi %mul3A_218, %add3A_1199 : i32
        %add3A_1201 = arith.constant 96 : i32
        %add3A_1202 = arith.addi %add3A_1200, %add3A_1201 : i32
        %get3A_1203 = arith.index_cast %add3A_1202 : i32 to index
        %get3A_1204 = tpu.vector_load %arg10[%get3A_1203] {strides = array<i32>} : memref<16384xf32, #tpu.memory_space<vmem>>, vector<16xf32>,
        %add3A_1205 = arith.addf %add3A_1173, %get3A_1204 : vector<16xf32>
        %max3A_1206 = arith.maximumf %max3A_1174, %get3A_1204 : vector<16xf32>
        %add3A_1207 = arith.constant 1664 : i32
        %add3A_1208 = arith.addi %mul3A_218, %add3A_1207 : i32
        %add3A_1209 = arith.constant 96 : i32
        %add3A_1210 = arith.addi %add3A_1208, %add3A_1209 : i32
        %get3A_1211 = arith.index_cast %add3A_1210 : i32 to index
        %get3A_1212 = tpu.vector_load %arg10[%get3A_1211] {strides = array<i32>} : memref<16384xf32, #tpu.memory_space<vmem>>, vector<16xf32>,
        %add3A_1213 = arith.addf %add3A_1181, %get3A_1212 : vector<16xf32>
        %max3A_1214 = arith.maximumf %max3A_1182, %get3A_1212 : vector<16xf32>
        %add3A_1215 = arith.constant 1792 : i32
        %add3A_1216 = arith.addi %mul3A_218, %add3A_1215 : i32
        %add3A_1217 = arith.constant 96 : i32
        %add3A_1218 = arith.addi %add3A_1216, %add3A_1217 : i32
        %get3A_1219 = arith.index_cast %add3A_1218 : i32 to index
        %get3A_1220 = tpu.vector_load %arg10[%get3A_1219] {strides = array<i32>} : memref<16384xf32, #tpu.memory_space<vmem>>, vector<16xf32>,
        %add3A_1221 = arith.addf %add3A_1189, %get3A_1220 : vector<16xf32>
        %max3A_1222 = arith.maximumf %max3A_1190, %get3A_1220 : vector<16xf32>
        %add3A_1223 = arith.constant 1920 : i32
        %add3A_1224 = arith.addi %mul3A_218, %add3A_1223 : i32
        %add3A_1225 = arith.constant 96 : i32
        %add3A_1226 = arith.addi %add3A_1224, %add3A_1225 : i32
        %get3A_1227 = arith.index_cast %add3A_1226 : i32 to index
        %get3A_1228 = tpu.vector_load %arg10[%get3A_1227] {strides = array<i32>} : memref<16384xf32, #tpu.memory_space<vmem>>, vector<16xf32>,
        %add3A_1229 = arith.addf %add3A_1197, %get3A_1228 : vector<16xf32>
        %max3A_1230 = arith.maximumf %max3A_1198, %get3A_1228 : vector<16xf32>
        %add3A_1231 = arith.addf %add3A_1205, %add3A_1213 : vector<16xf32>
        %add3A_1232 = arith.addf %add3A_1221, %add3A_1229 : vector<16xf32>
        %add3A_1233 = arith.addf %add3A_1231, %add3A_1232 : vector<16xf32>
        %max3A_1234 = arith.maximumf %max3A_1206, %max3A_1214 : vector<16xf32>
        %max3A_1235 = arith.maximumf %max3A_1222, %max3A_1230 : vector<16xf32>
        %max3A_1236 = arith.maximumf %max3A_1234, %max3A_1235 : vector<16xf32>
        %mul3A_1237 = arith.constant 384 : i32
        %mul3A_1238 = arith.muli %scan3A_214, %mul3A_1237 : i32
        %add3A_1239 = arith.constant 96 : i32
        %add3A_1240 = arith.addi %mul3A_1238, %add3A_1239 : i32
        %mul3A_1241 = arith.constant 6.250000e-02 : f32
        %mul3A_1242 = vector.broadcast %mul3A_1241 : f32 to vector<16xf32>
        %mul3A_1243 = arith.mulf %add3A_1233, %mul3A_1242 : vector<16xf32>
        %swap3A_1244 = arith.constant 0 : i32
        %swap3A_1245 = arith.index_cast %swap3A_1244 : i32 to index
        %swap3A_1246 = arith.index_cast %add3A_1240 : i32 to index
        %swap3A_1247 = tpu.vector_load %arg12[%swap3A_1245, %swap3A_1246] {strides = array<i32>} : memref<1x3072xf32, #tpu.memory_space<vmem>>, vector<16xf32>,
        tpu.vector_store %arg12[%swap3A_1245, %swap3A_1246], %mul3A_1243 {strides = array<i32>} : memref<1x3072xf32, #tpu.memory_space<vmem>>, vector<16xf32>,
        %add3A_1248 = arith.constant 128 : i32
        %add3A_1249 = arith.addi %add3A_1240, %add3A_1248 : i32
        %swap3A_1250 = arith.constant 0 : i32
        %swap3A_1251 = arith.index_cast %swap3A_1250 : i32 to index
        %swap3A_1252 = arith.index_cast %add3A_1249 : i32 to index
        %swap3A_1253 = tpu.vector_load %arg12[%swap3A_1251, %swap3A_1252] {strides = array<i32>} : memref<1x3072xf32, #tpu.memory_space<vmem>>, vector<16xf32>,
        tpu.vector_store %arg12[%swap3A_1251, %swap3A_1252], %max3A_1236 {strides = array<i32>} : memref<1x3072xf32, #tpu.memory_space<vmem>>, vector<16xf32>,
        %add3A_1254 = arith.constant 256 : i32
        %add3A_1255 = arith.addi %add3A_1240, %add3A_1254 : i32
        %swap3A_1256 = arith.constant 0 : i32
        %swap3A_1257 = arith.index_cast %swap3A_1256 : i32 to index
        %swap3A_1258 = arith.index_cast %add3A_1255 : i32 to index
        %swap3A_1259 = tpu.vector_load %arg12[%swap3A_1257, %swap3A_1258] {strides = array<i32>} : memref<1x3072xf32, #tpu.memory_space<vmem>>, vector<16xf32>,
        tpu.vector_store %arg12[%swap3A_1257, %swap3A_1258], %add3A_1233 {strides = array<i32>} : memref<1x3072xf32, #tpu.memory_space<vmem>>, vector<16xf32>,
        %add3A_1260 = arith.constant 0 : i32
        %add3A_1261 = arith.addi %mul3A_218, %add3A_1260 : i32
        %add3A_1262 = arith.constant 112 : i32
        %add3A_1263 = arith.addi %add3A_1261, %add3A_1262 : i32
        %get3A_1264 = arith.index_cast %add3A_1263 : i32 to index
        %get3A_1265 = tpu.vector_load %arg10[%get3A_1264] {strides = array<i32>} : memref<16384xf32, #tpu.memory_space<vmem>>, vector<16xf32>,
        %add3A_1266 = arith.constant 128 : i32
        %add3A_1267 = arith.addi %mul3A_218, %add3A_1266 : i32
        %add3A_1268 = arith.constant 112 : i32
        %add3A_1269 = arith.addi %add3A_1267, %add3A_1268 : i32
        %get3A_1270 = arith.index_cast %add3A_1269 : i32 to index
        %get3A_1271 = tpu.vector_load %arg10[%get3A_1270] {strides = array<i32>} : memref<16384xf32, #tpu.memory_space<vmem>>, vector<16xf32>,
        %add3A_1272 = arith.constant 256 : i32
        %add3A_1273 = arith.addi %mul3A_218, %add3A_1272 : i32
        %add3A_1274 = arith.constant 112 : i32
        %add3A_1275 = arith.addi %add3A_1273, %add3A_1274 : i32
        %get3A_1276 = arith.index_cast %add3A_1275 : i32 to index
        %get3A_1277 = tpu.vector_load %arg10[%get3A_1276] {strides = array<i32>} : memref<16384xf32, #tpu.memory_space<vmem>>, vector<16xf32>,
        %add3A_1278 = arith.constant 384 : i32
        %add3A_1279 = arith.addi %mul3A_218, %add3A_1278 : i32
        %add3A_1280 = arith.constant 112 : i32
        %add3A_1281 = arith.addi %add3A_1279, %add3A_1280 : i32
        %get3A_1282 = arith.index_cast %add3A_1281 : i32 to index
        %get3A_1283 = tpu.vector_load %arg10[%get3A_1282] {strides = array<i32>} : memref<16384xf32, #tpu.memory_space<vmem>>, vector<16xf32>,
        %add3A_1284 = arith.constant 512 : i32
        %add3A_1285 = arith.addi %mul3A_218, %add3A_1284 : i32
        %add3A_1286 = arith.constant 112 : i32
        %add3A_1287 = arith.addi %add3A_1285, %add3A_1286 : i32
        %get3A_1288 = arith.index_cast %add3A_1287 : i32 to index
        %get3A_1289 = tpu.vector_load %arg10[%get3A_1288] {strides = array<i32>} : memref<16384xf32, #tpu.memory_space<vmem>>, vector<16xf32>,
        %add3A_1290 = arith.addf %get3A_1265, %get3A_1289 : vector<16xf32>
        %max3A_1291 = arith.maximumf %get3A_1265, %get3A_1289 : vector<16xf32>
        %add3A_1292 = arith.constant 640 : i32
        %add3A_1293 = arith.addi %mul3A_218, %add3A_1292 : i32
        %add3A_1294 = arith.constant 112 : i32
        %add3A_1295 = arith.addi %add3A_1293, %add3A_1294 : i32
        %get3A_1296 = arith.index_cast %add3A_1295 : i32 to index
        %get3A_1297 = tpu.vector_load %arg10[%get3A_1296] {strides = array<i32>} : memref<16384xf32, #tpu.memory_space<vmem>>, vector<16xf32>,
        %add3A_1298 = arith.addf %get3A_1271, %get3A_1297 : vector<16xf32>
        %max3A_1299 = arith.maximumf %get3A_1271, %get3A_1297 : vector<16xf32>
        %add3A_1300 = arith.constant 768 : i32
        %add3A_1301 = arith.addi %mul3A_218, %add3A_1300 : i32
        %add3A_1302 = arith.constant 112 : i32
        %add3A_1303 = arith.addi %add3A_1301, %add3A_1302 : i32
        %get3A_1304 = arith.index_cast %add3A_1303 : i32 to index
        %get3A_1305 = tpu.vector_load %arg10[%get3A_1304] {strides = array<i32>} : memref<16384xf32, #tpu.memory_space<vmem>>, vector<16xf32>,
        %add3A_1306 = arith.addf %get3A_1277, %get3A_1305 : vector<16xf32>
        %max3A_1307 = arith.maximumf %get3A_1277, %get3A_1305 : vector<16xf32>
        %add3A_1308 = arith.constant 896 : i32
        %add3A_1309 = arith.addi %mul3A_218, %add3A_1308 : i32
        %add3A_1310 = arith.constant 112 : i32
        %add3A_1311 = arith.addi %add3A_1309, %add3A_1310 : i32
        %get3A_1312 = arith.index_cast %add3A_1311 : i32 to index
        %get3A_1313 = tpu.vector_load %arg10[%get3A_1312] {strides = array<i32>} : memref<16384xf32, #tpu.memory_space<vmem>>, vector<16xf32>,
        %add3A_1314 = arith.addf %get3A_1283, %get3A_1313 : vector<16xf32>
        %max3A_1315 = arith.maximumf %get3A_1283, %get3A_1313 : vector<16xf32>
        %add3A_1316 = arith.constant 1024 : i32
        %add3A_1317 = arith.addi %mul3A_218, %add3A_1316 : i32
        %add3A_1318 = arith.constant 112 : i32
        %add3A_1319 = arith.addi %add3A_1317, %add3A_1318 : i32
        %get3A_1320 = arith.index_cast %add3A_1319 : i32 to index
        %get3A_1321 = tpu.vector_load %arg10[%get3A_1320] {strides = array<i32>} : memref<16384xf32, #tpu.memory_space<vmem>>, vector<16xf32>,
        %add3A_1322 = arith.addf %add3A_1290, %get3A_1321 : vector<16xf32>
        %max3A_1323 = arith.maximumf %max3A_1291, %get3A_1321 : vector<16xf32>
        %add3A_1324 = arith.constant 1152 : i32
        %add3A_1325 = arith.addi %mul3A_218, %add3A_1324 : i32
        %add3A_1326 = arith.constant 112 : i32
        %add3A_1327 = arith.addi %add3A_1325, %add3A_1326 : i32
        %get3A_1328 = arith.index_cast %add3A_1327 : i32 to index
        %get3A_1329 = tpu.vector_load %arg10[%get3A_1328] {strides = array<i32>} : memref<16384xf32, #tpu.memory_space<vmem>>, vector<16xf32>,
        %add3A_1330 = arith.addf %add3A_1298, %get3A_1329 : vector<16xf32>
        %max3A_1331 = arith.maximumf %max3A_1299, %get3A_1329 : vector<16xf32>
        %add3A_1332 = arith.constant 1280 : i32
        %add3A_1333 = arith.addi %mul3A_218, %add3A_1332 : i32
        %add3A_1334 = arith.constant 112 : i32
        %add3A_1335 = arith.addi %add3A_1333, %add3A_1334 : i32
        %get3A_1336 = arith.index_cast %add3A_1335 : i32 to index
        %get3A_1337 = tpu.vector_load %arg10[%get3A_1336] {strides = array<i32>} : memref<16384xf32, #tpu.memory_space<vmem>>, vector<16xf32>,
        %add3A_1338 = arith.addf %add3A_1306, %get3A_1337 : vector<16xf32>
        %max3A_1339 = arith.maximumf %max3A_1307, %get3A_1337 : vector<16xf32>
        %add3A_1340 = arith.constant 1408 : i32
        %add3A_1341 = arith.addi %mul3A_218, %add3A_1340 : i32
        %add3A_1342 = arith.constant 112 : i32
        %add3A_1343 = arith.addi %add3A_1341, %add3A_1342 : i32
        %get3A_1344 = arith.index_cast %add3A_1343 : i32 to index
        %get3A_1345 = tpu.vector_load %arg10[%get3A_1344] {strides = array<i32>} : memref<16384xf32, #tpu.memory_space<vmem>>, vector<16xf32>,
        %add3A_1346 = arith.addf %add3A_1314, %get3A_1345 : vector<16xf32>
        %max3A_1347 = arith.maximumf %max3A_1315, %get3A_1345 : vector<16xf32>
        %add3A_1348 = arith.constant 1536 : i32
        %add3A_1349 = arith.addi %mul3A_218, %add3A_1348 : i32
        %add3A_1350 = arith.constant 112 : i32
        %add3A_1351 = arith.addi %add3A_1349, %add3A_1350 : i32
        %get3A_1352 = arith.index_cast %add3A_1351 : i32 to index
        %get3A_1353 = tpu.vector_load %arg10[%get3A_1352] {strides = array<i32>} : memref<16384xf32, #tpu.memory_space<vmem>>, vector<16xf32>,
        %add3A_1354 = arith.addf %add3A_1322, %get3A_1353 : vector<16xf32>
        %max3A_1355 = arith.maximumf %max3A_1323, %get3A_1353 : vector<16xf32>
        %add3A_1356 = arith.constant 1664 : i32
        %add3A_1357 = arith.addi %mul3A_218, %add3A_1356 : i32
        %add3A_1358 = arith.constant 112 : i32
        %add3A_1359 = arith.addi %add3A_1357, %add3A_1358 : i32
        %get3A_1360 = arith.index_cast %add3A_1359 : i32 to index
        %get3A_1361 = tpu.vector_load %arg10[%get3A_1360] {strides = array<i32>} : memref<16384xf32, #tpu.memory_space<vmem>>, vector<16xf32>,
        %add3A_1362 = arith.addf %add3A_1330, %get3A_1361 : vector<16xf32>
        %max3A_1363 = arith.maximumf %max3A_1331, %get3A_1361 : vector<16xf32>
        %add3A_1364 = arith.constant 1792 : i32
        %add3A_1365 = arith.addi %mul3A_218, %add3A_1364 : i32
        %add3A_1366 = arith.constant 112 : i32
        %add3A_1367 = arith.addi %add3A_1365, %add3A_1366 : i32
        %get3A_1368 = arith.index_cast %add3A_1367 : i32 to index
        %get3A_1369 = tpu.vector_load %arg10[%get3A_1368] {strides = array<i32>} : memref<16384xf32, #tpu.memory_space<vmem>>, vector<16xf32>,
        %add3A_1370 = arith.addf %add3A_1338, %get3A_1369 : vector<16xf32>
        %max3A_1371 = arith.maximumf %max3A_1339, %get3A_1369 : vector<16xf32>
        %add3A_1372 = arith.constant 1920 : i32
        %add3A_1373 = arith.addi %mul3A_218, %add3A_1372 : i32
        %add3A_1374 = arith.constant 112 : i32
        %add3A_1375 = arith.addi %add3A_1373, %add3A_1374 : i32
        %get3A_1376 = arith.index_cast %add3A_1375 : i32 to index
        %get3A_1377 = tpu.vector_load %arg10[%get3A_1376] {strides = array<i32>} : memref<16384xf32, #tpu.memory_space<vmem>>, vector<16xf32>,
        %add3A_1378 = arith.addf %add3A_1346, %get3A_1377 : vector<16xf32>
        %max3A_1379 = arith.maximumf %max3A_1347, %get3A_1377 : vector<16xf32>
        %add3A_1380 = arith.addf %add3A_1354, %add3A_1362 : vector<16xf32>
        %add3A_1381 = arith.addf %add3A_1370, %add3A_1378 : vector<16xf32>
        %add3A_1382 = arith.addf %add3A_1380, %add3A_1381 : vector<16xf32>
        %max3A_1383 = arith.maximumf %max3A_1355, %max3A_1363 : vector<16xf32>
        %max3A_1384 = arith.maximumf %max3A_1371, %max3A_1379 : vector<16xf32>
        %max3A_1385 = arith.maximumf %max3A_1383, %max3A_1384 : vector<16xf32>
        %mul3A_1386 = arith.constant 384 : i32
        %mul3A_1387 = arith.muli %scan3A_214, %mul3A_1386 : i32
        %add3A_1388 = arith.constant 112 : i32
        %add3A_1389 = arith.addi %mul3A_1387, %add3A_1388 : i32
        %mul3A_1390 = arith.constant 6.250000e-02 : f32
        %mul3A_1391 = vector.broadcast %mul3A_1390 : f32 to vector<16xf32>
        %mul3A_1392 = arith.mulf %add3A_1382, %mul3A_1391 : vector<16xf32>
        %swap3A_1393 = arith.constant 0 : i32
        %swap3A_1394 = arith.index_cast %swap3A_1393 : i32 to index
        %swap3A_1395 = arith.index_cast %add3A_1389 : i32 to index
        %swap3A_1396 = tpu.vector_load %arg12[%swap3A_1394, %swap3A_1395] {strides = array<i32>} : memref<1x3072xf32, #tpu.memory_space<vmem>>, vector<16xf32>,
        tpu.vector_store %arg12[%swap3A_1394, %swap3A_1395], %mul3A_1392 {strides = array<i32>} : memref<1x3072xf32, #tpu.memory_space<vmem>>, vector<16xf32>,
        %add3A_1397 = arith.constant 128 : i32
        %add3A_1398 = arith.addi %add3A_1389, %add3A_1397 : i32
        %swap3A_1399 = arith.constant 0 : i32
        %swap3A_1400 = arith.index_cast %swap3A_1399 : i32 to index
        %swap3A_1401 = arith.index_cast %add3A_1398 : i32 to index
        %swap3A_1402 = tpu.vector_load %arg12[%swap3A_1400, %swap3A_1401] {strides = array<i32>} : memref<1x3072xf32, #tpu.memory_space<vmem>>, vector<16xf32>,
        tpu.vector_store %arg12[%swap3A_1400, %swap3A_1401], %max3A_1385 {strides = array<i32>} : memref<1x3072xf32, #tpu.memory_space<vmem>>, vector<16xf32>,
        %add3A_1403 = arith.constant 256 : i32
        %add3A_1404 = arith.addi %add3A_1389, %add3A_1403 : i32
        %swap3A_1405 = arith.constant 0 : i32
        %swap3A_1406 = arith.index_cast %swap3A_1405 : i32 to index
        %swap3A_1407 = arith.index_cast %add3A_1404 : i32 to index
        %swap3A_1408 = tpu.vector_load %arg12[%swap3A_1406, %swap3A_1407] {strides = array<i32>} : memref<1x3072xf32, #tpu.memory_space<vmem>>, vector<16xf32>,
        tpu.vector_store %arg12[%swap3A_1406, %swap3A_1407], %add3A_1382 {strides = array<i32>} : memref<1x3072xf32, #tpu.memory_space<vmem>>, vector<16xf32>,
      }
      %scan3A_206 = arith.constant 8 : i32
      %add3A_207 = arith.constant 1 : i32
      %add3A_208 = arith.addi %mul3A_101, %add3A_207 : i32
      %add3A_209 = arith.addi %mul3A_34, %add3A_208 : i32
      %dma_start3A_210 = arith.constant 0 : i32
      %dma_start3A_211 = tpu.memref_slice %arg4[%add3A_209, %dma_start3A_210] : memref<2048x3072xf32, #tpu.memory_space<hbm>> -> memref<1x3072xf32, #tpu.memory_space<hbm>>
      %dma_start3A_212 = arith.constant 0 : i32
      %dma_start3A_213 = tpu.memref_slice %arg4[%add3A_209, %dma_start3A_212] : memref<2048x3072xf32, #tpu.memory_space<hbm>> -> memref<1x3072xf32, #tpu.memory_space<hbm>>
      tpu.enqueue_dma source(%arg12 : memref<1x3072xf32, #tpu.memory_space<vmem>>) target(%dma_start3A_213 : memref<1x3072xf32, #tpu.memory_space<hbm>>) target_semaphore(%arg17 : memref<!tpu.dma_semaphore, #tpu.memory_space<semaphore_mem>>)
    }
    %scan3A_91 = arith.constant 32 : i32
    %dma_wait3A = arith.constant 0 : i32
    %dma_wait3A_92 = tpu.memref_slice %arg4[%mul3A_34, %dma_wait3A] : memref<2048x3072xf32, #tpu.memory_space<hbm>> -> memref<1x3072xf32, #tpu.memory_space<hbm>>
    %dma_wait3A_93 = arith.constant 0 : i32
    %dma_wait3A_94 = tpu.memref_slice %arg4[%mul3A_34, %dma_wait3A_93] : memref<2048x3072xf32, #tpu.memory_space<hbm>> -> memref<1x3072xf32, #tpu.memory_space<hbm>>
    tpu.wait_dma2 semaphore(%arg16 : memref<!tpu.dma_semaphore, #tpu.memory_space<semaphore_mem>>) src(%arg11 : memref<1x3072xf32, #tpu.memory_space<vmem>>) dst(%dma_wait3A_94 : memref<1x3072xf32, #tpu.memory_space<hbm>>)
    %dma_wait3A_95 = arith.constant 0 : i32
    %dma_wait3A_96 = tpu.memref_slice %arg4[%mul3A_34, %dma_wait3A_95] : memref<2048x3072xf32, #tpu.memory_space<hbm>> -> memref<1x3072xf32, #tpu.memory_space<hbm>>
    %dma_wait3A_97 = arith.constant 0 : i32
    %dma_wait3A_98 = tpu.memref_slice %arg4[%mul3A_34, %dma_wait3A_97] : memref<2048x3072xf32, #tpu.memory_space<hbm>> -> memref<1x3072xf32, #tpu.memory_space<hbm>>
    tpu.wait_dma2 semaphore(%arg17 : memref<!tpu.dma_semaphore, #tpu.memory_space<semaphore_mem>>) src(%arg12 : memref<1x3072xf32, #tpu.memory_space<vmem>>) dst(%dma_wait3A_98 : memref<1x3072xf32, #tpu.memory_space<hbm>>)
    return
  }
}

module attributes {stable_mosaic.version = 14 : i64} {
  func.func @_mlp_body(%arg0: i32, %arg1: i32, %arg2: memref<256x384xf32, #tpu.memory_space<vmem>>, %arg3: memref<1x384x256xf32, #tpu.memory_space<vmem>>, %arg4: memref<1x1x256xf32, #tpu.memory_space<vmem>>, %arg5: memref<1x256xf32, #tpu.memory_space<vmem>>, %arg6: memref<1x256xf32, #tpu.memory_space<vmem>>, %arg7: memref<1x256x128xf32, #tpu.memory_space<vmem>>, %arg8: memref<1x1x128xf32, #tpu.memory_space<vmem>>, %arg9: memref<1x128xf32, #tpu.memory_space<vmem>>, %arg10: memref<1x128xf32, #tpu.memory_space<vmem>>, %arg11: memref<256x128xf32, #tpu.memory_space<vmem>>) attributes {dimension_semantics = [#tpu.dimension_semantics<arbitrary>, #tpu.dimension_semantics<arbitrary>], iteration_bounds = array<i64: 8, 8>, scalar_prefetch = 0 : i64, scratch_operands = 0 : i64, tpu.core_type = #tpu.core_type<tc>, window_params = [{transform_indices = @transform_0, window_bounds = array<i64: 256, 384>}, {transform_indices = @transform_1, window_bounds = array<i64: 1, 384, 256>}, {transform_indices = @transform_2, window_bounds = array<i64: 1, 1, 256>}, {pipeline_mode = #tpu.pipeline_mode<synchronous>, transform_indices = @transform_3, window_bounds = array<i64: 1, 256>}, {pipeline_mode = #tpu.pipeline_mode<synchronous>, transform_indices = @transform_4, window_bounds = array<i64: 1, 256>}, {transform_indices = @transform_5, window_bounds = array<i64: 1, 256, 128>}, {transform_indices = @transform_6, window_bounds = array<i64: 1, 1, 128>}, {pipeline_mode = #tpu.pipeline_mode<synchronous>, transform_indices = @transform_7, window_bounds = array<i64: 1, 128>}, {pipeline_mode = #tpu.pipeline_mode<synchronous>, transform_indices = @transform_8, window_bounds = array<i64: 1, 128>}, {transform_indices = @transform_9, window_bounds = array<i64: 256, 128>}]} {
    %get3A = arith.constant 0 : index
    %get3A_0 = arith.constant 0 : index
    %get3A_1 = vector.load %arg2[%get3A, %get3A_0] : memref<256x384xf32, #tpu.memory_space<vmem>>, vector<256x384xf32>
    %get3A_2 = arith.constant 0 : index
    %get3A_3 = arith.constant 0 : index
    %get3A_4 = arith.constant 0 : index
    %get3A_5 = vector.load %arg3[%get3A_2, %get3A_3, %get3A_4] : memref<1x384x256xf32, #tpu.memory_space<vmem>>, vector<1x384x256xf32>
    %get3A_6 = vector.shape_cast %get3A_5 : vector<1x384x256xf32> to vector<384x256xf32>
    %dot_general3A = arith.constant dense<0.000000e+00> : vector<256x256xf32>
    %dot_general3A_7 = tpu.matmul %get3A_1, %get3A_6, %dot_general3A {dimension_numbers = #tpu.dot_dimension_numbers<[1], [0], [0], [1], [0, 0, 1, 1], [], []>, transpose_lhs_hint = false} : vector<256x384xf32>, vector<384x256xf32>, vector<256x256xf32> -> vector<256x256xf32>
    %get3A_8 = arith.constant 0 : index
    %get3A_9 = arith.constant 0 : index
    %get3A_10 = arith.constant 0 : index
    %get3A_11 = vector.load %arg4[%get3A_8, %get3A_9, %get3A_10] : memref<1x1x256xf32, #tpu.memory_space<vmem>>, vector<1x1x256xf32>
    %get3A_12 = vector.shape_cast %get3A_11 : vector<1x1x256xf32> to vector<1x256xf32>
    %add3A = vector.broadcast %get3A_12 : vector<1x256xf32> to vector<256x256xf32>
    %add3A_13 = arith.addf %dot_general3A_7, %add3A : vector<256x256xf32>
    %reduce_sum3A = arith.constant dense<0.000000e+00> : vector<256xf32>
    %reduce_sum3A_14 = vector.multi_reduction <add>, %add3A_13, %reduce_sum3A [1] : vector<256x256xf32> to vector<256xf32>
    %broadcast_in_dim3A = vector.shape_cast %reduce_sum3A_14 : vector<256xf32> to vector<256x1xf32>
    %div3A = arith.constant 2.560000e+02 : f32
    %div3A_15 = vector.broadcast %div3A : f32 to vector<256x1xf32>
    %div3A_16 = arith.divf %broadcast_in_dim3A, %div3A_15 : vector<256x1xf32>
    %sub3A = vector.broadcast %div3A_16 : vector<256x1xf32> to vector<256x256xf32>
    %sub3A_17 = arith.subf %add3A_13, %sub3A : vector<256x256xf32>
    %integer_pow3A = arith.mulf %sub3A_17, %sub3A_17 : vector<256x256xf32>
    %reduce_sum3A_18 = arith.constant dense<0.000000e+00> : vector<256xf32>
    %reduce_sum3A_19 = vector.multi_reduction <add>, %integer_pow3A, %reduce_sum3A_18 [1] : vector<256x256xf32> to vector<256xf32>
    %broadcast_in_dim3A_20 = vector.shape_cast %reduce_sum3A_19 : vector<256xf32> to vector<256x1xf32>
    %div3A_21 = arith.constant 2.560000e+02 : f32
    %div3A_22 = vector.broadcast %div3A_21 : f32 to vector<256x1xf32>
    %div3A_23 = arith.divf %broadcast_in_dim3A_20, %div3A_22 : vector<256x1xf32>
    %sub3A_24 = vector.broadcast %div3A_16 : vector<256x1xf32> to vector<256x256xf32>
    %sub3A_25 = arith.subf %add3A_13, %sub3A_24 : vector<256x256xf32>
    %add3A_26 = arith.constant 9.99999974E-6 : f32
    %add3A_27 = vector.broadcast %add3A_26 : f32 to vector<256x1xf32>
    %add3A_28 = arith.addf %div3A_23, %add3A_27 : vector<256x1xf32>
    %sqrt3A = math.sqrt %add3A_28 : vector<256x1xf32>
    %div3A_29 = vector.broadcast %sqrt3A : vector<256x1xf32> to vector<256x256xf32>
    %div3A_30 = arith.divf %sub3A_25, %div3A_29 : vector<256x256xf32>
    %get3A_31 = arith.constant 0 : index
    %get3A_32 = arith.constant 0 : index
    %get3A_33 = vector.load %arg5[%get3A_31, %get3A_32] : memref<1x256xf32, #tpu.memory_space<vmem>>, vector<1x256xf32>
    %mul3A = vector.broadcast %get3A_33 : vector<1x256xf32> to vector<256x256xf32>
    %mul3A_34 = arith.mulf %div3A_30, %mul3A : vector<256x256xf32>
    %get3A_35 = arith.constant 0 : index
    %get3A_36 = arith.constant 0 : index
    %get3A_37 = vector.load %arg6[%get3A_35, %get3A_36] : memref<1x256xf32, #tpu.memory_space<vmem>>, vector<1x256xf32>
    %add3A_38 = vector.broadcast %get3A_37 : vector<1x256xf32> to vector<256x256xf32>
    %add3A_39 = arith.addf %mul3A_34, %add3A_38 : vector<256x256xf32>
    %max3A = arith.constant 0.000000e+00 : f32
    %max3A_40 = vector.broadcast %max3A : f32 to vector<256x256xf32>
    %max3A_41 = arith.maximumf %add3A_39, %max3A_40 : vector<256x256xf32>
    %get3A_42 = arith.constant 0 : index
    %get3A_43 = arith.constant 0 : index
    %get3A_44 = arith.constant 0 : index
    %get3A_45 = vector.load %arg7[%get3A_42, %get3A_43, %get3A_44] : memref<1x256x128xf32, #tpu.memory_space<vmem>>, vector<1x256x128xf32>
    %get3A_46 = vector.shape_cast %get3A_45 : vector<1x256x128xf32> to vector<256x128xf32>
    %dot_general3A_47 = arith.constant dense<0.000000e+00> : vector<256x128xf32>
    %dot_general3A_48 = tpu.matmul %max3A_41, %get3A_46, %dot_general3A_47 {dimension_numbers = #tpu.dot_dimension_numbers<[1], [0], [0], [1], [0, 0, 1, 1], [], []>, transpose_lhs_hint = false} : vector<256x256xf32>, vector<256x128xf32>, vector<256x128xf32> -> vector<256x128xf32>
    %get3A_49 = arith.constant 0 : index
    %get3A_50 = arith.constant 0 : index
    %get3A_51 = arith.constant 0 : index
    %get3A_52 = vector.load %arg8[%get3A_49, %get3A_50, %get3A_51] : memref<1x1x128xf32, #tpu.memory_space<vmem>>, vector<1x1x128xf32>
    %get3A_53 = vector.shape_cast %get3A_52 : vector<1x1x128xf32> to vector<1x128xf32>
    %add3A_54 = vector.broadcast %get3A_53 : vector<1x128xf32> to vector<256x128xf32>
    %add3A_55 = arith.addf %dot_general3A_48, %add3A_54 : vector<256x128xf32>
    %reduce_sum3A_56 = arith.constant dense<0.000000e+00> : vector<256xf32>
    %reduce_sum3A_57 = vector.multi_reduction <add>, %add3A_55, %reduce_sum3A_56 [1] : vector<256x128xf32> to vector<256xf32>
    %broadcast_in_dim3A_58 = vector.shape_cast %reduce_sum3A_57 : vector<256xf32> to vector<256x1xf32>
    %div3A_59 = arith.constant 1.280000e+02 : f32
    %div3A_60 = vector.broadcast %div3A_59 : f32 to vector<256x1xf32>
    %div3A_61 = arith.divf %broadcast_in_dim3A_58, %div3A_60 : vector<256x1xf32>
    %sub3A_62 = vector.broadcast %div3A_61 : vector<256x1xf32> to vector<256x128xf32>
    %sub3A_63 = arith.subf %add3A_55, %sub3A_62 : vector<256x128xf32>
    %integer_pow3A_64 = arith.mulf %sub3A_63, %sub3A_63 : vector<256x128xf32>
    %reduce_sum3A_65 = arith.constant dense<0.000000e+00> : vector<256xf32>
    %reduce_sum3A_66 = vector.multi_reduction <add>, %integer_pow3A_64, %reduce_sum3A_65 [1] : vector<256x128xf32> to vector<256xf32>
    %broadcast_in_dim3A_67 = vector.shape_cast %reduce_sum3A_66 : vector<256xf32> to vector<256x1xf32>
    %div3A_68 = arith.constant 1.280000e+02 : f32
    %div3A_69 = vector.broadcast %div3A_68 : f32 to vector<256x1xf32>
    %div3A_70 = arith.divf %broadcast_in_dim3A_67, %div3A_69 : vector<256x1xf32>
    %sub3A_71 = vector.broadcast %div3A_61 : vector<256x1xf32> to vector<256x128xf32>
    %sub3A_72 = arith.subf %add3A_55, %sub3A_71 : vector<256x128xf32>
    %add3A_73 = arith.constant 9.99999974E-6 : f32
    %add3A_74 = vector.broadcast %add3A_73 : f32 to vector<256x1xf32>
    %add3A_75 = arith.addf %div3A_70, %add3A_74 : vector<256x1xf32>
    %sqrt3A_76 = math.sqrt %add3A_75 : vector<256x1xf32>
    %div3A_77 = vector.broadcast %sqrt3A_76 : vector<256x1xf32> to vector<256x128xf32>
    %div3A_78 = arith.divf %sub3A_72, %div3A_77 : vector<256x128xf32>
    %get3A_79 = arith.constant 0 : index
    %get3A_80 = arith.constant 0 : index
    %get3A_81 = vector.load %arg9[%get3A_79, %get3A_80] : memref<1x128xf32, #tpu.memory_space<vmem>>, vector<1x128xf32>
    %mul3A_82 = vector.broadcast %get3A_81 : vector<1x128xf32> to vector<256x128xf32>
    %mul3A_83 = arith.mulf %div3A_78, %mul3A_82 : vector<256x128xf32>
    %get3A_84 = arith.constant 0 : index
    %get3A_85 = arith.constant 0 : index
    %get3A_86 = vector.load %arg10[%get3A_84, %get3A_85] : memref<1x128xf32, #tpu.memory_space<vmem>>, vector<1x128xf32>
    %add3A_87 = vector.broadcast %get3A_86 : vector<1x128xf32> to vector<256x128xf32>
    %add3A_88 = arith.addf %mul3A_83, %add3A_87 : vector<256x128xf32>
    %max3A_89 = arith.constant 0.000000e+00 : f32
    %max3A_90 = vector.broadcast %max3A_89 : f32 to vector<256x128xf32>
    %max3A_91 = arith.maximumf %add3A_88, %max3A_90 : vector<256x128xf32>
    %swap3A = arith.constant 0 : index
    %swap3A_92 = arith.constant 0 : index
    %swap3A_93 = vector.load %arg11[%swap3A, %swap3A_92] : memref<256x128xf32, #tpu.memory_space<vmem>>, vector<256x128xf32>
    tpu.vector_store %arg11[%swap3A, %swap3A_92], %max3A_91 {strides = array<i32>} : memref<256x128xf32, #tpu.memory_space<vmem>>, vector<256x128xf32>,
    return
  }
  func.func @transform_0(%arg0: i32, %arg1: i32) -> (i32, i32) {
    %c0_i32 = arith.constant 0 : i32
    return %arg1, %arg0 : i32, i32
  }
  func.func @transform_1(%arg0: i32, %arg1: i32) -> (i32, i32, i32) {
    %c0_i32 = arith.constant 0 : i32
    %c0_i32_0 = arith.constant 0 : i32
    %c0_i32_1 = arith.constant 0 : i32
    return %arg0, %c0_i32, %c0_i32_0 : i32, i32, i32
  }
  func.func @transform_2(%arg0: i32, %arg1: i32) -> (i32, i32, i32) {
    %c0_i32 = arith.constant 0 : i32
    %c0_i32_0 = arith.constant 0 : i32
    %c0_i32_1 = arith.constant 0 : i32
    return %arg0, %c0_i32, %c0_i32_0 : i32, i32, i32
  }
  func.func @transform_3(%arg0: i32, %arg1: i32) -> (i32, i32) {
    %c0_i32 = arith.constant 0 : i32
    %c0_i32_0 = arith.constant 0 : i32
    %c0_i32_1 = arith.constant 0 : i32
    return %c0_i32, %c0_i32_0 : i32, i32
  }
  func.func @transform_4(%arg0: i32, %arg1: i32) -> (i32, i32) {
    %c0_i32 = arith.constant 0 : i32
    %c0_i32_0 = arith.constant 0 : i32
    %c0_i32_1 = arith.constant 0 : i32
    return %c0_i32, %c0_i32_0 : i32, i32
  }
  func.func @transform_5(%arg0: i32, %arg1: i32) -> (i32, i32, i32) {
    %c0_i32 = arith.constant 0 : i32
    %c0_i32_0 = arith.constant 0 : i32
    %c0_i32_1 = arith.constant 0 : i32
    return %arg0, %c0_i32, %c0_i32_0 : i32, i32, i32
  }
  func.func @transform_6(%arg0: i32, %arg1: i32) -> (i32, i32, i32) {
    %c0_i32 = arith.constant 0 : i32
    %c0_i32_0 = arith.constant 0 : i32
    %c0_i32_1 = arith.constant 0 : i32
    return %arg0, %c0_i32, %c0_i32_0 : i32, i32, i32
  }
  func.func @transform_7(%arg0: i32, %arg1: i32) -> (i32, i32) {
    %c0_i32 = arith.constant 0 : i32
    %c0_i32_0 = arith.constant 0 : i32
    %c0_i32_1 = arith.constant 0 : i32
    return %c0_i32, %c0_i32_0 : i32, i32
  }
  func.func @transform_8(%arg0: i32, %arg1: i32) -> (i32, i32) {
    %c0_i32 = arith.constant 0 : i32
    %c0_i32_0 = arith.constant 0 : i32
    %c0_i32_1 = arith.constant 0 : i32
    return %c0_i32, %c0_i32_0 : i32, i32
  }
  func.func @transform_9(%arg0: i32, %arg1: i32) -> (i32, i32) {
    %c0_i32 = arith.constant 0 : i32
    return %arg1, %arg0 : i32, i32
  }
}

</mosaic_0001>

<sc_bundles>
// kernel: kernel.4.cloned.1.call-start
scs
__scs_entry_jumppad:
0x0: {  	(pc) =	sbr.rel $0x88, $3  }
0x1: {  	(tag) =	ssettag $0x0;
	lr =	simm.s32 $0x1  }
0x2: {  	[smem:$0x3F97] =	sst lr;
	_ =	strace $0xD0000000  }
0x3: {  	_ = 	snop  }
0x4: {  	_ = 	snop  }
0x5: {  	_ = 	snop  }
0x6: {  	_ = 	snop  }
0x7: {  	_ = 	snop  }
__scs_overlays_trampoline_lowered:
0x8: {  	[smem:$0x3FA6] =	sst s0  }
0x9: {  	[smem:$0x3FA7] =	sst s1  }
0xa: {  	[smem:$0x3FA8] =	sst s2  }
0xb: {  	[smem:$0x3FA9] =	sst s3  }
0xc: {  	[smem:$0x3FAA] =	sst s4  }
0xd: {  	[smem:$0x3FAB] =	sst s5  }
0xe: {  	[smem:$0x3FAC] =	sst s6  }
0xf: {  	[smem:$0x3FAD] =	sst s7  }
0x10: {  	[smem:$0x3FAE] =	sst s8  }
0x11: {  	[smem:$0x3FAF] =	sst s9;
	s0 =	simm.s32 @!p0 $0x0  }
0x12: {  	s1 =	sld [smem:$0x3F95];
	s0 =	simm.s32 @p0 $0x1  }
0x13: {  	[smem:$0x3FB0] =	sst s0;
	s0 =	simm.s32 @!p1 $0x0  }
0x14: {  	s2 =	sld [smem:$0x3F94];
	s0 =	simm.s32 @p1 $0x1  }
0x15: {  	[smem:$0x3FB1] =	sst s0;
	s0 =	simm.s32 @!p2 $0x0  }
0x16: {  	s3 =	sld [smem:$0x3FDB];
	s0 =	simm.s32 @p2 $0x1  }
0x17: {  	s4 =	simm.s32 $0x1BF5;
	[smem:$0x3FB3] =	sst s0  }
0x18: {  	s0 =	sld [smem:$0x3F96];
	_ =	swait.ge [sflag:s4], $0x0  }
0x19: {  	s7 =	sld [smem:$0x3F97]  }
0x1a: {  	s8 =	sadd.s32 $0xFFFFE003, lr  }
0x1b: {  	s9 =	sadd.s32 $0xFFFFFEF7, lr;
	s5 =	simm.s32 $0xFFFFFFFF;
	p2 =	slt.u32 s8, $0xFFFFF086  }
0x1c: {  	p1 =	slt.u32 s9, $0xF7A;
	s5 =	simm.s32 @!p2 $0x0  }
0x1d: {  	s5 =	simm.s32 @p1 $0x1;
	p0 =	seq.s32 s7, s2  }
0x1e: {  	s7 =	smul.u32 @!p0 $0xF7A, s2;
	p2 =	seq.s32 @!p0 s5, $0x0  }
0x1f: {  	s9 =	smul.u32 $0xF7A, s1;
	s8 =	simm.s32 @!p0 $0x1BF5;
	p2 =	por !p2, p0  }
0x20: {  	[sflag:s8] =	ssyncset.s32 @!p0 $0xFFFFF086;
	s6 =	sadd.s32 @!p0 s3, s7;
	s7 =	simm.s32 @!p0 $0x108  }
0x21: {  	s3 =	sadd.s32 s3, s9;
	s6 =	sadd.s32 @!p0 $0x88, s6;
	s7 =	simm.s32 @p2 $0x1082  }
0x22: {  	[simem:s7], [sflag:s8] =	dma.local @!p0 [hbm:s6], $0xF7A  }
0x23: {  	s9 =	sor.u32 $0xD0000000, s2;
	s6 =	simm.s32 $0x108;
	_ =	swait.ge @!p0 [sflag:s8], $0x0  }
0x24: {  	s3 =	sadd.s32 $0x88, s3;
	s6 =	simm.s32 @!p1 $0x1082;
	[sflag:s4] =	ssyncset.s32 $0xFFFFF086  }
0x25: {  	[simem:s6], [sflag:s4] =	dma.local [hbm:s3], $0xF7A  }
0x26: {  	[smem:$0x3F97] =	sst s1;
	(tag) =	ssettag s2;
	_ =	strace s9  }
0x27: {  	s1 =	sld [smem:$0x3FA7]  }
0x28: {  	s2 =	sld [smem:$0x3FA8]  }
0x29: {  	s4 =	sld [smem:$0x3FAA]  }
0x2a: {  	p0 =	seq.s32 s5, $0x0;
	s5 =	sld [smem:$0x3FAB]  }
0x2b: {  	s6 =	sld [smem:$0x3FAC]  }
0x2c: {  	s7 =	sld [smem:$0x3FAD]  }
0x2d: {  	s3 =	simm.s32 $0x108;
	s8 =	sld [smem:$0x3FAE]  }
0x2e: {  	s3 =	simm.s32 @!p0 $0x1082;
	s9 =	sld [smem:$0x3FAF]  }
0x2f: {  	lr =	sadd.s32 s0, s3;
	s0 =	sld [smem:$0x3FA6]  }
0x30: {  	s3 =	sld [smem:$0x3FA9]  }
0x31: {  	[smem:$0x3FB2] =	sst s10  }
0x32: {  	s10 =	sld [smem:$0x3FB0];
	_ =	sdelay $0x3  }
0x33: {  	p0 =	seq.s32 s10, $0x1;
	s10 =	sld [smem:$0x3FB2];
	_ =	sdelay $0x3  }
0x34: {  	[smem:$0x3FB2] =	sst s10  }
0x35: {  	s10 =	sld [smem:$0x3FB1];
	_ =	sdelay $0x3  }
0x36: {  	p1 =	seq.s32 s10, $0x1;
	s10 =	sld [smem:$0x3FB2];
	_ =	sdelay $0x3  }
0x37: {  	[smem:$0x3FB2] =	sst s10  }
0x38: {  	s10 =	sld [smem:$0x3FB3]  }
0x39: {  	_ = 	snop;
	(pc) =	sbr.ind lr, $3  }
0x3a: {  	_ = 	snop  }
0x3b: {  	_ = 	snop  }
0x3c: {  	p2 =	seq.s32 s10, $0x1;
	s10 =	sld [smem:$0x3FB2]  }
0x3d: {  	_ =	shalt  }
0x3e: {  	_ =	shalt  }
0x3f: {  	_ =	shalt  }
0x40: {  	_ =	shalt  }
0x41: {  	_ =	shalt  }
0x42: {  	_ =	shalt  }
0x43: {  	_ =	shalt  }
0x44: {  	_ =	shalt  }
0x45: {  	_ =	shalt  }
0x46: {  	_ =	shalt  }
0x47: {  	_ =	shalt  }
0x48: {  	_ =	shalt  }
0x49: {  	_ =	shalt  }
0x4a: {  	_ =	shalt  }
0x4b: {  	_ =	shalt  }
0x4c: {  	_ =	shalt  }
0x4d: {  	_ =	shalt  }
0x4e: {  	_ =	shalt  }
0x4f: {  	_ =	shalt  }
0x50: {  	_ =	shalt  }
0x51: {  	_ =	shalt  }
0x52: {  	_ =	shalt  }
0x53: {  	_ =	shalt  }
0x54: {  	_ =	shalt  }
0x55: {  	_ =	shalt  }
0x56: {  	_ =	shalt  }
0x57: {  	_ =	shalt  }
0x58: {  	_ =	shalt  }
0x59: {  	_ =	shalt  }
0x5a: {  	_ =	shalt  }
0x5b: {  	_ =	shalt  }
0x5c: {  	_ =	shalt  }
0x5d: {  	_ =	shalt  }
0x5e: {  	_ =	shalt  }
0x5f: {  	_ =	shalt  }
0x60: {  	_ =	shalt  }
0x61: {  	_ =	shalt  }
0x62: {  	_ =	shalt  }
0x63: {  	_ =	shalt  }
0x64: {  	_ =	shalt  }
0x65: {  	_ =	shalt  }
0x66: {  	_ =	shalt  }
0x67: {  	_ =	shalt  }
0x68: {  	_ =	shalt  }
0x69: {  	_ =	shalt  }
0x6a: {  	_ =	shalt  }
0x6b: {  	_ =	shalt  }
0x6c: {  	_ =	shalt  }
0x6d: {  	_ =	shalt  }
0x6e: {  	_ =	shalt  }
0x6f: {  	_ =	shalt  }
0x70: {  	_ =	shalt  }
0x71: {  	_ =	shalt  }
0x72: {  	_ =	shalt  }
0x73: {  	_ =	shalt  }
0x74: {  	_ =	shalt  }
0x75: {  	_ =	shalt  }
0x76: {  	_ =	shalt  }
0x77: {  	_ =	shalt  }
0x78: {  	_ =	shalt  }
0x79: {  	_ =	shalt  }
0x7a: {  	_ =	shalt  }
0x7b: {  	_ =	shalt  }
0x7c: {  	_ =	shalt  }
0x7d: {  	_ =	shalt  }
0x7e: {  	_ =	shalt  }
0x7f: {  	_ =	shalt  }
0x80: {  	_ =	shalt  }
0x81: {  	_ =	shalt  }
0x82: {  	_ =	shalt  }
0x83: {  	_ =	shalt  }
0x84: {  	_ =	shalt  }
0x85: {  	_ =	shalt  }
0x86: {  	_ =	shalt  }
0x87: {  	_ =	shalt  }
.Lfunc_end0:
.L_simem_size_0:
called_computation_lowered:
.L_overlay_start_0:
0x88: {  	s2 =	sld [smem:$0x3FD9]  }
0x89: {  	s3 =	sld [smem:$0x3FFE];
	_ =	sdelay $0x1  }
0x8a: {  	s1 =	srdreg.scid  }
0x8b: {  	s0 =	sand.u32 $0x1, s1  }
0x8c: {  	s17 =	sshll.u32 s0, $0xA;
	s2 =	sadd.s32 s3, s2  }
0x8d: {  	s2 =	sadd.s32 s2, s17  }
0x8e: {  	[smem:$0x3FBE] =	sst s2  }
0x8f: {  	_ = 	snop  }
0x90: {  	s2 =	sld [smem:$0x3FC9]  }
0x91: {  	s18 =	sld [smem:$0x3FC8];
	(tm) =	ssettm $0x1  }
0x92: {  	s4 =	sld [smem:$0x3FFB];
	_ =	sdelay $0x3  }
0x93: {  	_ =	strace s4  }
0x94: {  	s4 =	sld [smem:$0x3FFC];
	_ =	sdelay $0x3  }
0x95: {  	_ =	strace s4  }
0x96: {  	s4 =	sld [smem:$0x3FFD];
	_ =	sdelay $0x3  }
0x97: {  	_ =	strace s4  }
0x98: {  	_ =	strace $0x8FFFFFFF  }
0x99: {  	s19 =	sld [smem:$0x3FDB];
	_ =	sdelay $0x1  }
0x9a: {  	s5 =	simm.s32 $_scs_section_size  }
0x9b: {  	s6 =	simm.s32 $_size__tile_overlayer_lowered;
	s7 =	simm.s32 $_tile_overlayer_lowered  }
0x9c: {  	s22 =	simm.s32 $0x1BFF;
	s21 =	sshll.u32 s7, $0x1;
	s4 =	sadd.s32 s5, s19  }
0x9d: {  	s8 =	simm.s32 $0x0;
	s20 =	sshll.u32 s6, $0x1;
	s6 =	sadd.s32 s21, s4  }
0x9e: {  	[timem:s8], [sflag:s22] =	dma.local [hbm:s6], s20  }
0x9f: {  	_ =	swait.ge [sflag:s22], s20  }
0xa0: {  	s5 =	ssub.s32 $0x0, s20;
	[sflag:s22] =	ssyncset.done $0x0  }
0xa1: {  	[sflag:s22] =	ssyncadd.s32 s5;
	_ =	sdelay $0x1  }
0xa2: {  	s23 =	simm.s32 $0x1B8B  }
0xa3: {  	_ =	swait.ge [sflag:s23], $0x1  }
0xa4: {  	[sflag:s23] =	ssyncset.done $0x0  }
0xa5: {  	s25 =	simm.s32 $0x1B8E;
	s24 =	sld [smem:$0x3FFE];
	[sflag:s23] =	ssyncadd.s32 $0xFFFFFFFF  }
0xa6: {  	s26 =	simm.s32 $execute0_lowered;
	[smem:$0x3FD2] =	sst s25  }
0xa7: {  	s6 =	sshll.u32 s26, $0x1;
	_ =	strace $0x80000046;
	[dreg:$0x1] =	wrdreg $0xFFFFFFFF  }
0xa8: {  	s28 =	simm.s32 $_size_execute0_lowered;
	s4 =	sadd.s32 s4, s6;
	[dreg:$0x0] =	wrdreg $0x0  }
0xa9: {  	s6 =	sshll.u32 s28, $0x1;
	[dreg:$0x2] =	wrdreg s4  }
0xaa: {  	[dreg:$0x3] =	wrdreg s6  }
0xab: {  	[dreg:$0x4] =	wrdreg $0xC0  }
0xac: {  	_ =	task [dreg:s8], $0x5FFFF  }
0xad: {  	[dreg:$0x1] =	wrdreg $0xFFFFFFFF  }
0xae: {  	[dreg:$0x0] =	wrdreg $0x60  }
0xaf: {  	[dreg:$0x2] =	wrdreg s2  }
0xb0: {  	[dreg:$0x3] =	wrdreg s18  }
0xb1: {  	[dreg:$0x4] =	wrdreg s24  }
0xb2: {  	[dreg:$0x5] =	wrdreg $0x1A8800  }
0xb3: {  	[dreg:$0x6] =	wrdreg $0x9  }
0xb4: {  	_ =	task.clear_ibuf [dreg:s8], $0x7FFFF;
	_ =	strace $0x90000046  }
0xb5: {  	s29 =	simm.s32 $0x9;
	_ =	strace $0x80000048  }
0xb6: {  	_ =	swait.ge [sflag:s29], $0x1  }
0xb7: {  	[sflag:s29] =	ssyncadd.s32 $0xFFFFFFFF  }
0xb8: {  	_ =	strace $0x90000048  }
0xb9: {  	_ =	sfence  }
0xba: {  	s30 =	sld [smem:$0x0];
	_ =	sdelay $0x2  }
0xbb: {  	s31 =	sshll.u32 s1, $0xD;
	s1 =	sshrl.u32 s1, $0x2  }
0xbc: {  	s3 =	sand.u32 $0x4000, s31;
	s1 =	sadd.s32 s1, s30  }
0xbd: {  	s0 =	sor.u32 s3, s0;
	s1 =	sshll.u32 s1, $0x11  }
0xbe: {  	s0 =	sor.u32 s1, s0  }
0xbf: {  	s0 =	sadd.s32 $0x8F2B, s0  }
0xc0: {  	[sflag:s0] =	ssyncadd.remote.s32 $0x1  }
0xc1: {  	_ =	sfence.sel $0xFFFF  }
0xc2: {  	[dreg:$0x0] =	wrdreg $0xFFFFFFFF;
	(pc) =	sbr.abs _section_cstart, $3  }
0xc3: {  	[dreg:$0x1] =	wrdreg $0xFFFFFFFF  }
0xc4: {  	_ =	task.clear_ibuf [dreg:s8], $0x2FFFF;
	_ =	strace $0x9FFFFFFF  }
0xc5: {  	(tm) =	ssettm $0x7FFFFFFF  }
tec
execute0_lowered:
.L_overlay_start_1:
0x0: {  	(tag) =	ssettag $0x1  }
0x1: {  	s1 =	rddreg [dreg:$0x0]  }
0x2: {  	s0 =	rddreg [dreg:$0x1]  }
0x3: {  	s4 =	rddreg [dreg:$0x2]  }
0x4: {  	s2 =	rddreg [dreg:$0x3]  }
0x5: {  	s5 =	srdreg.scid;
	s3 =	simm.s32 $0x0;
	s11 =	stileid.u32  }
0x6: {  	s15 =	simm.s32 $0x400;
	s17 =	simm.s32 $0x11080;
	s18 =	simm.s32 $0x15080  }
0x7: {  	s19 =	simm.s32 $0x1;
	s20 =	simm.s32 $0x19080;
	s21 =	simm.s32 $0x2  }
0x8: {  	s22 =	simm.s32 $0x4;
	s23 =	simm.s32 $0x19C80;
	s24 =	simm.s32 $0x3  }
0x9: {  	s25 =	simm.s32 $0x0;
	s9 =	sand.u32 $0x1, s5;
	[smem:$0x7FF] =	sst s3  }
0xa: {  	s4 =	sadd.s32 $0x1400, s4;
	s30 =	sshll.u32 s11, $0xC;
	s7 =	sshll.u32 s11, $0xB  }
0xb: {  	s12 =	sshll.u32 s11, $0x7;
	p0 =	sne.s32 s11, $0x0;
	s5 =	ssub.s32 $0x2, s9  }
0xc: {  	_ =	strace $0x80000047;
	s7 =	sand.u32 $0x4000, s7;
	s6 =	sshrl.u32 s5, $0x1  }
0xd: {  	s13 =	sand.u32 $0x380, s12;
	s10 =	ssub.s32 s5, s6;
	s5 =	sshll.u32 s11, $0xF  }
0xe: {  	v0 =	vlaneseq.u32;
	s31 =	sshll.u32 s9, $0x6;
	s14 =	sadd.s32 s7, s2;
	s8 =	sadd.s32 $0xFFFFFFF0, s5  }
0xf: {  	v2 =	vmul.u32 $0xFFFFFFFF, v0;
	s9 =	sor.u32 s31, s12;
	s12 =	simm.s32 $0x5;
	s8 =	sshrl.u32 s8, $0x3  }
0x10: {  	s6 =	sadd.s32 s0, s30;
	s10 =	smax.u32 s10, $0x1;
	s7 =	sadd.s32 s0, s8  }
0x11: {  	v1 =	vimm.s32 $0x80000;
	vm0 =	vmmov $0x1;
	v2 =	vadd.s32 $0xF, v2;
	s8 =	sadd.s32 s13, s14;
	s13 =	simm.s32 $0x8080;
	s14 =	simm.s32 $0x80  }
.LBB2_1:
0x12: {  	s0 =	simm.s32 $0x10  }
0x13: {  	[tilespmem:s0], [sflag:$0x5] =	stream.linear.gather [hbm4b:s6+s3], $0x8000, $0x38;
	[tilespmem:$0x1B080] =	vst v63  }
0x14: {  	_ =	swait.ge [sflag:s12], $0x8000  }
0x15: {  	[sflag:s12] =	ssyncset.done $0x0  }
0x16: {  	s0 =	simm.s32 @p0 $0x0;
	[sflag:s12] =	ssyncadd.s32 $0xFFFF8000  }
0x17: {  	[tilespmem:s0], [sflag:$0x5] =	stream.linear.gather @p0 [hbm4b:s7+s0], $0x10, $0x38;
	[tilespmem:$0x1B080] =	vst v63  }
0x18: {  	s0 =	simm.s32 @p0 $0x5  }
0x19: {  	_ =	swait.ge @p0 [sflag:s0], $0x10  }
0x1a: {  	[sflag:s0] =	ssyncset.done @p0 $0x0  }
0x1b: {  	v3 =	vimm.s32 @!p0 $0xFFFFFFFF;
	[sflag:s0] =	ssyncadd.s32 @p0 $0xFFFFFFF0  }
0x1c: {  	s0 =	simm.s32 $0x0;
	[tilespmem:$0x0] =	vst @!p0 v3  }
.LBB2_2:
0x1d: {  	p1 =	sne.s32 s0, $0x1FC0  }
.Ltmp0:
0x1e: {  	_ = 	snop;
	(pc) =	sbr.rel @p1 .LBB2_2-.Ltmp0, $3  }
0x1f: {  	_ =	sdelay $0x1  }
0x20: {  	s11 =	sshra.s32 s0, $0x2  }
0x21: {  	s0 =	sadd.s32 $0x40, s0;
	[tilespmem:s11+$0x8080] =	vst v1  }
0x22: {  	s0 =	simm.s32 $0x10  }
0x23: {  	v4 =	vld [tilespmem:s0+$0xFFFFFFFF]  }
0x24: {  	s26 =	simm.s32 $0x0;
	s28 =	simm.s32 $0x10;
	v3 =	vld [tilespmem:s0+$0x0]  }
.LBB2_4:
0x25: {  	p1 =	sne.s32 s28, $0x7FF0;
	_ =	sdelay $0x3  }
0x26: {  	vm1 =	vne.s32 v3, v4;
	_ =	sdelay $0x3  }
.Ltmp1:
0x27: {  	s11 =	sadd.s32 s26, s5;
	s26 =	smov.u32 s28;
	(pc) =	sbr.rel @p1 .LBB2_4-.Ltmp1, $4  }
0x28: {  	v4 =	vor.u32 s11, v0  }
0x29: {  	s0 =	sadd.s32 $0x10, s0;
	[tilespmem:v3+s13+$0x0] =	vst.idx.msk vm1, v4  }
0x2a: {  	v4 =	vld [tilespmem:s0+$0xFFFFFFFF]  }
0x2b: {  	s28 =	sadd.s32 $0x10, s28;
	v3 =	vld [tilespmem:s0+$0x0]  }
0x2c: {  	_ =	sdelay $0x3  }
0x2d: {  	vm1 =	vne.s32 v3, v4;
	_ =	sdelay $0x3  }
0x2e: {  	s0 =	sadd.s32 s26, s5  }
0x2f: {  	v50 =	vor.u32 s0, v0  }
0x30: {  	[tilespmem:v3+s13+$0x0] =	vst.idx.msk vm1, v50  }
0x31: {  	[spmem:s8] =	stream.strided.scatter [tilespmem:s13], [sflag:$0x5], $0x800, s15, s14, $0x38;
	[tilespmem:$0x1B080] =	vst v63  }
0x32: {  	_ =	swait.ge [sflag:s12], $0x800  }
0x33: {  	[sflag:s12] =	ssyncset.done $0x0  }
0x34: {  	[sflag:s12] =	ssyncadd.s32 $0xFFFFF800  }
0x35: {  	s16 =	simm.s32 $0x8880;
	[bflag:$0x0] =	sbarrier.arrive $0xFFFF  }
0x36: {  	[tilespmem:s16], [sflag:$0x5] =	stream.linear.gather [spmem:s2], $0x8000, $0x38;
	[tilespmem:$0x1B080] =	vst v63  }
0x37: {  	s26 =	simm.s32 $0x0;
	_ =	swait.ge [sflag:s12], $0x8000  }
0x38: {  	s11 =	sand.u32 $0x70, s26;
	s0 =	sand.u32 $0x3C00, s26;
	[sflag:s12] =	ssyncset.done $0x0  }
0x39: {  	s0 =	sor.u32 s11, s0;
	[sflag:s12] =	ssyncadd.s32 $0xFFFF8000  }
0x3a: {  	v3 =	vld [tilespmem:s0+$0x8900]  }
0x3b: {  	v51 =	vld [tilespmem:s0+$0x8880];
	_ =	sdelay $0x1  }
0x3c: {  	v5 =	vld [tilespmem:s0+$0x8980];
	_ =	sdelay $0x1  }
0x3d: {  	v6 =	vld [tilespmem:s0+$0x8A00]  }
0x3e: {  	vm1 =	vlt.s32 v51, v3  }
0x3f: {  	v52 =	vld [tilespmem:s0+$0x8A80];
	v3 =	vsel vm1, v51, v3  }
0x40: {  	vm1 =	vlt.s32 v3, v5  }
0x41: {  	v53 =	vld [tilespmem:s0+$0x8B00];
	v3 =	vsel vm1, v3, v5  }
0x42: {  	vm1 =	vlt.s32 v3, v6  }
0x43: {  	v54 =	vld [tilespmem:s0+$0x8B80];
	v3 =	vsel vm1, v3, v6  }
0x44: {  	vm1 =	vlt.s32 v3, v52  }
0x45: {  	v55 =	vld [tilespmem:s0+$0x8C00];
	v3 =	vsel vm1, v3, v52  }
0x46: {  	vm1 =	vlt.s32 v3, v53  }
0x47: {  	v56 =	vld [tilespmem:s0+$0xC880];
	v3 =	vsel vm1, v3, v53  }
0x48: {  	vm1 =	vlt.s32 v3, v54  }
0x49: {  	v57 =	vld [tilespmem:s0+$0xC900];
	v3 =	vsel vm1, v3, v54  }
0x4a: {  	vm1 =	vlt.s32 v3, v55  }
0x4b: {  	v58 =	vld [tilespmem:s0+$0xC980];
	v3 =	vsel vm1, v3, v55  }
0x4c: {  	vm1 =	vlt.s32 v3, v56  }
0x4d: {  	v59 =	vld [tilespmem:s0+$0xCA00];
	v3 =	vsel vm1, v3, v56  }
0x4e: {  	vm1 =	vlt.s32 v3, v57  }
0x4f: {  	v60 =	vld [tilespmem:s0+$0xCA80];
	v3 =	vsel vm1, v3, v57  }
0x50: {  	vm1 =	vlt.s32 v3, v58  }
0x51: {  	v61 =	vld [tilespmem:s0+$0xCB00];
	v3 =	vsel vm1, v3, v58  }
0x52: {  	vm1 =	vlt.s32 v3, v59  }
0x53: {  	v62 =	vld [tilespmem:s0+$0xCB80];
	v3 =	vsel vm1, v3, v59  }
0x54: {  	vm1 =	vlt.s32 v3, v60  }
0x55: {  	v63 =	vld [tilespmem:s0+$0xCC00];
	v3 =	vsel vm1, v3, v60  }
0x56: {  	vm1 =	vlt.s32 v3, v61  }
0x57: {  	v3 =	vsel vm1, v3, v61  }
0x58: {  	vm1 =	vlt.s32 v3, v62  }
0x59: {  	v3 =	vsel vm1, v3, v62  }
0x5a: {  	s30 =	simm.s32 $0x10;
	s28 =	simm.s32 $0x80;
	vm1 =	vlt.s32 v3, v63  }
0x5b: {  	s31 =	sand.u32 $0x3C00, s28;
	s11 =	sand.u32 $0x70, s30;
	s0 =	simm.s32 $0x10880;
	v3 =	vsel vm1, v3, v63  }
0x5c: {  	s29 =	simm.s32 $0x20;
	s26 =	sor.u32 s11, s31;
	[tilespmem:s0+$0x0] =	vst v3  }
.LBB2_6:
0x5d: {  	p1 =	sne.s32 s29, $0x7F0;
	v3 =	vld [tilespmem:s26+$0x8900]  }
0x5e: {  	v4 =	vld [tilespmem:s26+$0x8880];
	_ =	sdelay $0x1  }
0x5f: {  	v5 =	vld [tilespmem:s26+$0x8980];
	_ =	sdelay $0x1  }
0x60: {  	v6 =	vld [tilespmem:s26+$0x8A00]  }
0x61: {  	vm1 =	vlt.s32 v4, v3  }
0x62: {  	v3 =	vsel vm1, v4, v3;
	v4 =	vld [tilespmem:s26+$0x8A80]  }
0x63: {  	vm1 =	vlt.s32 v3, v5  }
0x64: {  	v3 =	vsel vm1, v3, v5;
	v5 =	vld [tilespmem:s26+$0x8B00]  }
0x65: {  	vm1 =	vlt.s32 v3, v6  }
0x66: {  	v3 =	vsel vm1, v3, v6;
	v6 =	vld [tilespmem:s26+$0x8B80]  }
0x67: {  	vm1 =	vlt.s32 v3, v4  }
0x68: {  	v3 =	vsel vm1, v3, v4;
	v4 =	vld [tilespmem:s26+$0x8C00]  }
0x69: {  	vm1 =	vlt.s32 v3, v5  }
0x6a: {  	v3 =	vsel vm1, v3, v5;
	v5 =	vld [tilespmem:s26+$0xC880]  }
0x6b: {  	vm1 =	vlt.s32 v3, v6  }
0x6c: {  	v3 =	vsel vm1, v3, v6;
	v6 =	vld [tilespmem:s26+$0xC900]  }
0x6d: {  	vm1 =	vlt.s32 v3, v4  }
0x6e: {  	v3 =	vsel vm1, v3, v4;
	v4 =	vld [tilespmem:s26+$0xC980]  }
0x6f: {  	vm1 =	vlt.s32 v3, v5  }
0x70: {  	v3 =	vsel vm1, v3, v5;
	v5 =	vld [tilespmem:s26+$0xCA00]  }
0x71: {  	vm1 =	vlt.s32 v3, v6  }
0x72: {  	v3 =	vsel vm1, v3, v6;
	v6 =	vld [tilespmem:s26+$0xCA80]  }
0x73: {  	vm1 =	vlt.s32 v3, v4  }
0x74: {  	v3 =	vsel vm1, v3, v4;
	v4 =	vld [tilespmem:s26+$0xCB00]  }
0x75: {  	vm1 =	vlt.s32 v3, v5  }
0x76: {  	v3 =	vsel vm1, v3, v5;
	v5 =	vld [tilespmem:s26+$0xCB80]  }
0x77: {  	vm1 =	vlt.s32 v3, v6  }
0x78: {  	v3 =	vsel vm1, v3, v6;
	v6 =	vld [tilespmem:s26+$0xCC00]  }
0x79: {  	vm1 =	vlt.s32 v3, v4  }
0x7a: {  	v3 =	vsel vm1, v3, v4  }
.Ltmp2:
0x7b: {  	vm1 =	vlt.s32 v3, v5;
	(pc) =	sbr.rel @p1 .LBB2_6-.Ltmp2, $4  }
0x7c: {  	v3 =	vsel vm1, v3, v5  }
0x7d: {  	s28 =	sadd.s32 $0x80, s28;
	vm1 =	vlt.s32 v3, v6  }
0x7e: {  	s11 =	sand.u32 $0x70, s29;
	s0 =	sadd.s32 $0x10, s0;
	s26 =	sand.u32 $0x3C00, s28;
	v3 =	vsel vm1, v3, v6  }
0x7f: {  	s29 =	sadd.s32 $0x10, s29;
	s26 =	sor.u32 s11, s26;
	[tilespmem:s0+$0x0] =	vst v3  }
0x80: {  	v3 =	vld [tilespmem:s26+$0x8900]  }
0x81: {  	v4 =	vld [tilespmem:s26+$0x8880];
	_ =	sdelay $0x1  }
0x82: {  	v5 =	vld [tilespmem:s26+$0x8980];
	_ =	sdelay $0x1  }
0x83: {  	v6 =	vld [tilespmem:s26+$0x8A00]  }
0x84: {  	vm1 =	vlt.s32 v4, v3  }
0x85: {  	v3 =	vsel vm1, v4, v3;
	v4 =	vld [tilespmem:s26+$0x8A80]  }
0x86: {  	vm1 =	vlt.s32 v3, v5  }
0x87: {  	v3 =	vsel vm1, v3, v5;
	v5 =	vld [tilespmem:s26+$0x8B00]  }
0x88: {  	vm1 =	vlt.s32 v3, v6  }
0x89: {  	v60 =	vld [tilespmem:s26+$0x8B80];
	v3 =	vsel vm1, v3, v6  }
0x8a: {  	vm1 =	vlt.s32 v3, v4  }
0x8b: {  	v3 =	vsel vm1, v3, v4;
	v4 =	vld [tilespmem:s26+$0x8C00]  }
0x8c: {  	vm1 =	vlt.s32 v3, v5  }
0x8d: {  	v3 =	vsel vm1, v3, v5;
	v5 =	vld [tilespmem:s26+$0xC880]  }
0x8e: {  	vm1 =	vlt.s32 v3, v60  }
0x8f: {  	v61 =	vld [tilespmem:s26+$0xC900];
	v3 =	vsel vm1, v3, v60  }
0x90: {  	vm1 =	vlt.s32 v3, v4  }
0x91: {  	v3 =	vsel vm1, v3, v4;
	v4 =	vld [tilespmem:s26+$0xC980]  }
0x92: {  	vm1 =	vlt.s32 v3, v5  }
0x93: {  	v3 =	vsel vm1, v3, v5;
	v5 =	vld [tilespmem:s26+$0xCA00]  }
0x94: {  	vm1 =	vlt.s32 v3, v61  }
0x95: {  	v62 =	vld [tilespmem:s26+$0xCA80];
	v3 =	vsel vm1, v3, v61  }
0x96: {  	vm1 =	vlt.s32 v3, v4  }
0x97: {  	v3 =	vsel vm1, v3, v4;
	v4 =	vld [tilespmem:s26+$0xCB00]  }
0x98: {  	vm1 =	vlt.s32 v3, v5  }
0x99: {  	v3 =	vsel vm1, v3, v5;
	v5 =	vld [tilespmem:s26+$0xCB80]  }
0x9a: {  	vm1 =	vlt.s32 v3, v62  }
0x9b: {  	v63 =	vld [tilespmem:s26+$0xCC00];
	v3 =	vsel vm1, v3, v62  }
0x9c: {  	vm1 =	vlt.s32 v3, v4  }
0x9d: {  	v3 =	vsel vm1, v3, v4  }
0x9e: {  	vm1 =	vlt.s32 v3, v5  }
0x9f: {  	v3 =	vsel vm1, v3, v5  }
0xa0: {  	vm1 =	vlt.s32 v3, v63  }
0xa1: {  	s0 =	sadd.s32 $0x10, s0;
	v3 =	vsel vm1, v3, v63  }
0xa2: {  	s31 =	simm.s32 $0x7F0;
	[tilespmem:s0+$0x0] =	vst v3  }
0xa3: {  	v3 =	vld [tilespmem:s31+$0x10880];
	_ =	sdelay $0x4  }
0xa4: {  	v3 =	vsub.s32 $0x0, v3  }
0xa5: {  	v3 =	vperm.xlane v3, v2;
	_ =	sdelay $0x1  }
0xa6: {  	v3 =	vxor.u32 $0x80000000, v3  }
0xa7: {  	(xrf0) =	vmax.scan.msk.u32 $0xffff, v3;
	_ =	sdelay $0x5  }
0xa8: {  	v3, _, _ =	vpop (xrf0)  }
0xa9: {  	v3 =	vxor.u32 $0x7FFFFFFF, v3  }
0xaa: {  	v3 =	vadd.s32 $0x1, v3  }
0xab: {  	v3 =	vperm.xlane v3, v2  }
0xac: {  	v4 =	vimm.s32 $0x80000  }
0xad: {  	vm1 =	vlt.s32 v3, v4  }
0xae: {  	v3 =	vsel vm1, v3, v4  }
0xaf: {  	v4 =	vxor.u32 $0x80000000, v3  }
0xb0: {  	(xrf0) =	vmin.scan.msk.u32 $0xffff, v4;
	_ =	sdelay $0x3  }
0xb1: {  	s26 =	simm.s32 $0x7E0;
	[tilespmem:s31+$0x10880] =	vst v3  }
0xb2: {  	v3 =	vld [tilespmem:s26+$0x10880]  }
0xb3: {  	v4, _, _ =	vpop (xrf0)  }
0xb4: {  	s28 =	simm.s32 $0x1F00;
	s0 =	simm.s32 $0x1F40;
	(v2sf) =	vpush v4, $0xF  }
.LBB2_8:
0xb5: {  	p1 =	sne.s32 s28, $0x0;
	_ =	sdelay $0x1  }
0xb6: {  	v3 =	vsub.s32 $0x0, v3  }
0xb7: {  	v3 =	vperm.xlane v3, v2;
	_ =	sdelay $0x1  }
0xb8: {  	v3 =	vxor.u32 $0x80000000, v3  }
0xb9: {  	(xrf0) =	vmax.scan.msk.u32 $0xffff, v3;
	_ =	sdelay $0x5  }
0xba: {  	v3, _, _ =	vpop (xrf0)  }
0xbb: {  	v3 =	vxor.u32 $0x7FFFFFFF, v3  }
0xbc: {  	v3 =	vadd.s32 $0x1, v3;
	s11 =	spop (v2sf)  }
0xbd: {  	v3 =	vperm.xlane v3, v2;
	s11 =	sxor.u32 $0x80000000, s11  }
0xbe: {  	v4 =	vmov s11  }
0xbf: {  	vm1 =	vlt.s32 v3, v4  }
0xc0: {  	v3 =	vsel vm1, v3, v4  }
0xc1: {  	[tilespmem:s26+$0x10880] =	vst v3;
	v3 =	vxor.u32 $0x80000000, v3  }
0xc2: {  	(xrf0) =	vmin.scan.msk.u32 $0xffff, v3;
	_ =	sdelay $0x2  }
.Ltmp3:
0xc3: {  	(pc) =	sbr.rel @p1 .LBB2_8-.Ltmp3, $4  }
0xc4: {  	s26 =	sshra.s32 s0, $0x2;
	s0 =	smov.u32 s28  }
0xc5: {  	v3 =	vld [tilespmem:s26+$0x10880]  }
0xc6: {  	v4, _, _ =	vpop (xrf0)  }
0xc7: {  	s28 =	sadd.s32 $0xFFFFFFC0, s28;
	(v2sf) =	vpush v4, $0xF  }
0xc8: {  	_ =	sdelay $0x1  }
0xc9: {  	v3 =	vsub.s32 $0x0, v3  }
0xca: {  	v3 =	vperm.xlane v3, v2;
	_ =	sdelay $0x1  }
0xcb: {  	v3 =	vxor.u32 $0x80000000, v3  }
0xcc: {  	(xrf0) =	vmax.scan.msk.u32 $0xffff, v3;
	_ =	sdelay $0x5  }
0xcd: {  	v3, _, _ =	vpop (xrf0)  }
0xce: {  	v3 =	vxor.u32 $0x7FFFFFFF, v3  }
0xcf: {  	v3 =	vadd.s32 $0x1, v3;
	s11 =	spop (v2sf)  }
0xd0: {  	v3 =	vperm.xlane v3, v2;
	s11 =	sxor.u32 $0x80000000, s11  }
0xd1: {  	v4 =	vmov s11  }
0xd2: {  	vm1 =	vlt.s32 v3, v4  }
0xd3: {  	v3 =	vsel vm1, v3, v4  }
0xd4: {  	v4 =	vxor.u32 $0x80000000, v3  }
0xd5: {  	(xrf0) =	vmin.scan.msk.u32 $0xffff, v4;
	_ =	sdelay $0x3  }
0xd6: {  	s0 =	sshra.s32 s0, $0x2;
	[tilespmem:s26+$0x10880] =	vst v3  }
0xd7: {  	v3 =	vld [tilespmem:s0+$0x10880]  }
0xd8: {  	v4, _, _ =	vpop (xrf0)  }
0xd9: {  	(v2sf) =	vpush v4, $0xF;
	_ =	sdelay $0x2  }
0xda: {  	v3 =	vsub.s32 $0x0, v3  }
0xdb: {  	v3 =	vperm.xlane v3, v2;
	_ =	sdelay $0x1  }
0xdc: {  	v3 =	vxor.u32 $0x80000000, v3  }
0xdd: {  	(xrf0) =	vmax.scan.msk.u32 $0xffff, v3;
	_ =	sdelay $0x5  }
0xde: {  	v3, _, _ =	vpop (xrf0)  }
0xdf: {  	v3 =	vxor.u32 $0x7FFFFFFF, v3  }
0xe0: {  	v3 =	vadd.s32 $0x1, v3;
	s30 =	spop (v2sf)  }
0xe1: {  	v3 =	vperm.xlane v3, v2;
	s11 =	sxor.u32 $0x80000000, s30  }
0xe2: {  	v62 =	vmov s11  }
0xe3: {  	vm1 =	vlt.s32 v3, v62  }
0xe4: {  	v3 =	vsel vm1, v3, v62  }
0xe5: {  	[tilespmem:s0+$0x10880] =	vst v3  }
0xe6: {  	v63 =	vld [tilespmem:s9+$0x10880];
	_ =	sdelay $0x3  }
0xe7: {  	v3 =	vxor.u32 $0x80000000, v3  }
0xe8: {  	(xrf0) =	vmin.scan.msk.u32 $0xffff, v3;
	v3 =	vnsel vm0, $0x0, v63  }
0xe9: {  	(xrf0) =	vadd.scan.msk.s32 $0xffff, v3;
	_ =	sdelay $0x4  }
0xea: {  	v3, _, _ =	vpop (xrf0)  }
0xeb: {  	(v2sf) =	vpush v3, $0xF;
	v3, _, _ =	vpop (xrf0)  }
0xec: {  	(v2sf) =	vpush v3, $0xF;
	_ =	sdelay $0xd  }
0xed: {  	s31 =	spop (v2sf)  }
0xee: {  	s0 =	spop (v2sf)  }
0xef: {  	p1 =	sgt.s32 s0, $0x7FF80  }
.Ltmp4:
0xf0: {  	_ = 	snop;
	(pc) =	sbr.rel @p1 .LBB2_10-.Ltmp4, $1  }
0xf1: {  	_ =	sdelay $0x3  }
.Ltmp5:
0xf2: {  	(pc) =	sbr.rel .LBB2_13-.Ltmp5, $4  }
0xf3: {  	s0 =	sshll.u32 s0, $0x4  }
0xf4: {  	s0 =	sand.u32 $0x1FFFFFF0, s0  }
0xf5: {  	s0 =	sadd.s32 s1, s0  }
0xf6: {  	[tilespmem:s17], [sflag:$0x1] =	stream.linear.gather [hbm4b:s0+s3], $0x4000, $0x38;
	[tilespmem:$0x1B080] =	vst v63  }
.LBB2_10:
0xf7: {  	s11 =	sadd.s32 $0x0, s0  }
0xf8: {  	s28 =	sadd.s32 $0x1, s0;
	p1 =	slt.s32 s11, $0x7FFFF  }
0xf9: {  	s11 =	simm.s32 @!p1 $0x7FFFF;
	p1 =	slt.s32 s28, $0x7FFFF  }
0xfa: {  	s11 =	sshll.u32 s11, $0x4;
	s28 =	simm.s32 @!p1 $0x7FFFF  }
0xfb: {  	s26 =	simm.s32 $0x11080;
	s11 =	sand.u32 $0x1FFFFFF0, s11;
	s31 =	sshll.u32 s28, $0x4  }
0xfc: {  	s28 =	simm.s32 $0x2;
	s11 =	sadd.s32 s1, s11;
	s29 =	sand.u32 $0x1FFFFFF0, s31  }
0xfd: {  	[tilespmem:s26], [sflag:$0x1] =	stream.linear.gather [hbm4b:s11+s3], $0x80, $0x38;
	[tilespmem:$0x1B080] =	vst v63  }
.LBB2_11:
0xfe: {  	s11 =	sadd.s32 s28, s0  }
0xff: {  	s29 =	sadd.s32 s1, s29;
	s26 =	sadd.s32 $0x80, s26;
	p2 =	sne.s32 s28, $0x7F  }
0x100: {  	[tilespmem:s26], [sflag:$0x1] =	stream.linear.gather [hbm4b:s29+s3], $0x80, $0x38;
	[tilespmem:$0x1B080] =	vst v63  }
.Ltmp6:
0x101: {  	_ = 	snop;
	(pc) =	sbr.rel @p2 .LBB2_11-.Ltmp6, $4  }
0x102: {  	s28 =	sadd.s32 $0x1, s28;
	p1 =	slt.s32 s11, $0x7FFFF  }
0x103: {  	s11 =	simm.s32 @!p1 $0x7FFFF  }
0x104: {  	s11 =	sshll.u32 s11, $0x4  }
0x105: {  	s29 =	sand.u32 $0x1FFFFFF0, s11  }
0x106: {  	s0 =	sadd.s32 s1, s29;
	s11 =	sadd.s32 $0x80, s26  }
0x107: {  	[tilespmem:s11], [sflag:$0x1] =	stream.linear.gather [hbm4b:s0+s3], $0x80, $0x38;
	[tilespmem:$0x1B080] =	vst v63  }
.LBB2_13:
0x108: {  	s26 =	simm.s32 $0x0;
	s28 =	simm.s32 $0x0  }
.LBB2_14:
0x109: {  	s0 =	sshll.u32 s28, $0x1  }
0x10a: {  	s30 =	sor.u32 s0, s9  }
0x10b: {  	s11 =	sand.u32 $0x7F0, s30  }
0x10c: {  	v3 =	vld [tilespmem:s11+$0x10880]  }
0x10d: {  	s0 =	sand.u32 $0xE, s0  }
0x10e: {  	s0 =	sor.u32 $0x1, s0  }
0x10f: {  	v4 =	vmov s0  }
0x110: {  	vm1 =	veq.s32 v4, v0  }
0x111: {  	v3 =	vnsel vm1, $0x0, v3  }
0x112: {  	(xrf0) =	vadd.scan.msk.s32 $0xffff, v3;
	_ =	sdelay $0x5  }
0x113: {  	v3, _, _ =	vpop (xrf0)  }
0x114: {  	(v2sf) =	vpush v3, $0xF;
	_ =	sdelay $0xe  }
0x115: {  	s0 =	spop (v2sf)  }
0x116: {  	p1 =	sgt.s32 s0, $0x7FF80  }
.Ltmp7:
0x117: {  	_ = 	snop;
	(pc) =	sbr.rel @p1 .LBB2_16-.Ltmp7, $2  }
0x118: {  	_ =	sdelay $0x2  }
0x119: {  	s29 =	simm.s32 $0x15080  }
.Ltmp8:
0x11a: {  	(pc) =	sbr.rel .LBB2_19-.Ltmp8, $4  }
0x11b: {  	s0 =	sshll.u32 s0, $0x4  }
0x11c: {  	s0 =	sand.u32 $0x1FFFFFF0, s0  }
0x11d: {  	s0 =	sadd.s32 s1, s0  }
0x11e: {  	[tilespmem:s18], [sflag:$0x2] =	stream.linear.gather [hbm4b:s0+s3], $0x4000, $0x38;
	[tilespmem:$0x1B080] =	vst v63  }
.LBB2_16:
0x11f: {  	s11 =	sadd.s32 s26, s0  }
0x120: {  	s31 =	sadd.s32 $0x1, s26;
	p1 =	slt.s32 s11, $0x7FFFF  }
0x121: {  	s16 =	sadd.s32 s31, s0;
	s11 =	simm.s32 @!p1 $0x7FFFF  }
0x122: {  	p1 =	slt.s32 s16, $0x7FFFF;
	s11 =	sshll.u32 s11, $0x4  }
0x123: {  	s16 =	simm.s32 @!p1 $0x7FFFF;
	s11 =	sand.u32 $0x1FFFFFF0, s11  }
0x124: {  	s16 =	sshll.u32 s16, $0x4;
	s11 =	sadd.s32 s1, s11  }
0x125: {  	[tilespmem:s29], [sflag:$0x2] =	stream.linear.gather [hbm4b:s11+s3], $0x80, $0x38;
	[tilespmem:$0x1B080] =	vst v63  }
0x126: {  	s31 =	sadd.s32 $0x1, s31;
	s11 =	sand.u32 $0x1FFFFFF0, s16  }
.LBB2_17:
0x127: {  	s16 =	sadd.s32 s31, s0  }
0x128: {  	s11 =	sadd.s32 s1, s11;
	s29 =	sadd.s32 $0x80, s29;
	p2 =	sne.s32 s31, $0x7F  }
0x129: {  	[tilespmem:s29], [sflag:$0x2] =	stream.linear.gather [hbm4b:s11+s3], $0x80, $0x38;
	[tilespmem:$0x1B080] =	vst v63  }
.Ltmp9:
0x12a: {  	_ = 	snop;
	(pc) =	sbr.rel @p2 .LBB2_17-.Ltmp9, $4  }
0x12b: {  	s31 =	sadd.s32 $0x1, s31;
	p1 =	slt.s32 s16, $0x7FFFF  }
0x12c: {  	s16 =	simm.s32 @!p1 $0x7FFFF  }
0x12d: {  	s11 =	sshll.u32 s16, $0x4  }
0x12e: {  	s11 =	sand.u32 $0x1FFFFFF0, s11  }
0x12f: {  	s0 =	sadd.s32 s1, s11;
	s31 =	sadd.s32 $0x80, s29  }
0x130: {  	[tilespmem:s31], [sflag:$0x2] =	stream.linear.gather [hbm4b:s0+s3], $0x80, $0x38;
	[tilespmem:$0x1B080] =	vst v63  }
.LBB2_19:
0x131: {  	_ =	swait.ge [sflag:s19], $0x4000  }
0x132: {  	p1 =	seq.s32 s28, $0x0;
	[sflag:s19] =	ssyncset.done $0x0  }
0x133: {  	s0 =	simm.s32 @!p1 $0x3;
	[sflag:s19] =	ssyncadd.s32 $0xFFFFC000  }
0x134: {  	_ =	swait.ge @!p1 [sflag:s0], $0xC00  }
0x135: {  	[sflag:s0] =	ssyncset.done @!p1 $0x0  }
0x136: {  	s29 =	simm.s32 $0x0;
	s31 =	simm.s32 $0x11480;
	[sflag:s0] =	ssyncadd.s32 @!p1 $0xFFFFF400  }
.LBB2_20:
0x137: {  	v3 =	vld [tilespmem:s31+$0xFFFFFC00]  }
0x138: {  	v4 =	vld [tilespmem:s31+$0xFFFFFC80]  }
0x139: {  	v5 =	vld [tilespmem:s31+$0xFFFFFD00]  }
0x13a: {  	v6 =	vld [tilespmem:s31+$0xFFFFFD80]  }
0x13b: {  	v7 =	vld [tilespmem:s31+$0xFFFFFE00]  }
0x13c: {  	v8 =	vld [tilespmem:s31+$0xFFFFFE80]  }
0x13d: {  	v9 =	vld [tilespmem:s31+$0xFFFFFF00]  }
0x13e: {  	v10 =	vld [tilespmem:s31+$0xFFFFFF80]  }
0x13f: {  	v11 =	vld [tilespmem:s31+$0x0]  }
0x140: {  	v12 =	vld [tilespmem:s31+$0x80]  }
0x141: {  	v13 =	vld [tilespmem:s31+$0x100]  }
0x142: {  	v14 =	vld [tilespmem:s31+$0x180]  }
0x143: {  	v15 =	vld [tilespmem:s31+$0x200]  }
0x144: {  	v16 =	vld [tilespmem:s31+$0x280]  }
0x145: {  	v17 =	vld [tilespmem:s31+$0x300]  }
0x146: {  	v20 =	vld [tilespmem:s31+$0x380];
	v18 =	vadd.f32 v7, v3;
	v19 =	vadd.f32 v8, v4  }
0x147: {  	v21 =	vadd.f32 v9, v5;
	v22 =	vadd.f32 v10, v6;
	v3 =	vmax.f32 v3, v7  }
0x148: {  	v4 =	vmax.f32 v4, v8;
	v18 =	vadd.f32 v11, v18;
	v19 =	vadd.f32 v12, v19  }
0x149: {  	v5 =	vmax.f32 v5, v9;
	v21 =	vadd.f32 v13, v21;
	v22 =	vadd.f32 v14, v22  }
0x14a: {  	v6 =	vmax.f32 v6, v10;
	v18 =	vadd.f32 v15, v18;
	v19 =	vadd.f32 v16, v19  }
0x14b: {  	v3 =	vmax.f32 v3, v11;
	v21 =	vadd.f32 v17, v21;
	v22 =	vadd.f32 v20, v22  }
0x14c: {  	v4 =	vmax.f32 v4, v12;
	v5 =	vmax.f32 v5, v13;
	v6 =	vmax.f32 v6, v14  }
0x14d: {  	v3 =	vmax.f32 v3, v15;
	v44 =	vadd.f32 v19, v18;
	v45 =	vadd.f32 v22, v21  }
0x14e: {  	v4 =	vmax.f32 v4, v16;
	v5 =	vmax.f32 v5, v17;
	v6 =	vmax.f32 v6, v20  }
0x14f: {  	v3 =	vmax.f32 v3, v4;
	v46 =	vmax.f32 v5, v6;
	v7 =	vadd.f32 v45, v44  }
0x150: {  	s0 =	sshra.s32 s29, $0x2;
	v3 =	vmax.f32 v3, v46  }
0x151: {  	[tilespmem:s0+$0x19100] =	vst v3;
	v8 =	vmul.f32 $6.250000000e-02, v7  }
0x152: {  	[tilespmem:s0+$0x19180] =	vst v7  }
0x153: {  	[tilespmem:s0+$0x19080] =	vst v8  }
0x154: {  	v3 =	vld [tilespmem:s31+$0xFFFFFC10]  }
0x155: {  	v47 =	vld [tilespmem:s31+$0xFFFFFC90]  }
0x156: {  	v48 =	vld [tilespmem:s31+$0xFFFFFD10]  }
0x157: {  	v49 =	vld [tilespmem:s31+$0xFFFFFD90]  }
0x158: {  	v7 =	vld [tilespmem:s31+$0xFFFFFE10]  }
0x159: {  	v8 =	vld [tilespmem:s31+$0xFFFFFE90]  }
0x15a: {  	v50 =	vld [tilespmem:s31+$0xFFFFFF10]  }
0x15b: {  	v51 =	vld [tilespmem:s31+$0xFFFFFF90]  }
0x15c: {  	v52 =	vld [tilespmem:s31+$0x10]  }
0x15d: {  	v53 =	vld [tilespmem:s31+$0x90]  }
0x15e: {  	v54 =	vld [tilespmem:s31+$0x110]  }
0x15f: {  	v55 =	vld [tilespmem:s31+$0x190]  }
0x160: {  	v56 =	vld [tilespmem:s31+$0x210]  }
0x161: {  	v57 =	vld [tilespmem:s31+$0x290]  }
0x162: {  	v58 =	vld [tilespmem:s31+$0x310]  }
0x163: {  	v61 =	vld [tilespmem:s31+$0x390];
	v59 =	vadd.f32 v7, v3;
	v60 =	vadd.f32 v8, v47  }
0x164: {  	v62 =	vadd.f32 v50, v48;
	v63 =	vadd.f32 v51, v49;
	v3 =	vmax.f32 v3, v7  }
0x165: {  	v4 =	vmax.f32 v47, v8;
	v18 =	vadd.f32 v52, v59;
	v19 =	vadd.f32 v53, v60  }
0x166: {  	v5 =	vmax.f32 v48, v50;
	v21 =	vadd.f32 v54, v62;
	v22 =	vadd.f32 v55, v63  }
0x167: {  	v6 =	vmax.f32 v49, v51;
	v18 =	vadd.f32 v56, v18;
	v19 =	vadd.f32 v57, v19  }
0x168: {  	v3 =	vmax.f32 v3, v52;
	v21 =	vadd.f32 v58, v21;
	v22 =	vadd.f32 v61, v22  }
0x169: {  	v4 =	vmax.f32 v4, v53;
	v5 =	vmax.f32 v5, v54;
	v6 =	vmax.f32 v6, v55  }
0x16a: {  	v3 =	vmax.f32 v3, v56;
	v24 =	vadd.f32 v19, v18;
	v25 =	vadd.f32 v22, v21  }
0x16b: {  	v4 =	vmax.f32 v4, v57;
	v5 =	vmax.f32 v5, v58;
	v6 =	vmax.f32 v6, v61  }
0x16c: {  	v3 =	vmax.f32 v3, v4;
	v26 =	vmax.f32 v5, v6;
	v7 =	vadd.f32 v25, v24  }
0x16d: {  	v3 =	vmax.f32 v3, v26  }
0x16e: {  	[tilespmem:s0+$0x19110] =	vst v3;
	v8 =	vmul.f32 $6.250000000e-02, v7  }
0x16f: {  	[tilespmem:s0+$0x19190] =	vst v7  }
0x170: {  	[tilespmem:s0+$0x19090] =	vst v8  }
0x171: {  	v3 =	vld [tilespmem:s31+$0xFFFFFC20]  }
0x172: {  	v27 =	vld [tilespmem:s31+$0xFFFFFCA0]  }
0x173: {  	v28 =	vld [tilespmem:s31+$0xFFFFFD20]  }
0x174: {  	v29 =	vld [tilespmem:s31+$0xFFFFFDA0]  }
0x175: {  	v7 =	vld [tilespmem:s31+$0xFFFFFE20]  }
0x176: {  	v8 =	vld [tilespmem:s31+$0xFFFFFEA0]  }
0x177: {  	v30 =	vld [tilespmem:s31+$0xFFFFFF20]  }
0x178: {  	v31 =	vld [tilespmem:s31+$0xFFFFFFA0]  }
0x179: {  	v32 =	vld [tilespmem:s31+$0x20]  }
0x17a: {  	v33 =	vld [tilespmem:s31+$0xA0]  }
0x17b: {  	v34 =	vld [tilespmem:s31+$0x120]  }
0x17c: {  	v35 =	vld [tilespmem:s31+$0x1A0]  }
0x17d: {  	v36 =	vld [tilespmem:s31+$0x220]  }
0x17e: {  	v37 =	vld [tilespmem:s31+$0x2A0]  }
0x17f: {  	v38 =	vld [tilespmem:s31+$0x320]  }
0x180: {  	v41 =	vld [tilespmem:s31+$0x3A0];
	v39 =	vadd.f32 v7, v3;
	v40 =	vadd.f32 v8, v27  }
0x181: {  	v42 =	vadd.f32 v30, v28;
	v43 =	vadd.f32 v31, v29;
	v3 =	vmax.f32 v3, v7  }
0x182: {  	v4 =	vmax.f32 v27, v8;
	v18 =	vadd.f32 v32, v39;
	v19 =	vadd.f32 v33, v40  }
0x183: {  	v5 =	vmax.f32 v28, v30;
	v21 =	vadd.f32 v34, v42;
	v22 =	vadd.f32 v35, v43  }
0x184: {  	v6 =	vmax.f32 v29, v31;
	v18 =	vadd.f32 v36, v18;
	v19 =	vadd.f32 v37, v19  }
0x185: {  	v3 =	vmax.f32 v3, v32;
	v21 =	vadd.f32 v38, v21;
	v22 =	vadd.f32 v41, v22  }
0x186: {  	v4 =	vmax.f32 v4, v33;
	v5 =	vmax.f32 v5, v34;
	v6 =	vmax.f32 v6, v35  }
0x187: {  	v3 =	vmax.f32 v3, v36;
	v44 =	vadd.f32 v19, v18;
	v45 =	vadd.f32 v22, v21  }
0x188: {  	v4 =	vmax.f32 v4, v37;
	v5 =	vmax.f32 v5, v38;
	v6 =	vmax.f32 v6, v41  }
0x189: {  	v3 =	vmax.f32 v3, v4;
	v46 =	vmax.f32 v5, v6;
	v7 =	vadd.f32 v45, v44  }
0x18a: {  	v3 =	vmax.f32 v3, v46  }
0x18b: {  	[tilespmem:s0+$0x19120] =	vst v3;
	v8 =	vmul.f32 $6.250000000e-02, v7  }
0x18c: {  	[tilespmem:s0+$0x191A0] =	vst v7  }
0x18d: {  	[tilespmem:s0+$0x190A0] =	vst v8  }
0x18e: {  	v3 =	vld [tilespmem:s31+$0xFFFFFC30]  }
0x18f: {  	v47 =	vld [tilespmem:s31+$0xFFFFFCB0]  }
0x190: {  	v48 =	vld [tilespmem:s31+$0xFFFFFD30]  }
0x191: {  	v49 =	vld [tilespmem:s31+$0xFFFFFDB0]  }
0x192: {  	v7 =	vld [tilespmem:s31+$0xFFFFFE30]  }
0x193: {  	v8 =	vld [tilespmem:s31+$0xFFFFFEB0]  }
0x194: {  	v50 =	vld [tilespmem:s31+$0xFFFFFF30]  }
0x195: {  	v51 =	vld [tilespmem:s31+$0xFFFFFFB0]  }
0x196: {  	v52 =	vld [tilespmem:s31+$0x30]  }
0x197: {  	v53 =	vld [tilespmem:s31+$0xB0]  }
0x198: {  	v54 =	vld [tilespmem:s31+$0x130]  }
0x199: {  	v55 =	vld [tilespmem:s31+$0x1B0]  }
0x19a: {  	v56 =	vld [tilespmem:s31+$0x230]  }
0x19b: {  	v57 =	vld [tilespmem:s31+$0x2B0]  }
0x19c: {  	v58 =	vld [tilespmem:s31+$0x330]  }
0x19d: {  	v61 =	vld [tilespmem:s31+$0x3B0];
	v59 =	vadd.f32 v7, v3;
	v60 =	vadd.f32 v8, v47  }
0x19e: {  	v62 =	vadd.f32 v50, v48;
	v63 =	vadd.f32 v51, v49;
	v3 =	vmax.f32 v3, v7  }
0x19f: {  	v4 =	vmax.f32 v47, v8;
	v18 =	vadd.f32 v52, v59;
	v19 =	vadd.f32 v53, v60  }
0x1a0: {  	v5 =	vmax.f32 v48, v50;
	v21 =	vadd.f32 v54, v62;
	v22 =	vadd.f32 v55, v63  }
0x1a1: {  	v6 =	vmax.f32 v49, v51;
	v18 =	vadd.f32 v56, v18;
	v19 =	vadd.f32 v57, v19  }
0x1a2: {  	v3 =	vmax.f32 v3, v52;
	v21 =	vadd.f32 v58, v21;
	v22 =	vadd.f32 v61, v22  }
0x1a3: {  	v4 =	vmax.f32 v4, v53;
	v5 =	vmax.f32 v5, v54;
	v6 =	vmax.f32 v6, v55  }
0x1a4: {  	v3 =	vmax.f32 v3, v56;
	v24 =	vadd.f32 v19, v18;
	v25 =	vadd.f32 v22, v21  }
0x1a5: {  	v4 =	vmax.f32 v4, v57;
	v5 =	vmax.f32 v5, v58;
	v6 =	vmax.f32 v6, v61  }
0x1a6: {  	v3 =	vmax.f32 v3, v4;
	v26 =	vmax.f32 v5, v6;
	v7 =	vadd.f32 v25, v24  }
0x1a7: {  	v3 =	vmax.f32 v3, v26  }
0x1a8: {  	[tilespmem:s0+$0x19130] =	vst v3;
	v8 =	vmul.f32 $6.250000000e-02, v7  }
0x1a9: {  	[tilespmem:s0+$0x191B0] =	vst v7  }
0x1aa: {  	[tilespmem:s0+$0x190B0] =	vst v8  }
0x1ab: {  	v3 =	vld [tilespmem:s31+$0xFFFFFC40]  }
0x1ac: {  	v27 =	vld [tilespmem:s31+$0xFFFFFCC0]  }
0x1ad: {  	v28 =	vld [tilespmem:s31+$0xFFFFFD40]  }
0x1ae: {  	v29 =	vld [tilespmem:s31+$0xFFFFFDC0]  }
0x1af: {  	v7 =	vld [tilespmem:s31+$0xFFFFFE40]  }
0x1b0: {  	v8 =	vld [tilespmem:s31+$0xFFFFFEC0]  }
0x1b1: {  	v30 =	vld [tilespmem:s31+$0xFFFFFF40]  }
0x1b2: {  	v31 =	vld [tilespmem:s31+$0xFFFFFFC0]  }
0x1b3: {  	v32 =	vld [tilespmem:s31+$0x40]  }
0x1b4: {  	v33 =	vld [tilespmem:s31+$0xC0]  }
0x1b5: {  	v34 =	vld [tilespmem:s31+$0x140]  }
0x1b6: {  	v35 =	vld [tilespmem:s31+$0x1C0]  }
0x1b7: {  	v36 =	vld [tilespmem:s31+$0x240]  }
0x1b8: {  	v37 =	vld [tilespmem:s31+$0x2C0]  }
0x1b9: {  	v38 =	vld [tilespmem:s31+$0x340]  }
0x1ba: {  	v41 =	vld [tilespmem:s31+$0x3C0];
	v39 =	vadd.f32 v7, v3;
	v40 =	vadd.f32 v8, v27  }
0x1bb: {  	v42 =	vadd.f32 v30, v28;
	v43 =	vadd.f32 v31, v29;
	v3 =	vmax.f32 v3, v7  }
0x1bc: {  	v4 =	vmax.f32 v27, v8;
	v18 =	vadd.f32 v32, v39;
	v19 =	vadd.f32 v33, v40  }
0x1bd: {  	v5 =	vmax.f32 v28, v30;
	v21 =	vadd.f32 v34, v42;
	v22 =	vadd.f32 v35, v43  }
0x1be: {  	v6 =	vmax.f32 v29, v31;
	v18 =	vadd.f32 v36, v18;
	v19 =	vadd.f32 v37, v19  }
0x1bf: {  	v3 =	vmax.f32 v3, v32;
	v21 =	vadd.f32 v38, v21;
	v22 =	vadd.f32 v41, v22  }
0x1c0: {  	v4 =	vmax.f32 v4, v33;
	v5 =	vmax.f32 v5, v34;
	v6 =	vmax.f32 v6, v35  }
0x1c1: {  	v3 =	vmax.f32 v3, v36;
	v44 =	vadd.f32 v19, v18;
	v45 =	vadd.f32 v22, v21  }
0x1c2: {  	v4 =	vmax.f32 v4, v37;
	v5 =	vmax.f32 v5, v38;
	v6 =	vmax.f32 v6, v41  }
0x1c3: {  	v3 =	vmax.f32 v3, v4;
	v46 =	vmax.f32 v5, v6;
	v7 =	vadd.f32 v45, v44  }
0x1c4: {  	v3 =	vmax.f32 v3, v46  }
0x1c5: {  	[tilespmem:s0+$0x19140] =	vst v3;
	v8 =	vmul.f32 $6.250000000e-02, v7  }
0x1c6: {  	[tilespmem:s0+$0x191C0] =	vst v7  }
0x1c7: {  	[tilespmem:s0+$0x190C0] =	vst v8  }
0x1c8: {  	v3 =	vld [tilespmem:s31+$0xFFFFFC50]  }
0x1c9: {  	v47 =	vld [tilespmem:s31+$0xFFFFFCD0]  }
0x1ca: {  	v48 =	vld [tilespmem:s31+$0xFFFFFD50]  }
0x1cb: {  	v49 =	vld [tilespmem:s31+$0xFFFFFDD0]  }
0x1cc: {  	v7 =	vld [tilespmem:s31+$0xFFFFFE50]  }
0x1cd: {  	v8 =	vld [tilespmem:s31+$0xFFFFFED0]  }
0x1ce: {  	v50 =	vld [tilespmem:s31+$0xFFFFFF50]  }
0x1cf: {  	v51 =	vld [tilespmem:s31+$0xFFFFFFD0]  }
0x1d0: {  	v52 =	vld [tilespmem:s31+$0x50]  }
0x1d1: {  	v53 =	vld [tilespmem:s31+$0xD0]  }
0x1d2: {  	v54 =	vld [tilespmem:s31+$0x150]  }
0x1d3: {  	v55 =	vld [tilespmem:s31+$0x1D0]  }
0x1d4: {  	v56 =	vld [tilespmem:s31+$0x250]  }
0x1d5: {  	v57 =	vld [tilespmem:s31+$0x2D0]  }
0x1d6: {  	v58 =	vld [tilespmem:s31+$0x350]  }
0x1d7: {  	v61 =	vld [tilespmem:s31+$0x3D0];
	v59 =	vadd.f32 v7, v3;
	v60 =	vadd.f32 v8, v47  }
0x1d8: {  	v62 =	vadd.f32 v50, v48;
	v63 =	vadd.f32 v51, v49;
	v3 =	vmax.f32 v3, v7  }
0x1d9: {  	v4 =	vmax.f32 v47, v8;
	v18 =	vadd.f32 v52, v59;
	v19 =	vadd.f32 v53, v60  }
0x1da: {  	v5 =	vmax.f32 v48, v50;
	v21 =	vadd.f32 v54, v62;
	v22 =	vadd.f32 v55, v63  }
0x1db: {  	v6 =	vmax.f32 v49, v51;
	v18 =	vadd.f32 v56, v18;
	v19 =	vadd.f32 v57, v19  }
0x1dc: {  	v3 =	vmax.f32 v3, v52;
	v21 =	vadd.f32 v58, v21;
	v22 =	vadd.f32 v61, v22  }
0x1dd: {  	v4 =	vmax.f32 v4, v53;
	v5 =	vmax.f32 v5, v54;
	v6 =	vmax.f32 v6, v55  }
0x1de: {  	v3 =	vmax.f32 v3, v56;
	v19 =	vadd.f32 v19, v18;
	v22 =	vadd.f32 v22, v21  }
0x1df: {  	v4 =	vmax.f32 v4, v57;
	v5 =	vmax.f32 v5, v58;
	v6 =	vmax.f32 v6, v61  }
0x1e0: {  	v3 =	vmax.f32 v3, v4;
	v23 =	vmax.f32 v5, v6;
	v7 =	vadd.f32 v22, v19  }
0x1e1: {  	v3 =	vmax.f32 v3, v23  }
0x1e2: {  	[tilespmem:s0+$0x19150] =	vst v3;
	v8 =	vmul.f32 $6.250000000e-02, v7  }
0x1e3: {  	[tilespmem:s0+$0x191D0] =	vst v7  }
0x1e4: {  	[tilespmem:s0+$0x190D0] =	vst v8  }
0x1e5: {  	v3 =	vld [tilespmem:s31+$0xFFFFFC60]  }
0x1e6: {  	v24 =	vld [tilespmem:s31+$0xFFFFFCE0]  }
0x1e7: {  	v25 =	vld [tilespmem:s31+$0xFFFFFD60]  }
0x1e8: {  	v26 =	vld [tilespmem:s31+$0xFFFFFDE0]  }
0x1e9: {  	v7 =	vld [tilespmem:s31+$0xFFFFFE60]  }
0x1ea: {  	v8 =	vld [tilespmem:s31+$0xFFFFFEE0]  }
0x1eb: {  	v27 =	vld [tilespmem:s31+$0xFFFFFF60]  }
0x1ec: {  	v28 =	vld [tilespmem:s31+$0xFFFFFFE0]  }
0x1ed: {  	v29 =	vld [tilespmem:s31+$0x60]  }
0x1ee: {  	v30 =	vld [tilespmem:s31+$0xE0]  }
0x1ef: {  	v31 =	vld [tilespmem:s31+$0x160]  }
0x1f0: {  	v32 =	vld [tilespmem:s31+$0x1E0]  }
0x1f1: {  	v33 =	vld [tilespmem:s31+$0x260]  }
0x1f2: {  	v34 =	vld [tilespmem:s31+$0x2E0]  }
0x1f3: {  	v35 =	vld [tilespmem:s31+$0x360]  }
0x1f4: {  	v38 =	vld [tilespmem:s31+$0x3E0];
	v36 =	vadd.f32 v7, v3;
	v37 =	vadd.f32 v8, v24  }
0x1f5: {  	v39 =	vadd.f32 v27, v25;
	v40 =	vadd.f32 v28, v26;
	v3 =	vmax.f32 v3, v7  }
0x1f6: {  	v4 =	vmax.f32 v24, v8;
	v18 =	vadd.f32 v29, v36;
	v19 =	vadd.f32 v30, v37  }
0x1f7: {  	v5 =	vmax.f32 v25, v27;
	v21 =	vadd.f32 v31, v39;
	v22 =	vadd.f32 v32, v40  }
0x1f8: {  	v6 =	vmax.f32 v26, v28;
	v18 =	vadd.f32 v33, v18;
	v19 =	vadd.f32 v34, v19  }
0x1f9: {  	v3 =	vmax.f32 v3, v29;
	v21 =	vadd.f32 v35, v21;
	v22 =	vadd.f32 v38, v22  }
0x1fa: {  	v4 =	vmax.f32 v4, v30;
	v5 =	vmax.f32 v5, v31;
	v6 =	vmax.f32 v6, v32  }
0x1fb: {  	v3 =	vmax.f32 v3, v33;
	v41 =	vadd.f32 v19, v18;
	v42 =	vadd.f32 v22, v21  }
0x1fc: {  	v4 =	vmax.f32 v4, v34;
	v5 =	vmax.f32 v5, v35;
	v6 =	vmax.f32 v6, v38  }
0x1fd: {  	v3 =	vmax.f32 v3, v4;
	v43 =	vmax.f32 v5, v6;
	v7 =	vadd.f32 v42, v41  }
0x1fe: {  	v3 =	vmax.f32 v3, v43  }
0x1ff: {  	[tilespmem:s0+$0x19160] =	vst v3;
	v8 =	vmul.f32 $6.250000000e-02, v7  }
0x200: {  	[tilespmem:s0+$0x191E0] =	vst v7  }
0x201: {  	[tilespmem:s0+$0x190E0] =	vst v8  }
0x202: {  	v3 =	vld [tilespmem:s31+$0xFFFFFC70]  }
0x203: {  	v44 =	vld [tilespmem:s31+$0xFFFFFCF0]  }
0x204: {  	v45 =	vld [tilespmem:s31+$0xFFFFFD70]  }
0x205: {  	v46 =	vld [tilespmem:s31+$0xFFFFFDF0]  }
0x206: {  	v7 =	vld [tilespmem:s31+$0xFFFFFE70]  }
0x207: {  	v8 =	vld [tilespmem:s31+$0xFFFFFEF0]  }
0x208: {  	v47 =	vld [tilespmem:s31+$0xFFFFFF70]  }
0x209: {  	v48 =	vld [tilespmem:s31+$0xFFFFFFF0]  }
0x20a: {  	v49 =	vld [tilespmem:s31+$0x70]  }
0x20b: {  	v50 =	vld [tilespmem:s31+$0xF0]  }
0x20c: {  	v51 =	vld [tilespmem:s31+$0x170]  }
0x20d: {  	v52 =	vld [tilespmem:s31+$0x1F0]  }
0x20e: {  	v53 =	vld [tilespmem:s31+$0x270]  }
0x20f: {  	v54 =	vld [tilespmem:s31+$0x2F0]  }
0x210: {  	v55 =	vld [tilespmem:s31+$0x370]  }
0x211: {  	v58 =	vld [tilespmem:s31+$0x3F0];
	v56 =	vadd.f32 v7, v3;
	v57 =	vadd.f32 v8, v44  }
0x212: {  	v59 =	vadd.f32 v47, v45;
	v60 =	vadd.f32 v48, v46;
	v3 =	vmax.f32 v3, v7  }
0x213: {  	v4 =	vmax.f32 v44, v8;
	v18 =	vadd.f32 v49, v56;
	v19 =	vadd.f32 v50, v57  }
0x214: {  	v5 =	vmax.f32 v45, v47;
	v21 =	vadd.f32 v51, v59;
	v22 =	vadd.f32 v52, v60  }
0x215: {  	v6 =	vmax.f32 v46, v48;
	v18 =	vadd.f32 v53, v18;
	v19 =	vadd.f32 v54, v19  }
0x216: {  	v3 =	vmax.f32 v3, v49;
	v21 =	vadd.f32 v55, v21;
	v22 =	vadd.f32 v58, v22  }
0x217: {  	v4 =	vmax.f32 v4, v50;
	v5 =	vmax.f32 v5, v51;
	v6 =	vmax.f32 v6, v52  }
0x218: {  	v3 =	vmax.f32 v3, v53;
	v61 =	vadd.f32 v19, v18;
	v62 =	vadd.f32 v22, v21  }
0x219: {  	p2 =	sne.s32 s29, $0x2A00;
	v4 =	vmax.f32 v4, v54;
	v5 =	vmax.f32 v5, v55;
	v6 =	vmax.f32 v6, v58  }
.Ltmp10:
0x21a: {  	v3 =	vmax.f32 v3, v4;
	v63 =	vmax.f32 v5, v6;
	v7 =	vadd.f32 v62, v61;
	(pc) =	sbr.rel @p2 .LBB2_20-.Ltmp10, $4  }
0x21b: {  	v3 =	vmax.f32 v3, v63  }
0x21c: {  	[tilespmem:s0+$0x19170] =	vst v3;
	v8 =	vmul.f32 $6.250000000e-02, v7  }
0x21d: {  	[tilespmem:s0+$0x191F0] =	vst v7  }
0x21e: {  	s29 =	sadd.s32 $0x600, s29;
	s31 =	sadd.s32 $0x800, s31;
	[tilespmem:s0+$0x190F0] =	vst v8  }
0x21f: {  	s0 =	sshrl.u32 s30, $0x3  }
0x220: {  	s11 =	sshll.u32 s28, $0x8;
	p2 =	sne.s32 s28, $0x1F;
	s0 =	smul.u32 $0x6000, s0  }
.Ltmp11:
0x221: {  	s11 =	sand.u32 $0x300, s11;
	(pc) =	sbr.rel @p2 .LBB2_23-.Ltmp11, $4  }
0x222: {  	s0 =	sor.u32 s11, s0  }
0x223: {  	s29 =	sshrl.u32 s0, $0x3  }
0x224: {  	s0 =	sadd.s32 s4, s29  }
0x225: {  	[hbm4b:s0+s14] =	stream.strided.scatter [tilespmem:s20], [sflag:$0x3], $0xC00, s15, s14, $0x38;
	[tilespmem:$0x1B080] =	vst v63  }
.Ltmp12:
0x226: {  	(pc) =	sbr.rel .LBB2_28-.Ltmp12, $4  }
0x227: {  	_ = 	snop  }
0x228: {  	_ =	swait.ge [sflag:s21], $0x4000  }
0x229: {  	[sflag:s21] =	ssyncset.done $0x0  }
0x22a: {  	[sflag:s21] =	ssyncadd.s32 $0xFFFFC000  }
.LBB2_23:
0x22b: {  	s0 =	sadd.s32 $0x2, s30  }
0x22c: {  	s11 =	sand.u32 $0x1FFFFFF0, s0  }
0x22d: {  	v3 =	vld [tilespmem:s11+$0x10880];
	_ =	sdelay $0x1  }
0x22e: {  	s0 =	sand.u32 $0xE, s0  }
0x22f: {  	v4 =	vmov s0  }
0x230: {  	vm1 =	veq.s32 v4, v0  }
0x231: {  	v3 =	vnsel vm1, $0x0, v3  }
0x232: {  	(xrf0) =	vadd.scan.msk.s32 $0xffff, v3;
	_ =	sdelay $0x5  }
0x233: {  	v3, _, _ =	vpop (xrf0)  }
0x234: {  	(v2sf) =	vpush v3, $0xF;
	_ =	sdelay $0xe  }
0x235: {  	s0 =	spop (v2sf)  }
0x236: {  	p2 =	sgt.s32 s0, $0x7FF80  }
.Ltmp13:
0x237: {  	_ = 	snop;
	(pc) =	sbr.rel @p2 .LBB2_24-.Ltmp13, $1  }
0x238: {  	_ =	sdelay $0x3  }
.Ltmp14:
0x239: {  	(pc) =	sbr.rel .LBB2_27-.Ltmp14, $4  }
0x23a: {  	s0 =	sshll.u32 s0, $0x4  }
0x23b: {  	s0 =	sand.u32 $0x1FFFFFF0, s0  }
0x23c: {  	s0 =	sadd.s32 s1, s0  }
0x23d: {  	[tilespmem:s17], [sflag:$0x1] =	stream.linear.gather [hbm4b:s0+s3], $0x4000, $0x38;
	[tilespmem:$0x1B080] =	vst v63  }
.LBB2_24:
0x23e: {  	s11 =	sadd.s32 $0x0, s0  }
0x23f: {  	p2 =	slt.s32 s11, $0x7FFFF  }
0x240: {  	s16 =	sadd.s32 $0x1, s0;
	s11 =	simm.s32 @!p2 $0x7FFFF  }
0x241: {  	p2 =	slt.s32 s16, $0x7FFFF;
	s11 =	sshll.u32 s11, $0x4  }
0x242: {  	s16 =	simm.s32 @!p2 $0x7FFFF;
	s11 =	sand.u32 $0x1FFFFFF0, s11  }
0x243: {  	s30 =	simm.s32 $0x11080;
	s16 =	sshll.u32 s16, $0x4;
	s11 =	sadd.s32 s1, s11  }
0x244: {  	[tilespmem:s30], [sflag:$0x1] =	stream.linear.gather [hbm4b:s11+s3], $0x80, $0x38;
	[tilespmem:$0x1B080] =	vst v63  }
0x245: {  	s31 =	simm.s32 $0x2;
	s11 =	sand.u32 $0x1FFFFFF0, s16  }
.LBB2_25:
0x246: {  	s16 =	sadd.s32 s31, s0  }
0x247: {  	s11 =	sadd.s32 s1, s11;
	s30 =	sadd.s32 $0x80, s30;
	p3 =	sne.s32 s31, $0x7F  }
0x248: {  	[tilespmem:s30], [sflag:$0x1] =	stream.linear.gather [hbm4b:s11+s3], $0x80, $0x38;
	[tilespmem:$0x1B080] =	vst v63  }
.Ltmp15:
0x249: {  	_ = 	snop;
	(pc) =	sbr.rel @p3 .LBB2_25-.Ltmp15, $4  }
0x24a: {  	s31 =	sadd.s32 $0x1, s31;
	p2 =	slt.s32 s16, $0x7FFFF  }
0x24b: {  	s16 =	simm.s32 @!p2 $0x7FFFF  }
0x24c: {  	s11 =	sshll.u32 s16, $0x4  }
0x24d: {  	s11 =	sand.u32 $0x1FFFFFF0, s11  }
0x24e: {  	s0 =	sadd.s32 s1, s11;
	s31 =	sadd.s32 $0x80, s30  }
0x24f: {  	[tilespmem:s31], [sflag:$0x1] =	stream.linear.gather [hbm4b:s0+s3], $0x80, $0x38;
	[tilespmem:$0x1B080] =	vst v63  }
.LBB2_27:
.Ltmp16:
0x250: {  	(pc) =	sbr.rel @p1 .LBB2_29-.Ltmp16, $4  }
0x251: {  	_ = 	snop  }
0x252: {  	_ =	swait.ge [sflag:s21], $0x4000  }
0x253: {  	[sflag:s21] =	ssyncset.done $0x0  }
0x254: {  	[sflag:s21] =	ssyncadd.s32 $0xFFFFC000  }
.LBB2_28:
0x255: {  	_ =	swait.ge [sflag:s22], $0xC00  }
0x256: {  	[sflag:s22] =	ssyncset.done $0x0  }
0x257: {  	[sflag:s22] =	ssyncadd.s32 $0xFFFFF400  }
.LBB2_29:
0x258: {  	s30 =	simm.s32 $0x0;
	s31 =	simm.s32 $0x15480  }
.LBB2_30:
0x259: {  	v3 =	vld [tilespmem:s31+$0xFFFFFC00]  }
0x25a: {  	v4 =	vld [tilespmem:s31+$0xFFFFFC80]  }
0x25b: {  	v5 =	vld [tilespmem:s31+$0xFFFFFD00]  }
0x25c: {  	v6 =	vld [tilespmem:s31+$0xFFFFFD80]  }
0x25d: {  	v7 =	vld [tilespmem:s31+$0xFFFFFE00]  }
0x25e: {  	v8 =	vld [tilespmem:s31+$0xFFFFFE80]  }
0x25f: {  	v9 =	vld [tilespmem:s31+$0xFFFFFF00]  }
0x260: {  	v10 =	vld [tilespmem:s31+$0xFFFFFF80]  }
0x261: {  	v11 =	vld [tilespmem:s31+$0x0]  }
0x262: {  	v12 =	vld [tilespmem:s31+$0x80]  }
0x263: {  	v13 =	vld [tilespmem:s31+$0x100]  }
0x264: {  	v14 =	vld [tilespmem:s31+$0x180]  }
0x265: {  	v15 =	vld [tilespmem:s31+$0x200]  }
0x266: {  	v16 =	vld [tilespmem:s31+$0x280]  }
0x267: {  	v17 =	vld [tilespmem:s31+$0x300]  }
0x268: {  	v20 =	vld [tilespmem:s31+$0x380];
	v18 =	vadd.f32 v7, v3;
	v19 =	vadd.f32 v8, v4  }
0x269: {  	v21 =	vadd.f32 v9, v5;
	v22 =	vadd.f32 v10, v6;
	v3 =	vmax.f32 v3, v7  }
0x26a: {  	v4 =	vmax.f32 v4, v8;
	v18 =	vadd.f32 v11, v18;
	v19 =	vadd.f32 v12, v19  }
0x26b: {  	v5 =	vmax.f32 v5, v9;
	v21 =	vadd.f32 v13, v21;
	v22 =	vadd.f32 v14, v22  }
0x26c: {  	v6 =	vmax.f32 v6, v10;
	v18 =	vadd.f32 v15, v18;
	v19 =	vadd.f32 v16, v19  }
0x26d: {  	v3 =	vmax.f32 v3, v11;
	v21 =	vadd.f32 v17, v21;
	v22 =	vadd.f32 v20, v22  }
0x26e: {  	v4 =	vmax.f32 v4, v12;
	v5 =	vmax.f32 v5, v13;
	v6 =	vmax.f32 v6, v14  }
0x26f: {  	v3 =	vmax.f32 v3, v15;
	v44 =	vadd.f32 v19, v18;
	v45 =	vadd.f32 v22, v21  }
0x270: {  	v4 =	vmax.f32 v4, v16;
	v5 =	vmax.f32 v5, v17;
	v6 =	vmax.f32 v6, v20  }
0x271: {  	v3 =	vmax.f32 v3, v4;
	v46 =	vmax.f32 v5, v6;
	v7 =	vadd.f32 v45, v44  }
0x272: {  	s0 =	sshra.s32 s30, $0x2;
	v3 =	vmax.f32 v3, v46  }
0x273: {  	[tilespmem:s0+$0x19D00] =	vst v3;
	v8 =	vmul.f32 $6.250000000e-02, v7  }
0x274: {  	[tilespmem:s0+$0x19D80] =	vst v7  }
0x275: {  	[tilespmem:s0+$0x19C80] =	vst v8  }
0x276: {  	v3 =	vld [tilespmem:s31+$0xFFFFFC10]  }
0x277: {  	v47 =	vld [tilespmem:s31+$0xFFFFFC90]  }
0x278: {  	v48 =	vld [tilespmem:s31+$0xFFFFFD10]  }
0x279: {  	v49 =	vld [tilespmem:s31+$0xFFFFFD90]  }
0x27a: {  	v7 =	vld [tilespmem:s31+$0xFFFFFE10]  }
0x27b: {  	v8 =	vld [tilespmem:s31+$0xFFFFFE90]  }
0x27c: {  	v50 =	vld [tilespmem:s31+$0xFFFFFF10]  }
0x27d: {  	v51 =	vld [tilespmem:s31+$0xFFFFFF90]  }
0x27e: {  	v52 =	vld [tilespmem:s31+$0x10]  }
0x27f: {  	v53 =	vld [tilespmem:s31+$0x90]  }
0x280: {  	v54 =	vld [tilespmem:s31+$0x110]  }
0x281: {  	v55 =	vld [tilespmem:s31+$0x190]  }
0x282: {  	v56 =	vld [tilespmem:s31+$0x210]  }
0x283: {  	v57 =	vld [tilespmem:s31+$0x290]  }
0x284: {  	v58 =	vld [tilespmem:s31+$0x310]  }
0x285: {  	v61 =	vld [tilespmem:s31+$0x390];
	v59 =	vadd.f32 v7, v3;
	v60 =	vadd.f32 v8, v47  }
0x286: {  	v62 =	vadd.f32 v50, v48;
	v63 =	vadd.f32 v51, v49;
	v3 =	vmax.f32 v3, v7  }
0x287: {  	v4 =	vmax.f32 v47, v8;
	v18 =	vadd.f32 v52, v59;
	v19 =	vadd.f32 v53, v60  }
0x288: {  	v5 =	vmax.f32 v48, v50;
	v21 =	vadd.f32 v54, v62;
	v22 =	vadd.f32 v55, v63  }
0x289: {  	v6 =	vmax.f32 v49, v51;
	v18 =	vadd.f32 v56, v18;
	v19 =	vadd.f32 v57, v19  }
0x28a: {  	v3 =	vmax.f32 v3, v52;
	v21 =	vadd.f32 v58, v21;
	v22 =	vadd.f32 v61, v22  }
0x28b: {  	v4 =	vmax.f32 v4, v53;
	v5 =	vmax.f32 v5, v54;
	v6 =	vmax.f32 v6, v55  }
0x28c: {  	v3 =	vmax.f32 v3, v56;
	v24 =	vadd.f32 v19, v18;
	v25 =	vadd.f32 v22, v21  }
0x28d: {  	v4 =	vmax.f32 v4, v57;
	v5 =	vmax.f32 v5, v58;
	v6 =	vmax.f32 v6, v61  }
0x28e: {  	v3 =	vmax.f32 v3, v4;
	v26 =	vmax.f32 v5, v6;
	v7 =	vadd.f32 v25, v24  }
0x28f: {  	v3 =	vmax.f32 v3, v26  }
0x290: {  	[tilespmem:s0+$0x19D10] =	vst v3;
	v8 =	vmul.f32 $6.250000000e-02, v7  }
0x291: {  	[tilespmem:s0+$0x19D90] =	vst v7  }
0x292: {  	[tilespmem:s0+$0x19C90] =	vst v8  }
0x293: {  	v3 =	vld [tilespmem:s31+$0xFFFFFC20]  }
0x294: {  	v27 =	vld [tilespmem:s31+$0xFFFFFCA0]  }
0x295: {  	v28 =	vld [tilespmem:s31+$0xFFFFFD20]  }
0x296: {  	v29 =	vld [tilespmem:s31+$0xFFFFFDA0]  }
0x297: {  	v7 =	vld [tilespmem:s31+$0xFFFFFE20]  }
0x298: {  	v8 =	vld [tilespmem:s31+$0xFFFFFEA0]  }
0x299: {  	v30 =	vld [tilespmem:s31+$0xFFFFFF20]  }
0x29a: {  	v31 =	vld [tilespmem:s31+$0xFFFFFFA0]  }
0x29b: {  	v32 =	vld [tilespmem:s31+$0x20]  }
0x29c: {  	v33 =	vld [tilespmem:s31+$0xA0]  }
0x29d: {  	v34 =	vld [tilespmem:s31+$0x120]  }
0x29e: {  	v35 =	vld [tilespmem:s31+$0x1A0]  }
0x29f: {  	v36 =	vld [tilespmem:s31+$0x220]  }
0x2a0: {  	v37 =	vld [tilespmem:s31+$0x2A0]  }
0x2a1: {  	v38 =	vld [tilespmem:s31+$0x320]  }
0x2a2: {  	v41 =	vld [tilespmem:s31+$0x3A0];
	v39 =	vadd.f32 v7, v3;
	v40 =	vadd.f32 v8, v27  }
0x2a3: {  	v42 =	vadd.f32 v30, v28;
	v43 =	vadd.f32 v31, v29;
	v3 =	vmax.f32 v3, v7  }
0x2a4: {  	v4 =	vmax.f32 v27, v8;
	v18 =	vadd.f32 v32, v39;
	v19 =	vadd.f32 v33, v40  }
0x2a5: {  	v5 =	vmax.f32 v28, v30;
	v21 =	vadd.f32 v34, v42;
	v22 =	vadd.f32 v35, v43  }
0x2a6: {  	v6 =	vmax.f32 v29, v31;
	v18 =	vadd.f32 v36, v18;
	v19 =	vadd.f32 v37, v19  }
0x2a7: {  	v3 =	vmax.f32 v3, v32;
	v21 =	vadd.f32 v38, v21;
	v22 =	vadd.f32 v41, v22  }
0x2a8: {  	v4 =	vmax.f32 v4, v33;
	v5 =	vmax.f32 v5, v34;
	v6 =	vmax.f32 v6, v35  }
0x2a9: {  	v3 =	vmax.f32 v3, v36;
	v44 =	vadd.f32 v19, v18;
	v45 =	vadd.f32 v22, v21  }
0x2aa: {  	v4 =	vmax.f32 v4, v37;
	v5 =	vmax.f32 v5, v38;
	v6 =	vmax.f32 v6, v41  }
0x2ab: {  	v3 =	vmax.f32 v3, v4;
	v46 =	vmax.f32 v5, v6;
	v7 =	vadd.f32 v45, v44  }
0x2ac: {  	v3 =	vmax.f32 v3, v46  }
0x2ad: {  	[tilespmem:s0+$0x19D20] =	vst v3;
	v8 =	vmul.f32 $6.250000000e-02, v7  }
0x2ae: {  	[tilespmem:s0+$0x19DA0] =	vst v7  }
0x2af: {  	[tilespmem:s0+$0x19CA0] =	vst v8  }
0x2b0: {  	v3 =	vld [tilespmem:s31+$0xFFFFFC30]  }
0x2b1: {  	v47 =	vld [tilespmem:s31+$0xFFFFFCB0]  }
0x2b2: {  	v48 =	vld [tilespmem:s31+$0xFFFFFD30]  }
0x2b3: {  	v49 =	vld [tilespmem:s31+$0xFFFFFDB0]  }
0x2b4: {  	v7 =	vld [tilespmem:s31+$0xFFFFFE30]  }
0x2b5: {  	v8 =	vld [tilespmem:s31+$0xFFFFFEB0]  }
0x2b6: {  	v50 =	vld [tilespmem:s31+$0xFFFFFF30]  }
0x2b7: {  	v51 =	vld [tilespmem:s31+$0xFFFFFFB0]  }
0x2b8: {  	v52 =	vld [tilespmem:s31+$0x30]  }
0x2b9: {  	v53 =	vld [tilespmem:s31+$0xB0]  }
0x2ba: {  	v54 =	vld [tilespmem:s31+$0x130]  }
0x2bb: {  	v55 =	vld [tilespmem:s31+$0x1B0]  }
0x2bc: {  	v56 =	vld [tilespmem:s31+$0x230]  }
0x2bd: {  	v57 =	vld [tilespmem:s31+$0x2B0]  }
0x2be: {  	v58 =	vld [tilespmem:s31+$0x330]  }
0x2bf: {  	v61 =	vld [tilespmem:s31+$0x3B0];
	v59 =	vadd.f32 v7, v3;
	v60 =	vadd.f32 v8, v47  }
0x2c0: {  	v62 =	vadd.f32 v50, v48;
	v63 =	vadd.f32 v51, v49;
	v3 =	vmax.f32 v3, v7  }
0x2c1: {  	v4 =	vmax.f32 v47, v8;
	v18 =	vadd.f32 v52, v59;
	v19 =	vadd.f32 v53, v60  }
0x2c2: {  	v5 =	vmax.f32 v48, v50;
	v21 =	vadd.f32 v54, v62;
	v22 =	vadd.f32 v55, v63  }
0x2c3: {  	v6 =	vmax.f32 v49, v51;
	v18 =	vadd.f32 v56, v18;
	v19 =	vadd.f32 v57, v19  }
0x2c4: {  	v3 =	vmax.f32 v3, v52;
	v21 =	vadd.f32 v58, v21;
	v22 =	vadd.f32 v61, v22  }
0x2c5: {  	v4 =	vmax.f32 v4, v53;
	v5 =	vmax.f32 v5, v54;
	v6 =	vmax.f32 v6, v55  }
0x2c6: {  	v3 =	vmax.f32 v3, v56;
	v24 =	vadd.f32 v19, v18;
	v25 =	vadd.f32 v22, v21  }
0x2c7: {  	v4 =	vmax.f32 v4, v57;
	v5 =	vmax.f32 v5, v58;
	v6 =	vmax.f32 v6, v61  }
0x2c8: {  	v3 =	vmax.f32 v3, v4;
	v26 =	vmax.f32 v5, v6;
	v7 =	vadd.f32 v25, v24  }
0x2c9: {  	v3 =	vmax.f32 v3, v26  }
0x2ca: {  	[tilespmem:s0+$0x19D30] =	vst v3;
	v8 =	vmul.f32 $6.250000000e-02, v7  }
0x2cb: {  	[tilespmem:s0+$0x19DB0] =	vst v7  }
0x2cc: {  	[tilespmem:s0+$0x19CB0] =	vst v8  }
0x2cd: {  	v3 =	vld [tilespmem:s31+$0xFFFFFC40]  }
0x2ce: {  	v27 =	vld [tilespmem:s31+$0xFFFFFCC0]  }
0x2cf: {  	v28 =	vld [tilespmem:s31+$0xFFFFFD40]  }
0x2d0: {  	v29 =	vld [tilespmem:s31+$0xFFFFFDC0]  }
0x2d1: {  	v7 =	vld [tilespmem:s31+$0xFFFFFE40]  }
0x2d2: {  	v8 =	vld [tilespmem:s31+$0xFFFFFEC0]  }
0x2d3: {  	v30 =	vld [tilespmem:s31+$0xFFFFFF40]  }
0x2d4: {  	v31 =	vld [tilespmem:s31+$0xFFFFFFC0]  }
0x2d5: {  	v32 =	vld [tilespmem:s31+$0x40]  }
0x2d6: {  	v33 =	vld [tilespmem:s31+$0xC0]  }
0x2d7: {  	v34 =	vld [tilespmem:s31+$0x140]  }
0x2d8: {  	v35 =	vld [tilespmem:s31+$0x1C0]  }
0x2d9: {  	v36 =	vld [tilespmem:s31+$0x240]  }
0x2da: {  	v37 =	vld [tilespmem:s31+$0x2C0]  }
0x2db: {  	v38 =	vld [tilespmem:s31+$0x340]  }
0x2dc: {  	v41 =	vld [tilespmem:s31+$0x3C0];
	v39 =	vadd.f32 v7, v3;
	v40 =	vadd.f32 v8, v27  }
0x2dd: {  	v42 =	vadd.f32 v30, v28;
	v43 =	vadd.f32 v31, v29;
	v3 =	vmax.f32 v3, v7  }
0x2de: {  	v4 =	vmax.f32 v27, v8;
	v18 =	vadd.f32 v32, v39;
	v19 =	vadd.f32 v33, v40  }
0x2df: {  	v5 =	vmax.f32 v28, v30;
	v21 =	vadd.f32 v34, v42;
	v22 =	vadd.f32 v35, v43  }
0x2e0: {  	v6 =	vmax.f32 v29, v31;
	v18 =	vadd.f32 v36, v18;
	v19 =	vadd.f32 v37, v19  }
0x2e1: {  	v3 =	vmax.f32 v3, v32;
	v21 =	vadd.f32 v38, v21;
	v22 =	vadd.f32 v41, v22  }
0x2e2: {  	v4 =	vmax.f32 v4, v33;
	v5 =	vmax.f32 v5, v34;
	v6 =	vmax.f32 v6, v35  }
0x2e3: {  	v3 =	vmax.f32 v3, v36;
	v44 =	vadd.f32 v19, v18;
	v45 =	vadd.f32 v22, v21  }
0x2e4: {  	v4 =	vmax.f32 v4, v37;
	v5 =	vmax.f32 v5, v38;
	v6 =	vmax.f32 v6, v41  }
0x2e5: {  	v3 =	vmax.f32 v3, v4;
	v46 =	vmax.f32 v5, v6;
	v7 =	vadd.f32 v45, v44  }
0x2e6: {  	v3 =	vmax.f32 v3, v46  }
0x2e7: {  	[tilespmem:s0+$0x19D40] =	vst v3;
	v8 =	vmul.f32 $6.250000000e-02, v7  }
0x2e8: {  	[tilespmem:s0+$0x19DC0] =	vst v7  }
0x2e9: {  	[tilespmem:s0+$0x19CC0] =	vst v8  }
0x2ea: {  	v3 =	vld [tilespmem:s31+$0xFFFFFC50]  }
0x2eb: {  	v47 =	vld [tilespmem:s31+$0xFFFFFCD0]  }
0x2ec: {  	v48 =	vld [tilespmem:s31+$0xFFFFFD50]  }
0x2ed: {  	v49 =	vld [tilespmem:s31+$0xFFFFFDD0]  }
0x2ee: {  	v7 =	vld [tilespmem:s31+$0xFFFFFE50]  }
0x2ef: {  	v8 =	vld [tilespmem:s31+$0xFFFFFED0]  }
0x2f0: {  	v50 =	vld [tilespmem:s31+$0xFFFFFF50]  }
0x2f1: {  	v51 =	vld [tilespmem:s31+$0xFFFFFFD0]  }
0x2f2: {  	v52 =	vld [tilespmem:s31+$0x50]  }
0x2f3: {  	v53 =	vld [tilespmem:s31+$0xD0]  }
0x2f4: {  	v54 =	vld [tilespmem:s31+$0x150]  }
0x2f5: {  	v55 =	vld [tilespmem:s31+$0x1D0]  }
0x2f6: {  	v56 =	vld [tilespmem:s31+$0x250]  }
0x2f7: {  	v57 =	vld [tilespmem:s31+$0x2D0]  }
0x2f8: {  	v58 =	vld [tilespmem:s31+$0x350]  }
0x2f9: {  	v61 =	vld [tilespmem:s31+$0x3D0];
	v59 =	vadd.f32 v7, v3;
	v60 =	vadd.f32 v8, v47  }
0x2fa: {  	v62 =	vadd.f32 v50, v48;
	v63 =	vadd.f32 v51, v49;
	v3 =	vmax.f32 v3, v7  }
0x2fb: {  	v4 =	vmax.f32 v47, v8;
	v18 =	vadd.f32 v52, v59;
	v19 =	vadd.f32 v53, v60  }
0x2fc: {  	v5 =	vmax.f32 v48, v50;
	v21 =	vadd.f32 v54, v62;
	v22 =	vadd.f32 v55, v63  }
0x2fd: {  	v6 =	vmax.f32 v49, v51;
	v18 =	vadd.f32 v56, v18;
	v19 =	vadd.f32 v57, v19  }
0x2fe: {  	v3 =	vmax.f32 v3, v52;
	v21 =	vadd.f32 v58, v21;
	v22 =	vadd.f32 v61, v22  }
0x2ff: {  	v4 =	vmax.f32 v4, v53;
	v5 =	vmax.f32 v5, v54;
	v6 =	vmax.f32 v6, v55  }
0x300: {  	v3 =	vmax.f32 v3, v56;
	v19 =	vadd.f32 v19, v18;
	v22 =	vadd.f32 v22, v21  }
0x301: {  	v4 =	vmax.f32 v4, v57;
	v5 =	vmax.f32 v5, v58;
	v6 =	vmax.f32 v6, v61  }
0x302: {  	v3 =	vmax.f32 v3, v4;
	v23 =	vmax.f32 v5, v6;
	v7 =	vadd.f32 v22, v19  }
0x303: {  	v3 =	vmax.f32 v3, v23  }
0x304: {  	[tilespmem:s0+$0x19D50] =	vst v3;
	v8 =	vmul.f32 $6.250000000e-02, v7  }
0x305: {  	[tilespmem:s0+$0x19DD0] =	vst v7  }
0x306: {  	[tilespmem:s0+$0x19CD0] =	vst v8  }
0x307: {  	v3 =	vld [tilespmem:s31+$0xFFFFFC60]  }
0x308: {  	v24 =	vld [tilespmem:s31+$0xFFFFFCE0]  }
0x309: {  	v25 =	vld [tilespmem:s31+$0xFFFFFD60]  }
0x30a: {  	v26 =	vld [tilespmem:s31+$0xFFFFFDE0]  }
0x30b: {  	v7 =	vld [tilespmem:s31+$0xFFFFFE60]  }
0x30c: {  	v8 =	vld [tilespmem:s31+$0xFFFFFEE0]  }
0x30d: {  	v27 =	vld [tilespmem:s31+$0xFFFFFF60]  }
0x30e: {  	v28 =	vld [tilespmem:s31+$0xFFFFFFE0]  }
0x30f: {  	v29 =	vld [tilespmem:s31+$0x60]  }
0x310: {  	v30 =	vld [tilespmem:s31+$0xE0]  }
0x311: {  	v31 =	vld [tilespmem:s31+$0x160]  }
0x312: {  	v32 =	vld [tilespmem:s31+$0x1E0]  }
0x313: {  	v33 =	vld [tilespmem:s31+$0x260]  }
0x314: {  	v34 =	vld [tilespmem:s31+$0x2E0]  }
0x315: {  	v35 =	vld [tilespmem:s31+$0x360]  }
0x316: {  	v38 =	vld [tilespmem:s31+$0x3E0];
	v36 =	vadd.f32 v7, v3;
	v37 =	vadd.f32 v8, v24  }
0x317: {  	v39 =	vadd.f32 v27, v25;
	v40 =	vadd.f32 v28, v26;
	v3 =	vmax.f32 v3, v7  }
0x318: {  	v4 =	vmax.f32 v24, v8;
	v18 =	vadd.f32 v29, v36;
	v19 =	vadd.f32 v30, v37  }
0x319: {  	v5 =	vmax.f32 v25, v27;
	v21 =	vadd.f32 v31, v39;
	v22 =	vadd.f32 v32, v40  }
0x31a: {  	v6 =	vmax.f32 v26, v28;
	v18 =	vadd.f32 v33, v18;
	v19 =	vadd.f32 v34, v19  }
0x31b: {  	v3 =	vmax.f32 v3, v29;
	v21 =	vadd.f32 v35, v21;
	v22 =	vadd.f32 v38, v22  }
0x31c: {  	v4 =	vmax.f32 v4, v30;
	v5 =	vmax.f32 v5, v31;
	v6 =	vmax.f32 v6, v32  }
0x31d: {  	v3 =	vmax.f32 v3, v33;
	v41 =	vadd.f32 v19, v18;
	v42 =	vadd.f32 v22, v21  }
0x31e: {  	v4 =	vmax.f32 v4, v34;
	v5 =	vmax.f32 v5, v35;
	v6 =	vmax.f32 v6, v38  }
0x31f: {  	v3 =	vmax.f32 v3, v4;
	v43 =	vmax.f32 v5, v6;
	v7 =	vadd.f32 v42, v41  }
0x320: {  	v3 =	vmax.f32 v3, v43  }
0x321: {  	[tilespmem:s0+$0x19D60] =	vst v3;
	v8 =	vmul.f32 $6.250000000e-02, v7  }
0x322: {  	[tilespmem:s0+$0x19DE0] =	vst v7  }
0x323: {  	[tilespmem:s0+$0x19CE0] =	vst v8  }
0x324: {  	v3 =	vld [tilespmem:s31+$0xFFFFFC70]  }
0x325: {  	v44 =	vld [tilespmem:s31+$0xFFFFFCF0]  }
0x326: {  	v45 =	vld [tilespmem:s31+$0xFFFFFD70]  }
0x327: {  	v46 =	vld [tilespmem:s31+$0xFFFFFDF0]  }
0x328: {  	v7 =	vld [tilespmem:s31+$0xFFFFFE70]  }
0x329: {  	v8 =	vld [tilespmem:s31+$0xFFFFFEF0]  }
0x32a: {  	v47 =	vld [tilespmem:s31+$0xFFFFFF70]  }
0x32b: {  	v48 =	vld [tilespmem:s31+$0xFFFFFFF0]  }
0x32c: {  	v49 =	vld [tilespmem:s31+$0x70]  }
0x32d: {  	v50 =	vld [tilespmem:s31+$0xF0]  }
0x32e: {  	v51 =	vld [tilespmem:s31+$0x170]  }
0x32f: {  	v52 =	vld [tilespmem:s31+$0x1F0]  }
0x330: {  	v53 =	vld [tilespmem:s31+$0x270]  }
0x331: {  	v54 =	vld [tilespmem:s31+$0x2F0]  }
0x332: {  	v55 =	vld [tilespmem:s31+$0x370]  }
0x333: {  	v58 =	vld [tilespmem:s31+$0x3F0];
	v56 =	vadd.f32 v7, v3;
	v57 =	vadd.f32 v8, v44  }
0x334: {  	v59 =	vadd.f32 v47, v45;
	v60 =	vadd.f32 v48, v46;
	v3 =	vmax.f32 v3, v7  }
0x335: {  	v4 =	vmax.f32 v44, v8;
	v18 =	vadd.f32 v49, v56;
	v19 =	vadd.f32 v50, v57  }
0x336: {  	v5 =	vmax.f32 v45, v47;
	v21 =	vadd.f32 v51, v59;
	v22 =	vadd.f32 v52, v60  }
0x337: {  	v6 =	vmax.f32 v46, v48;
	v18 =	vadd.f32 v53, v18;
	v19 =	vadd.f32 v54, v19  }
0x338: {  	v3 =	vmax.f32 v3, v49;
	v21 =	vadd.f32 v55, v21;
	v22 =	vadd.f32 v58, v22  }
0x339: {  	v4 =	vmax.f32 v4, v50;
	v5 =	vmax.f32 v5, v51;
	v6 =	vmax.f32 v6, v52  }
0x33a: {  	v3 =	vmax.f32 v3, v53;
	v61 =	vadd.f32 v19, v18;
	v62 =	vadd.f32 v22, v21  }
0x33b: {  	p1 =	sne.s32 s30, $0x2A00;
	v4 =	vmax.f32 v4, v54;
	v5 =	vmax.f32 v5, v55;
	v6 =	vmax.f32 v6, v58  }
.Ltmp17:
0x33c: {  	v3 =	vmax.f32 v3, v4;
	v63 =	vmax.f32 v5, v6;
	v7 =	vadd.f32 v62, v61;
	(pc) =	sbr.rel @p1 .LBB2_30-.Ltmp17, $4  }
0x33d: {  	v3 =	vmax.f32 v3, v63  }
0x33e: {  	[tilespmem:s0+$0x19D70] =	vst v3;
	v8 =	vmul.f32 $6.250000000e-02, v7  }
0x33f: {  	[tilespmem:s0+$0x19DF0] =	vst v7  }
0x340: {  	s30 =	sadd.s32 $0x600, s30;
	s31 =	sadd.s32 $0x800, s31;
	[tilespmem:s0+$0x19CF0] =	vst v8  }
0x341: {  	s28 =	sadd.s32 $0x1, s28  }
0x342: {  	p1 =	sne.s32 s28, $0x20  }
.Ltmp18:
0x343: {  	_ = 	snop;
	(pc) =	sbr.rel @p1 .LBB2_14-.Ltmp18, $4  }
0x344: {  	_ = 	snop  }
0x345: {  	s0 =	sadd.s32 s29, s4  }
0x346: {  	s0 =	sadd.s32 $0x10, s0  }
0x347: {  	[hbm4b:s0+s14] =	stream.strided.scatter [tilespmem:s23], [sflag:$0x4], $0xC00, s15, s14, $0x38;
	[tilespmem:$0x1B080] =	vst v63  }
0x348: {  	s25 =	sadd.s32 $0x1, s25  }
0x349: {  	_ =	swait.ge [sflag:s24], $0xC00;
	p1 =	sne.s32 s25, s10  }
.Ltmp19:
0x34a: {  	[sflag:s24] =	ssyncset.done $0x0;
	(pc) =	sbr.rel @p1 .LBB2_1-.Ltmp19, $4  }
0x34b: {  	[sflag:s24] =	ssyncadd.s32 $0xFFFFF400  }
0x34c: {  	_ =	swait.ge [sflag:s22], $0xC00  }
0x34d: {  	[sflag:s22] =	ssyncset.done $0x0  }
0x34e: {  	[sflag:s22] =	ssyncadd.s32 $0xFFFFF400  }
0x34f: {  	_ =	sfence.sel $0x180000  }
0x350: {  	[bflag:$0x0] =	sbarrier.arrive $0xFFFF  }
0x351: {  	_ =	strace $0x90000047  }
0x352: {  	[bflag:$0x2] =	sbarrier.arrive $0xFFFF  }
0x353: {  	s0 =	rddreg [dreg:$0x4]  }
0x354: {  	s0 =	sadd.s32 @!p0 $0x100000, s0  }
0x355: {  	[sflag:s0] =	ssyncadd.tile.s32 @!p0 $0x1;
	_ =	shalt  }
.Lfunc_end2:
_tile_overlayer_lowered:
.L_overlay_start_2:
0x356: {  	(tag) =	ssettag $0x2  }
0x357: {  	s0 =	rddreg [dreg:$0x0];
	s2 =	stileid.u32  }
0x358: {  	s1 =	rddreg [dreg:$0x1];
	p0 =	sne.s32 s2, $0x0  }
0x359: {  	s3 =	rddreg [dreg:$0x2];
	[bflag:$0x3] =	sbarrier.arrive $0xFFFF;
	s2 =	simm.s32 @!p0 $0x1C05  }
0x35a: {  	[timem:s3], [sflag:s2] =	dma.local @!p0 [hbm:s0], s1  }
0x35b: {  	s0 =	simm.s32 @!p0 $0x5  }
0x35c: {  	_ =	swait.ge @!p0 [sflag:s0], s1  }
0x35d: {  	s1 =	ssub.s32 @!p0 $0x0, s1;
	[sflag:s0] =	ssyncset.done @!p0 $0x0  }
0x35e: {  	[sflag:s0] =	ssyncadd.s32 @!p0 s1  }
0x35f: {  	[bflag:$0x3] =	sbarrier.arrive $0xFFFF  }
0x360: {  	_ =	shalt  }

</sc_bundles>
